<compile_context>
chip_gen: v7x
topology: tpu7x:2x2x1
jax: 0.10.2.dev20260603
libtpu: 0.0.44.dev20260713+nightly
codegen_flags: <defaults>
</compile_context>

<pallas_src>
import functools

import jax
import jax.numpy as jnp
from jax import lax
from jax.experimental import pallas as pl
from jax.experimental.pallas import tpu as pltpu
from jax.experimental.pallas import tpu_sc as plsc

_NUM_WORKERS = 32
_TSLAB = 40
_TSUB = 4


@functools.lru_cache(maxsize=None)
def _make_sc_gather(S, T, V, D):
    IPW = S // _NUM_WORKERS
    n_slabs = T // _TSLAB
    n_subs = _TSLAB // _TSUB
    n_pairs = n_subs // 2
    rows_per_sub = _TSUB * IPW
    vpt = IPW // 16
    mesh = plsc.VectorSubcoreMesh(core_axis_name="c", subcore_axis_name="s")

    @functools.partial(
        pl.kernel,
        mesh=mesh,
        out_type=jax.ShapeDtypeStruct((T, 2, S // 128, 8, 128), jnp.int32),
        scratch_types=[
            pltpu.VMEM((IPW, _TSLAB), jnp.int32),
            [pltpu.VMEM((rows_per_sub,), jnp.int32)] * 2,
            [pltpu.VMEM((rows_per_sub, D), jnp.bfloat16)] * 2,
            [pltpu.VMEM((2, 5, 8, 129), jnp.int32)] * 2,
            [pltpu.SemaphoreType.DMA] * 2,
            [pltpu.SemaphoreType.DMA] * 2,
        ],
        compiler_params=pltpu.CompilerParams(
            use_tc_tiling_on_sc=False, needs_layout_passes=False
        ),
    )
    def sc_kernel(ids_hbm, table_hbm, out_hbm, slab_v, gidxs, rowss,
                  stgs, gsems, wsems):
        wid = lax.axis_index("s") * 2 + lax.axis_index("c")
        i0 = wid * IPW
        hi0 = wid * (IPW // 128)
        iota = lax.iota(jnp.int32, 16)
        i_dpt = iota // 8
        i_dp8 = lax.rem(iota, 8)

        def build(g, sub_local):
            def bloop(k4, c):
                for u in range(4):
                    k = k4 * 4 + u
                    t_local = sub_local * _TSUB + k // vpt
                    i_base = lax.rem(k, vpt) * 16
                    vals = plsc.load_gather(
                        slab_v, [i_base + iota, iota * 0 + t_local])
                    gidxs[g][pl.ds(k * 16, 16)] = vals
                return c

            lax.fori_loop(0, rows_per_sub // 16 // 4, bloop, 0)

        def gather_start(g):
            pltpu.async_copy(table_hbm.at[gidxs[g]], rowss[g], gsems[g])

        def gather_wait(g):
            pltpu.make_async_copy(
                table_hbm.at[gidxs[g]], rowss[g], gsems[g]).wait()

        def drain(g, sub_global):
            for tt in range(_TSUB):
                b = tt % 2
                t_g = sub_global * _TSUB + tt
                if tt >= 2:
                    pltpu.make_async_copy(
                        stgs[b].at[:, pl.ds(0, 4), :, pl.ds(0, 128)],
                        out_hbm.at[t_g - 2, :, pl.ds(hi0, 4), :, :],
                        wsems[b],
                    ).wait()

                def xpose(r8, c):
                    hi = (r8 * 8) // 128
                    il_base = lax.rem(r8 * 8, 128)
                    for u in range(8):
                        r = r8 * 8 + u
                        v32 = rowss[g][tt * IPW + r, :]
                        w16 = plsc.bitcast(v32, jnp.int32)
                        plsc.store_scatter(
                            stgs[b],
                            [i_dpt, iota * 0 + hi, i_dp8,
                             iota * 0 + (il_base + u)],
                            w16,
                        )
                    return c

                lax.fori_loop(0, IPW // 8, xpose, 0)
                pltpu.async_copy(
                    stgs[b].at[:, pl.ds(0, 4), :, pl.ds(0, 128)],
                    out_hbm.at[t_g, :, pl.ds(hi0, 4), :, :],
                    wsems[b],
                )
            for tt in range(2, 4):
                b = tt % 2
                t_g = sub_global * _TSUB + tt
                pltpu.make_async_copy(
                    stgs[b].at[:, pl.ds(0, 4), :, pl.ds(0, 128)],
                    out_hbm.at[t_g, :, pl.ds(hi0, 4), :, :],
                    wsems[b],
                ).wait()

        def do_slab(slab_i, carry):
            pltpu.sync_copy(
                ids_hbm.at[pl.ds(i0, IPW), pl.ds(slab_i * _TSLAB, _TSLAB)],
                slab_v,
            )
            t_base = slab_i * n_subs

            def do_pair(sp, carry2):
                build(0, 2 * sp)
                gather_start(0)
                build(1, 2 * sp + 1)
                gather_start(1)
                gather_wait(0)
                drain(0, t_base + 2 * sp)
                gather_wait(1)
                drain(1, t_base + 2 * sp + 1)
                return carry2

            lax.fori_loop(0, n_pairs, do_pair, 0)
            return carry

        lax.fori_loop(0, n_slabs, do_slab, 0)

    return sc_kernel


@functools.lru_cache(maxsize=None)
def _make_tc_pairsplit(S, T, D):
    def body(x_ref, z_ref):
        x = x_ref[...]
        xu = lax.bitcast_convert_type(x, jnp.uint32)
        lo = (xu & jnp.uint32(0xFFFF)).astype(jnp.uint16)
        hi = (xu >> jnp.uint32(16)).astype(jnp.uint16)
        y = jnp.concatenate([lo[:, :, None, :], hi[:, :, None, :]], axis=2)
        z_ref[...] = lax.bitcast_convert_type(
            y.reshape(2, D, S), jnp.bfloat16)

    return pl.pallas_call(
        body,
        grid=(T // 2,),
        in_specs=[pl.BlockSpec((2, D // 2, S), lambda i: (i, 0, 0))],
        out_specs=pl.BlockSpec((2, D, S), lambda i: (i, 0, 0)),
        out_shape=jax.ShapeDtypeStruct((T, D, S), jnp.bfloat16),
    )


def kernel(ids, weight):
    S, T = ids.shape
    V, D = weight.shape
    ids = ids.astype(jnp.int32)
    o = _make_sc_gather(S, T, V, D)(ids, weight)
    oo = o.transpose(0, 1, 3, 2, 4).reshape(T, D // 2, S)
    z = _make_tc_pairsplit(S, T, D)(oo)
    return jnp.transpose(z, (2, 0, 1))

# --- scband reference (transcript-rebuilt; emitter-appended) ---
"""Pipeline reference for scband-embedding-60911226192353 (READ-ONLY COPY).

The authoritative reference and input builder live on the scoring server;
editing this copy changes nothing except your own understanding.
"""

import jax, jax.numpy as jnp
import numpy as np

VOCAB = 1000000
DIM = 32
BF16 = jnp.bfloat16

def setup_inputs(seed: int = 0) -> dict:
    key = jax.random.key(seed)
    k_w, k_ids = jax.random.split(key)
    w = jax.random.truncated_normal(k_w, lower=-2.0, upper=2.0, shape=(VOCAB, DIM))
    weight = (w * 0.02).astype(BF16)
    ids = jax.random.randint(k_ids, (16384, 200), 0, VOCAB, dtype=jnp.int64)
    return {"ids": ids, "weight": weight}

def reference(ids, weight):
    return jnp.take(weight, ids, axis=0).astype(BF16)

if __name__ == "__main__":
    import jax
    _d = setup_inputs()
    print(jax.jit(kernel)(*tuple(_d.values())))

</pallas_src>

<mosaic_0001>
#map = affine_map<(d0, d1) -> (0, 0)>
#map1 = affine_map<(d0, d1) -> (0, 0, 0, 0, 0)>
module attributes {stable_mosaic.version = 14 : i64} {
  func.func @sc_kernel(%arg0: i32, %arg1: i32, %arg2: memref<16384x200xi32, #tpu.memory_space<hbm>>, %arg3: memref<1000000x32xbf16, #tpu.memory_space<hbm>>, %arg4: memref<200x2x128x8x128xi32, #tpu.memory_space<hbm>>, %arg5: memref<512x40xi32, #tpu.memory_space<vmem>>, %arg6: memref<2048xi32, #tpu.memory_space<vmem>>, %arg7: memref<2048xi32, #tpu.memory_space<vmem>>, %arg8: memref<2048x32xbf16, #tpu.memory_space<vmem>>, %arg9: memref<2048x32xbf16, #tpu.memory_space<vmem>>, %arg10: memref<2x5x8x129xi32, #tpu.memory_space<vmem>>, %arg11: memref<2x5x8x129xi32, #tpu.memory_space<vmem>>, %arg12: memref<!tpu.dma_semaphore, #tpu.memory_space<semaphore_mem>>, %arg13: memref<!tpu.dma_semaphore, #tpu.memory_space<semaphore_mem>>, %arg14: memref<!tpu.dma_semaphore, #tpu.memory_space<semaphore_mem>>, %arg15: memref<!tpu.dma_semaphore, #tpu.memory_space<semaphore_mem>>) attributes {dimension_semantics = [#tpu.dimension_semantics<core_parallel>, #tpu.dimension_semantics<subcore_parallel>], iteration_bounds = array<i64: 2, 16>, scalar_prefetch = 0 : i64, scratch_operands = 11 : i64, tpu.core_type = #tpu.core_type<sc_vector_subcore>, window_params = [{transform_indices = #map}, {transform_indices = #map}, {transform_indices = #map1}]} {
    %mul3A = arith.constant 2 : i32
    %mul3A_0 = arith.muli %arg1, %mul3A : i32
    %add3A = arith.addi %mul3A_0, %arg0 : i32
    %mul3A_1 = arith.constant 512 : i32
    %mul3A_2 = arith.muli %add3A, %mul3A_1 : i32
    %mul3A_3 = arith.constant 4 : i32
    %mul3A_4 = arith.muli %add3A, %mul3A_3 : i32
    %iota3A = tpu.iota {dimensions = array<i32: 0>} : vector<16xi32>
    %jit3A = arith.constant 8 : i32
    %div3A = vector.broadcast %jit3A : i32 to vector<16xi32>
    %div3A_5 = arith.divsi %iota3A, %div3A : vector<16xi32>
    %sign3A = arith.constant 0 : i32
    %sign3A_6 = vector.broadcast %sign3A : i32 to vector<16xi32>
    %sign3A_7 = arith.cmpi sgt, %iota3A, %sign3A_6 : vector<16xi32>
    %sign3A_8 = arith.extui %sign3A_7 : vector<16xi1> to vector<16xi32>
    %sign3A_9 = arith.constant 0 : i32
    %sign3A_10 = vector.broadcast %sign3A_9 : i32 to vector<16xi32>
    %sign3A_11 = arith.cmpi slt, %iota3A, %sign3A_10 : vector<16xi32>
    %sign3A_12 = arith.extui %sign3A_11 : vector<16xi1> to vector<16xi32>
    %sign3A_13 = arith.subi %sign3A_8, %sign3A_12 : vector<16xi32>
    %sign3A_14 = arith.constant 0 : i32
    %sign3A_15 = arith.cmpi sgt, %jit3A, %sign3A_14 : i32
    %sign3A_16 = arith.extui %sign3A_15 : i1 to i32
    %sign3A_17 = arith.constant 0 : i32
    %sign3A_18 = arith.cmpi slt, %jit3A, %sign3A_17 : i32
    %sign3A_19 = arith.extui %sign3A_18 : i1 to i32
    %sign3A_20 = arith.subi %sign3A_16, %sign3A_19 : i32
    %ne3A = vector.broadcast %sign3A_20 : i32 to vector<16xi32>
    %ne3A_21 = arith.cmpi ne, %sign3A_13, %ne3A : vector<16xi32>
    %rem3A = vector.broadcast %jit3A : i32 to vector<16xi32>
    %rem3A_22 = arith.remsi %iota3A, %rem3A : vector<16xi32>
    %ne3A_23 = arith.constant 0 : i32
    %ne3A_24 = vector.broadcast %ne3A_23 : i32 to vector<16xi32>
    %ne3A_25 = arith.cmpi ne, %rem3A_22, %ne3A_24 : vector<16xi32>
    %and3A = arith.andi %ne3A_21, %ne3A_25 : vector<16xi1>
    %sub3A = arith.constant 1 : i32
    %sub3A_26 = vector.broadcast %sub3A : i32 to vector<16xi32>
    %sub3A_27 = arith.subi %div3A_5, %sub3A_26 : vector<16xi32>
    %select_n3A = arith.select %and3A, %sub3A_27, %div3A_5 : vector<16xi1>, vector<16xi32>
    %rem3A_28 = arith.constant 8 : i32
    %rem3A_29 = vector.broadcast %rem3A_28 : i32 to vector<16xi32>
    %rem3A_30 = arith.remsi %iota3A, %rem3A_29 : vector<16xi32>
    %scan3A = arith.constant 0 : i32
    %scan3A_31 = arith.constant 0 : i32
    %scan3A_32 = arith.constant 5 : i32
    %scan3A_33 = arith.addi %scan3A_31, %scan3A_32 : i32
    %scan3A_34 = arith.constant 1 : i32
    scf.for %scan3A_36 = %scan3A_31 to %scan3A_33 step %scan3A_34  : i32 {
      %mul3A_37 = arith.constant 40 : i32
      %mul3A_38 = arith.muli %scan3A_36, %mul3A_37 : i32
      "tpu.region"() ({
        %run_scoped3A = tpu.sem_alloc : memref<!tpu.dma_semaphore, #tpu.memory_space<semaphore_mem>>
        %dma_start3A = tpu.memref_slice %arg2[%mul3A_2, %mul3A_38] : memref<16384x200xi32, #tpu.memory_space<hbm>> -> memref<512x40xi32, #tpu.memory_space<hbm>>
        %dma_start3A_47 = tpu.memref_slice %arg2[%mul3A_2, %mul3A_38] : memref<16384x200xi32, #tpu.memory_space<hbm>> -> memref<512x40xi32, #tpu.memory_space<hbm>>
        tpu.enqueue_dma source(%dma_start3A_47 : memref<512x40xi32, #tpu.memory_space<hbm>>) target(%arg5 : memref<512x40xi32, #tpu.memory_space<vmem>>) target_semaphore(%run_scoped3A : memref<!tpu.dma_semaphore, #tpu.memory_space<semaphore_mem>>)
        %dma_wait3A = tpu.memref_slice %arg2[%mul3A_2, %mul3A_38] : memref<16384x200xi32, #tpu.memory_space<hbm>> -> memref<512x40xi32, #tpu.memory_space<hbm>>
        %dma_wait3A_48 = tpu.memref_slice %arg2[%mul3A_2, %mul3A_38] : memref<16384x200xi32, #tpu.memory_space<hbm>> -> memref<512x40xi32, #tpu.memory_space<hbm>>
        tpu.wait_dma2 semaphore(%run_scoped3A : memref<!tpu.dma_semaphore, #tpu.memory_space<semaphore_mem>>) src(%dma_wait3A_48 : memref<512x40xi32, #tpu.memory_space<hbm>>) dst(%arg5 : memref<512x40xi32, #tpu.memory_space<vmem>>)
        tpu.yield
      }) : () -> ()
      %mul3A_39 = arith.constant 10 : i32
      %mul3A_40 = arith.muli %scan3A_36, %mul3A_39 : i32
      %scan3A_41 = arith.constant 0 : i32
      %scan3A_42 = arith.constant 0 : i32
      %scan3A_43 = arith.constant 5 : i32
      %scan3A_44 = arith.addi %scan3A_42, %scan3A_43 : i32
      %scan3A_45 = arith.constant 1 : i32
      scf.for %scan3A_47 = %scan3A_42 to %scan3A_44 step %scan3A_45  : i32 {
        %mul3A_48 = arith.constant 2 : i32
        %mul3A_49 = arith.muli %mul3A_48, %scan3A_47 : i32
        %scan3A_50 = arith.constant 0 : i32
        %scan3A_51 = arith.constant 0 : i32
        %scan3A_52 = arith.constant 32 : i32
        %scan3A_53 = arith.addi %scan3A_51, %scan3A_52 : i32
        %scan3A_54 = arith.constant 1 : i32
        scf.for %scan3A_508 = %scan3A_51 to %scan3A_53 step %scan3A_54  : i32 {
          %mul3A_509 = arith.constant 4 : i32
          %mul3A_510 = arith.muli %scan3A_508, %mul3A_509 : i32
          %add3A_511 = arith.constant 0 : i32
          %add3A_512 = arith.addi %mul3A_510, %add3A_511 : i32
          %mul3A_513 = arith.constant 4 : i32
          %mul3A_514 = arith.muli %mul3A_49, %mul3A_513 : i32
          %jit3A_515 = arith.constant 32 : i32
          %div3A_516 = arith.divsi %add3A_512, %jit3A_515 : i32
          %sign3A_517 = arith.constant 0 : i32
          %sign3A_518 = arith.cmpi sgt, %add3A_512, %sign3A_517 : i32
          %sign3A_519 = arith.extui %sign3A_518 : i1 to i32
          %sign3A_520 = arith.constant 0 : i32
          %sign3A_521 = arith.cmpi slt, %add3A_512, %sign3A_520 : i32
          %sign3A_522 = arith.extui %sign3A_521 : i1 to i32
          %sign3A_523 = arith.subi %sign3A_519, %sign3A_522 : i32
          %sign3A_524 = arith.constant 0 : i32
          %sign3A_525 = arith.cmpi sgt, %jit3A_515, %sign3A_524 : i32
          %sign3A_526 = arith.extui %sign3A_525 : i1 to i32
          %sign3A_527 = arith.constant 0 : i32
          %sign3A_528 = arith.cmpi slt, %jit3A_515, %sign3A_527 : i32
          %sign3A_529 = arith.extui %sign3A_528 : i1 to i32
          %sign3A_530 = arith.subi %sign3A_526, %sign3A_529 : i32
          %ne3A_531 = arith.cmpi ne, %sign3A_523, %sign3A_530 : i32
          %rem3A_532 = arith.remsi %add3A_512, %jit3A_515 : i32
          %ne3A_533 = arith.constant 0 : i32
          %ne3A_534 = arith.cmpi ne, %rem3A_532, %ne3A_533 : i32
          %and3A_535 = arith.andi %ne3A_531, %ne3A_534 : i1
          %sub3A_536 = arith.constant 1 : i32
          %sub3A_537 = arith.subi %div3A_516, %sub3A_536 : i32
          %select_n3A_538 = arith.select %and3A_535, %sub3A_537, %div3A_516 : i32
          %add3A_539 = arith.addi %mul3A_514, %select_n3A_538 : i32
          %rem3A_540 = arith.constant 32 : i32
          %rem3A_541 = arith.remsi %add3A_512, %rem3A_540 : i32
          %mul3A_542 = arith.constant 16 : i32
          %mul3A_543 = arith.muli %rem3A_541, %mul3A_542 : i32
          %add3A_544 = vector.broadcast %mul3A_543 : i32 to vector<16xi32>
          %add3A_545 = arith.addi %add3A_544, %iota3A : vector<16xi32>
          %mul3A_546 = arith.constant 0 : i32
          %mul3A_547 = vector.broadcast %mul3A_546 : i32 to vector<16xi32>
          %mul3A_548 = arith.muli %iota3A, %mul3A_547 : vector<16xi32>
          %add3A_549 = vector.broadcast %add3A_539 : i32 to vector<16xi32>
          %add3A_550 = arith.addi %mul3A_548, %add3A_549 : vector<16xi32>
          %gather3A = tpu.vector_load_idx %arg5[%add3A_545, %add3A_550] : memref<512x40xi32, #tpu.memory_space<vmem>>[vector<16xi32>, vector<16xi32>], vector<16xi32>,
          %mul3A_551 = arith.constant 16 : i32
          %mul3A_552 = arith.muli %add3A_512, %mul3A_551 : i32
          %swap3A = arith.index_cast %mul3A_552 : i32 to index
          %swap3A_553 = tpu.vector_load %arg6[%swap3A] {strides = array<i32>} : memref<2048xi32, #tpu.memory_space<vmem>>, vector<16xi32>,
          tpu.vector_store %arg6[%swap3A], %gather3A {strides = array<i32>} : memref<2048xi32, #tpu.memory_space<vmem>>, vector<16xi32>,
          %mul3A_554 = arith.constant 4 : i32
          %mul3A_555 = arith.muli %scan3A_508, %mul3A_554 : i32
          %add3A_556 = arith.constant 1 : i32
          %add3A_557 = arith.addi %mul3A_555, %add3A_556 : i32
          %mul3A_558 = arith.constant 4 : i32
          %mul3A_559 = arith.muli %mul3A_49, %mul3A_558 : i32
          %jit3A_560 = arith.constant 32 : i32
          %div3A_561 = arith.divsi %add3A_557, %jit3A_560 : i32
          %sign3A_562 = arith.constant 0 : i32
          %sign3A_563 = arith.cmpi sgt, %add3A_557, %sign3A_562 : i32
          %sign3A_564 = arith.extui %sign3A_563 : i1 to i32
          %sign3A_565 = arith.constant 0 : i32
          %sign3A_566 = arith.cmpi slt, %add3A_557, %sign3A_565 : i32
          %sign3A_567 = arith.extui %sign3A_566 : i1 to i32
          %sign3A_568 = arith.subi %sign3A_564, %sign3A_567 : i32
          %sign3A_569 = arith.constant 0 : i32
          %sign3A_570 = arith.cmpi sgt, %jit3A_560, %sign3A_569 : i32
          %sign3A_571 = arith.extui %sign3A_570 : i1 to i32
          %sign3A_572 = arith.constant 0 : i32
          %sign3A_573 = arith.cmpi slt, %jit3A_560, %sign3A_572 : i32
          %sign3A_574 = arith.extui %sign3A_573 : i1 to i32
          %sign3A_575 = arith.subi %sign3A_571, %sign3A_574 : i32
          %ne3A_576 = arith.cmpi ne, %sign3A_568, %sign3A_575 : i32
          %rem3A_577 = arith.remsi %add3A_557, %jit3A_560 : i32
          %ne3A_578 = arith.constant 0 : i32
          %ne3A_579 = arith.cmpi ne, %rem3A_577, %ne3A_578 : i32
          %and3A_580 = arith.andi %ne3A_576, %ne3A_579 : i1
          %sub3A_581 = arith.constant 1 : i32
          %sub3A_582 = arith.subi %div3A_561, %sub3A_581 : i32
          %select_n3A_583 = arith.select %and3A_580, %sub3A_582, %div3A_561 : i32
          %add3A_584 = arith.addi %mul3A_559, %select_n3A_583 : i32
          %rem3A_585 = arith.constant 32 : i32
          %rem3A_586 = arith.remsi %add3A_557, %rem3A_585 : i32
          %mul3A_587 = arith.constant 16 : i32
          %mul3A_588 = arith.muli %rem3A_586, %mul3A_587 : i32
          %add3A_589 = vector.broadcast %mul3A_588 : i32 to vector<16xi32>
          %add3A_590 = arith.addi %add3A_589, %iota3A : vector<16xi32>
          %mul3A_591 = arith.constant 0 : i32
          %mul3A_592 = vector.broadcast %mul3A_591 : i32 to vector<16xi32>
          %mul3A_593 = arith.muli %iota3A, %mul3A_592 : vector<16xi32>
          %add3A_594 = vector.broadcast %add3A_584 : i32 to vector<16xi32>
          %add3A_595 = arith.addi %mul3A_593, %add3A_594 : vector<16xi32>
          %gather3A_596 = tpu.vector_load_idx %arg5[%add3A_590, %add3A_595] : memref<512x40xi32, #tpu.memory_space<vmem>>[vector<16xi32>, vector<16xi32>], vector<16xi32>,
          %mul3A_597 = arith.constant 16 : i32
          %mul3A_598 = arith.muli %add3A_557, %mul3A_597 : i32
          %swap3A_599 = arith.index_cast %mul3A_598 : i32 to index
          %swap3A_600 = tpu.vector_load %arg6[%swap3A_599] {strides = array<i32>} : memref<2048xi32, #tpu.memory_space<vmem>>, vector<16xi32>,
          tpu.vector_store %arg6[%swap3A_599], %gather3A_596 {strides = array<i32>} : memref<2048xi32, #tpu.memory_space<vmem>>, vector<16xi32>,
          %mul3A_601 = arith.constant 4 : i32
          %mul3A_602 = arith.muli %scan3A_508, %mul3A_601 : i32
          %add3A_603 = arith.constant 2 : i32
          %add3A_604 = arith.addi %mul3A_602, %add3A_603 : i32
          %mul3A_605 = arith.constant 4 : i32
          %mul3A_606 = arith.muli %mul3A_49, %mul3A_605 : i32
          %jit3A_607 = arith.constant 32 : i32
          %div3A_608 = arith.divsi %add3A_604, %jit3A_607 : i32
          %sign3A_609 = arith.constant 0 : i32
          %sign3A_610 = arith.cmpi sgt, %add3A_604, %sign3A_609 : i32
          %sign3A_611 = arith.extui %sign3A_610 : i1 to i32
          %sign3A_612 = arith.constant 0 : i32
          %sign3A_613 = arith.cmpi slt, %add3A_604, %sign3A_612 : i32
          %sign3A_614 = arith.extui %sign3A_613 : i1 to i32
          %sign3A_615 = arith.subi %sign3A_611, %sign3A_614 : i32
          %sign3A_616 = arith.constant 0 : i32
          %sign3A_617 = arith.cmpi sgt, %jit3A_607, %sign3A_616 : i32
          %sign3A_618 = arith.extui %sign3A_617 : i1 to i32
          %sign3A_619 = arith.constant 0 : i32
          %sign3A_620 = arith.cmpi slt, %jit3A_607, %sign3A_619 : i32
          %sign3A_621 = arith.extui %sign3A_620 : i1 to i32
          %sign3A_622 = arith.subi %sign3A_618, %sign3A_621 : i32
          %ne3A_623 = arith.cmpi ne, %sign3A_615, %sign3A_622 : i32
          %rem3A_624 = arith.remsi %add3A_604, %jit3A_607 : i32
          %ne3A_625 = arith.constant 0 : i32
          %ne3A_626 = arith.cmpi ne, %rem3A_624, %ne3A_625 : i32
          %and3A_627 = arith.andi %ne3A_623, %ne3A_626 : i1
          %sub3A_628 = arith.constant 1 : i32
          %sub3A_629 = arith.subi %div3A_608, %sub3A_628 : i32
          %select_n3A_630 = arith.select %and3A_627, %sub3A_629, %div3A_608 : i32
          %add3A_631 = arith.addi %mul3A_606, %select_n3A_630 : i32
          %rem3A_632 = arith.constant 32 : i32
          %rem3A_633 = arith.remsi %add3A_604, %rem3A_632 : i32
          %mul3A_634 = arith.constant 16 : i32
          %mul3A_635 = arith.muli %rem3A_633, %mul3A_634 : i32
          %add3A_636 = vector.broadcast %mul3A_635 : i32 to vector<16xi32>
          %add3A_637 = arith.addi %add3A_636, %iota3A : vector<16xi32>
          %mul3A_638 = arith.constant 0 : i32
          %mul3A_639 = vector.broadcast %mul3A_638 : i32 to vector<16xi32>
          %mul3A_640 = arith.muli %iota3A, %mul3A_639 : vector<16xi32>
          %add3A_641 = vector.broadcast %add3A_631 : i32 to vector<16xi32>
          %add3A_642 = arith.addi %mul3A_640, %add3A_641 : vector<16xi32>
          %gather3A_643 = tpu.vector_load_idx %arg5[%add3A_637, %add3A_642] : memref<512x40xi32, #tpu.memory_space<vmem>>[vector<16xi32>, vector<16xi32>], vector<16xi32>,
          %mul3A_644 = arith.constant 16 : i32
          %mul3A_645 = arith.muli %add3A_604, %mul3A_644 : i32
          %swap3A_646 = arith.index_cast %mul3A_645 : i32 to index
          %swap3A_647 = tpu.vector_load %arg6[%swap3A_646] {strides = array<i32>} : memref<2048xi32, #tpu.memory_space<vmem>>, vector<16xi32>,
          tpu.vector_store %arg6[%swap3A_646], %gather3A_643 {strides = array<i32>} : memref<2048xi32, #tpu.memory_space<vmem>>, vector<16xi32>,
          %mul3A_648 = arith.constant 4 : i32
          %mul3A_649 = arith.muli %scan3A_508, %mul3A_648 : i32
          %add3A_650 = arith.constant 3 : i32
          %add3A_651 = arith.addi %mul3A_649, %add3A_650 : i32
          %mul3A_652 = arith.constant 4 : i32
          %mul3A_653 = arith.muli %mul3A_49, %mul3A_652 : i32
          %jit3A_654 = arith.constant 32 : i32
          %div3A_655 = arith.divsi %add3A_651, %jit3A_654 : i32
          %sign3A_656 = arith.constant 0 : i32
          %sign3A_657 = arith.cmpi sgt, %add3A_651, %sign3A_656 : i32
          %sign3A_658 = arith.extui %sign3A_657 : i1 to i32
          %sign3A_659 = arith.constant 0 : i32
          %sign3A_660 = arith.cmpi slt, %add3A_651, %sign3A_659 : i32
          %sign3A_661 = arith.extui %sign3A_660 : i1 to i32
          %sign3A_662 = arith.subi %sign3A_658, %sign3A_661 : i32
          %sign3A_663 = arith.constant 0 : i32
          %sign3A_664 = arith.cmpi sgt, %jit3A_654, %sign3A_663 : i32
          %sign3A_665 = arith.extui %sign3A_664 : i1 to i32
          %sign3A_666 = arith.constant 0 : i32
          %sign3A_667 = arith.cmpi slt, %jit3A_654, %sign3A_666 : i32
          %sign3A_668 = arith.extui %sign3A_667 : i1 to i32
          %sign3A_669 = arith.subi %sign3A_665, %sign3A_668 : i32
          %ne3A_670 = arith.cmpi ne, %sign3A_662, %sign3A_669 : i32
          %rem3A_671 = arith.remsi %add3A_651, %jit3A_654 : i32
          %ne3A_672 = arith.constant 0 : i32
          %ne3A_673 = arith.cmpi ne, %rem3A_671, %ne3A_672 : i32
          %and3A_674 = arith.andi %ne3A_670, %ne3A_673 : i1
          %sub3A_675 = arith.constant 1 : i32
          %sub3A_676 = arith.subi %div3A_655, %sub3A_675 : i32
          %select_n3A_677 = arith.select %and3A_674, %sub3A_676, %div3A_655 : i32
          %add3A_678 = arith.addi %mul3A_653, %select_n3A_677 : i32
          %rem3A_679 = arith.constant 32 : i32
          %rem3A_680 = arith.remsi %add3A_651, %rem3A_679 : i32
          %mul3A_681 = arith.constant 16 : i32
          %mul3A_682 = arith.muli %rem3A_680, %mul3A_681 : i32
          %add3A_683 = vector.broadcast %mul3A_682 : i32 to vector<16xi32>
          %add3A_684 = arith.addi %add3A_683, %iota3A : vector<16xi32>
          %mul3A_685 = arith.constant 0 : i32
          %mul3A_686 = vector.broadcast %mul3A_685 : i32 to vector<16xi32>
          %mul3A_687 = arith.muli %iota3A, %mul3A_686 : vector<16xi32>
          %add3A_688 = vector.broadcast %add3A_678 : i32 to vector<16xi32>
          %add3A_689 = arith.addi %mul3A_687, %add3A_688 : vector<16xi32>
          %gather3A_690 = tpu.vector_load_idx %arg5[%add3A_684, %add3A_689] : memref<512x40xi32, #tpu.memory_space<vmem>>[vector<16xi32>, vector<16xi32>], vector<16xi32>,
          %mul3A_691 = arith.constant 16 : i32
          %mul3A_692 = arith.muli %add3A_651, %mul3A_691 : i32
          %swap3A_693 = arith.index_cast %mul3A_692 : i32 to index
          %swap3A_694 = tpu.vector_load %arg6[%swap3A_693] {strides = array<i32>} : memref<2048xi32, #tpu.memory_space<vmem>>, vector<16xi32>,
          tpu.vector_store %arg6[%swap3A_693], %gather3A_690 {strides = array<i32>} : memref<2048xi32, #tpu.memory_space<vmem>>, vector<16xi32>,
        }
        %scan3A_55 = arith.constant 32 : i32
        %dma_start3A = arith.constant 0 : i32
        %dma_start3A_56 = arith.constant 0 : i32
        %dma_start3A_57 = tpu.memref_slice %arg3[%dma_start3A, %dma_start3A_56] : memref<1000000x32xbf16, #tpu.memory_space<hbm>> -> memref<1000000x32xbf16, #tpu.memory_space<hbm>>
        tpu.enqueue_indirect_dma source(%dma_start3A_57 : memref<1000000x32xbf16, #tpu.memory_space<hbm>>) target(%arg8 : memref<2048x32xbf16, #tpu.memory_space<vmem>>) offsets(%arg6 : memref<2048xi32, #tpu.memory_space<vmem>>) semaphore(%arg12 : memref<!tpu.dma_semaphore, #tpu.memory_space<semaphore_mem>>)
        %mul3A_58 = arith.constant 2 : i32
        %mul3A_59 = arith.muli %mul3A_58, %scan3A_47 : i32
        %add3A_60 = arith.constant 1 : i32
        %add3A_61 = arith.addi %mul3A_59, %add3A_60 : i32
        %scan3A_62 = arith.constant 0 : i32
        %scan3A_63 = arith.constant 0 : i32
        %scan3A_64 = arith.constant 32 : i32
        %scan3A_65 = arith.addi %scan3A_63, %scan3A_64 : i32
        %scan3A_66 = arith.constant 1 : i32
        scf.for %scan3A_508 = %scan3A_63 to %scan3A_65 step %scan3A_66  : i32 {
          %mul3A_509 = arith.constant 4 : i32
          %mul3A_510 = arith.muli %scan3A_508, %mul3A_509 : i32
          %add3A_511 = arith.constant 0 : i32
          %add3A_512 = arith.addi %mul3A_510, %add3A_511 : i32
          %mul3A_513 = arith.constant 4 : i32
          %mul3A_514 = arith.muli %add3A_61, %mul3A_513 : i32
          %jit3A_515 = arith.constant 32 : i32
          %div3A_516 = arith.divsi %add3A_512, %jit3A_515 : i32
          %sign3A_517 = arith.constant 0 : i32
          %sign3A_518 = arith.cmpi sgt, %add3A_512, %sign3A_517 : i32
          %sign3A_519 = arith.extui %sign3A_518 : i1 to i32
          %sign3A_520 = arith.constant 0 : i32
          %sign3A_521 = arith.cmpi slt, %add3A_512, %sign3A_520 : i32
          %sign3A_522 = arith.extui %sign3A_521 : i1 to i32
          %sign3A_523 = arith.subi %sign3A_519, %sign3A_522 : i32
          %sign3A_524 = arith.constant 0 : i32
          %sign3A_525 = arith.cmpi sgt, %jit3A_515, %sign3A_524 : i32
          %sign3A_526 = arith.extui %sign3A_525 : i1 to i32
          %sign3A_527 = arith.constant 0 : i32
          %sign3A_528 = arith.cmpi slt, %jit3A_515, %sign3A_527 : i32
          %sign3A_529 = arith.extui %sign3A_528 : i1 to i32
          %sign3A_530 = arith.subi %sign3A_526, %sign3A_529 : i32
          %ne3A_531 = arith.cmpi ne, %sign3A_523, %sign3A_530 : i32
          %rem3A_532 = arith.remsi %add3A_512, %jit3A_515 : i32
          %ne3A_533 = arith.constant 0 : i32
          %ne3A_534 = arith.cmpi ne, %rem3A_532, %ne3A_533 : i32
          %and3A_535 = arith.andi %ne3A_531, %ne3A_534 : i1
          %sub3A_536 = arith.constant 1 : i32
          %sub3A_537 = arith.subi %div3A_516, %sub3A_536 : i32
          %select_n3A_538 = arith.select %and3A_535, %sub3A_537, %div3A_516 : i32
          %add3A_539 = arith.addi %mul3A_514, %select_n3A_538 : i32
          %rem3A_540 = arith.constant 32 : i32
          %rem3A_541 = arith.remsi %add3A_512, %rem3A_540 : i32
          %mul3A_542 = arith.constant 16 : i32
          %mul3A_543 = arith.muli %rem3A_541, %mul3A_542 : i32
          %add3A_544 = vector.broadcast %mul3A_543 : i32 to vector<16xi32>
          %add3A_545 = arith.addi %add3A_544, %iota3A : vector<16xi32>
          %mul3A_546 = arith.constant 0 : i32
          %mul3A_547 = vector.broadcast %mul3A_546 : i32 to vector<16xi32>
          %mul3A_548 = arith.muli %iota3A, %mul3A_547 : vector<16xi32>
          %add3A_549 = vector.broadcast %add3A_539 : i32 to vector<16xi32>
          %add3A_550 = arith.addi %mul3A_548, %add3A_549 : vector<16xi32>
          %gather3A = tpu.vector_load_idx %arg5[%add3A_545, %add3A_550] : memref<512x40xi32, #tpu.memory_space<vmem>>[vector<16xi32>, vector<16xi32>], vector<16xi32>,
          %mul3A_551 = arith.constant 16 : i32
          %mul3A_552 = arith.muli %add3A_512, %mul3A_551 : i32
          %swap3A = arith.index_cast %mul3A_552 : i32 to index
          %swap3A_553 = tpu.vector_load %arg7[%swap3A] {strides = array<i32>} : memref<2048xi32, #tpu.memory_space<vmem>>, vector<16xi32>,
          tpu.vector_store %arg7[%swap3A], %gather3A {strides = array<i32>} : memref<2048xi32, #tpu.memory_space<vmem>>, vector<16xi32>,
          %mul3A_554 = arith.constant 4 : i32
          %mul3A_555 = arith.muli %scan3A_508, %mul3A_554 : i32
          %add3A_556 = arith.constant 1 : i32
          %add3A_557 = arith.addi %mul3A_555, %add3A_556 : i32
          %mul3A_558 = arith.constant 4 : i32
          %mul3A_559 = arith.muli %add3A_61, %mul3A_558 : i32
          %jit3A_560 = arith.constant 32 : i32
          %div3A_561 = arith.divsi %add3A_557, %jit3A_560 : i32
          %sign3A_562 = arith.constant 0 : i32
          %sign3A_563 = arith.cmpi sgt, %add3A_557, %sign3A_562 : i32
          %sign3A_564 = arith.extui %sign3A_563 : i1 to i32
          %sign3A_565 = arith.constant 0 : i32
          %sign3A_566 = arith.cmpi slt, %add3A_557, %sign3A_565 : i32
          %sign3A_567 = arith.extui %sign3A_566 : i1 to i32
          %sign3A_568 = arith.subi %sign3A_564, %sign3A_567 : i32
          %sign3A_569 = arith.constant 0 : i32
          %sign3A_570 = arith.cmpi sgt, %jit3A_560, %sign3A_569 : i32
          %sign3A_571 = arith.extui %sign3A_570 : i1 to i32
          %sign3A_572 = arith.constant 0 : i32
          %sign3A_573 = arith.cmpi slt, %jit3A_560, %sign3A_572 : i32
          %sign3A_574 = arith.extui %sign3A_573 : i1 to i32
          %sign3A_575 = arith.subi %sign3A_571, %sign3A_574 : i32
          %ne3A_576 = arith.cmpi ne, %sign3A_568, %sign3A_575 : i32
          %rem3A_577 = arith.remsi %add3A_557, %jit3A_560 : i32
          %ne3A_578 = arith.constant 0 : i32
          %ne3A_579 = arith.cmpi ne, %rem3A_577, %ne3A_578 : i32
          %and3A_580 = arith.andi %ne3A_576, %ne3A_579 : i1
          %sub3A_581 = arith.constant 1 : i32
          %sub3A_582 = arith.subi %div3A_561, %sub3A_581 : i32
          %select_n3A_583 = arith.select %and3A_580, %sub3A_582, %div3A_561 : i32
          %add3A_584 = arith.addi %mul3A_559, %select_n3A_583 : i32
          %rem3A_585 = arith.constant 32 : i32
          %rem3A_586 = arith.remsi %add3A_557, %rem3A_585 : i32
          %mul3A_587 = arith.constant 16 : i32
          %mul3A_588 = arith.muli %rem3A_586, %mul3A_587 : i32
          %add3A_589 = vector.broadcast %mul3A_588 : i32 to vector<16xi32>
          %add3A_590 = arith.addi %add3A_589, %iota3A : vector<16xi32>
          %mul3A_591 = arith.constant 0 : i32
          %mul3A_592 = vector.broadcast %mul3A_591 : i32 to vector<16xi32>
          %mul3A_593 = arith.muli %iota3A, %mul3A_592 : vector<16xi32>
          %add3A_594 = vector.broadcast %add3A_584 : i32 to vector<16xi32>
          %add3A_595 = arith.addi %mul3A_593, %add3A_594 : vector<16xi32>
          %gather3A_596 = tpu.vector_load_idx %arg5[%add3A_590, %add3A_595] : memref<512x40xi32, #tpu.memory_space<vmem>>[vector<16xi32>, vector<16xi32>], vector<16xi32>,
          %mul3A_597 = arith.constant 16 : i32
          %mul3A_598 = arith.muli %add3A_557, %mul3A_597 : i32
          %swap3A_599 = arith.index_cast %mul3A_598 : i32 to index
          %swap3A_600 = tpu.vector_load %arg7[%swap3A_599] {strides = array<i32>} : memref<2048xi32, #tpu.memory_space<vmem>>, vector<16xi32>,
          tpu.vector_store %arg7[%swap3A_599], %gather3A_596 {strides = array<i32>} : memref<2048xi32, #tpu.memory_space<vmem>>, vector<16xi32>,
          %mul3A_601 = arith.constant 4 : i32
          %mul3A_602 = arith.muli %scan3A_508, %mul3A_601 : i32
          %add3A_603 = arith.constant 2 : i32
          %add3A_604 = arith.addi %mul3A_602, %add3A_603 : i32
          %mul3A_605 = arith.constant 4 : i32
          %mul3A_606 = arith.muli %add3A_61, %mul3A_605 : i32
          %jit3A_607 = arith.constant 32 : i32
          %div3A_608 = arith.divsi %add3A_604, %jit3A_607 : i32
          %sign3A_609 = arith.constant 0 : i32
          %sign3A_610 = arith.cmpi sgt, %add3A_604, %sign3A_609 : i32
          %sign3A_611 = arith.extui %sign3A_610 : i1 to i32
          %sign3A_612 = arith.constant 0 : i32
          %sign3A_613 = arith.cmpi slt, %add3A_604, %sign3A_612 : i32
          %sign3A_614 = arith.extui %sign3A_613 : i1 to i32
          %sign3A_615 = arith.subi %sign3A_611, %sign3A_614 : i32
          %sign3A_616 = arith.constant 0 : i32
          %sign3A_617 = arith.cmpi sgt, %jit3A_607, %sign3A_616 : i32
          %sign3A_618 = arith.extui %sign3A_617 : i1 to i32
          %sign3A_619 = arith.constant 0 : i32
          %sign3A_620 = arith.cmpi slt, %jit3A_607, %sign3A_619 : i32
          %sign3A_621 = arith.extui %sign3A_620 : i1 to i32
          %sign3A_622 = arith.subi %sign3A_618, %sign3A_621 : i32
          %ne3A_623 = arith.cmpi ne, %sign3A_615, %sign3A_622 : i32
          %rem3A_624 = arith.remsi %add3A_604, %jit3A_607 : i32
          %ne3A_625 = arith.constant 0 : i32
          %ne3A_626 = arith.cmpi ne, %rem3A_624, %ne3A_625 : i32
          %and3A_627 = arith.andi %ne3A_623, %ne3A_626 : i1
          %sub3A_628 = arith.constant 1 : i32
          %sub3A_629 = arith.subi %div3A_608, %sub3A_628 : i32
          %select_n3A_630 = arith.select %and3A_627, %sub3A_629, %div3A_608 : i32
          %add3A_631 = arith.addi %mul3A_606, %select_n3A_630 : i32
          %rem3A_632 = arith.constant 32 : i32
          %rem3A_633 = arith.remsi %add3A_604, %rem3A_632 : i32
          %mul3A_634 = arith.constant 16 : i32
          %mul3A_635 = arith.muli %rem3A_633, %mul3A_634 : i32
          %add3A_636 = vector.broadcast %mul3A_635 : i32 to vector<16xi32>
          %add3A_637 = arith.addi %add3A_636, %iota3A : vector<16xi32>
          %mul3A_638 = arith.constant 0 : i32
          %mul3A_639 = vector.broadcast %mul3A_638 : i32 to vector<16xi32>
          %mul3A_640 = arith.muli %iota3A, %mul3A_639 : vector<16xi32>
          %add3A_641 = vector.broadcast %add3A_631 : i32 to vector<16xi32>
          %add3A_642 = arith.addi %mul3A_640, %add3A_641 : vector<16xi32>
          %gather3A_643 = tpu.vector_load_idx %arg5[%add3A_637, %add3A_642] : memref<512x40xi32, #tpu.memory_space<vmem>>[vector<16xi32>, vector<16xi32>], vector<16xi32>,
          %mul3A_644 = arith.constant 16 : i32
          %mul3A_645 = arith.muli %add3A_604, %mul3A_644 : i32
          %swap3A_646 = arith.index_cast %mul3A_645 : i32 to index
          %swap3A_647 = tpu.vector_load %arg7[%swap3A_646] {strides = array<i32>} : memref<2048xi32, #tpu.memory_space<vmem>>, vector<16xi32>,
          tpu.vector_store %arg7[%swap3A_646], %gather3A_643 {strides = array<i32>} : memref<2048xi32, #tpu.memory_space<vmem>>, vector<16xi32>,
          %mul3A_648 = arith.constant 4 : i32
          %mul3A_649 = arith.muli %scan3A_508, %mul3A_648 : i32
          %add3A_650 = arith.constant 3 : i32
          %add3A_651 = arith.addi %mul3A_649, %add3A_650 : i32
          %mul3A_652 = arith.constant 4 : i32
          %mul3A_653 = arith.muli %add3A_61, %mul3A_652 : i32
          %jit3A_654 = arith.constant 32 : i32
          %div3A_655 = arith.divsi %add3A_651, %jit3A_654 : i32
          %sign3A_656 = arith.constant 0 : i32
          %sign3A_657 = arith.cmpi sgt, %add3A_651, %sign3A_656 : i32
          %sign3A_658 = arith.extui %sign3A_657 : i1 to i32
          %sign3A_659 = arith.constant 0 : i32
          %sign3A_660 = arith.cmpi slt, %add3A_651, %sign3A_659 : i32
          %sign3A_661 = arith.extui %sign3A_660 : i1 to i32
          %sign3A_662 = arith.subi %sign3A_658, %sign3A_661 : i32
          %sign3A_663 = arith.constant 0 : i32
          %sign3A_664 = arith.cmpi sgt, %jit3A_654, %sign3A_663 : i32
          %sign3A_665 = arith.extui %sign3A_664 : i1 to i32
          %sign3A_666 = arith.constant 0 : i32
          %sign3A_667 = arith.cmpi slt, %jit3A_654, %sign3A_666 : i32
          %sign3A_668 = arith.extui %sign3A_667 : i1 to i32
          %sign3A_669 = arith.subi %sign3A_665, %sign3A_668 : i32
          %ne3A_670 = arith.cmpi ne, %sign3A_662, %sign3A_669 : i32
          %rem3A_671 = arith.remsi %add3A_651, %jit3A_654 : i32
          %ne3A_672 = arith.constant 0 : i32
          %ne3A_673 = arith.cmpi ne, %rem3A_671, %ne3A_672 : i32
          %and3A_674 = arith.andi %ne3A_670, %ne3A_673 : i1
          %sub3A_675 = arith.constant 1 : i32
          %sub3A_676 = arith.subi %div3A_655, %sub3A_675 : i32
          %select_n3A_677 = arith.select %and3A_674, %sub3A_676, %div3A_655 : i32
          %add3A_678 = arith.addi %mul3A_653, %select_n3A_677 : i32
          %rem3A_679 = arith.constant 32 : i32
          %rem3A_680 = arith.remsi %add3A_651, %rem3A_679 : i32
          %mul3A_681 = arith.constant 16 : i32
          %mul3A_682 = arith.muli %rem3A_680, %mul3A_681 : i32
          %add3A_683 = vector.broadcast %mul3A_682 : i32 to vector<16xi32>
          %add3A_684 = arith.addi %add3A_683, %iota3A : vector<16xi32>
          %mul3A_685 = arith.constant 0 : i32
          %mul3A_686 = vector.broadcast %mul3A_685 : i32 to vector<16xi32>
          %mul3A_687 = arith.muli %iota3A, %mul3A_686 : vector<16xi32>
          %add3A_688 = vector.broadcast %add3A_678 : i32 to vector<16xi32>
          %add3A_689 = arith.addi %mul3A_687, %add3A_688 : vector<16xi32>
          %gather3A_690 = tpu.vector_load_idx %arg5[%add3A_684, %add3A_689] : memref<512x40xi32, #tpu.memory_space<vmem>>[vector<16xi32>, vector<16xi32>], vector<16xi32>,
          %mul3A_691 = arith.constant 16 : i32
          %mul3A_692 = arith.muli %add3A_651, %mul3A_691 : i32
          %swap3A_693 = arith.index_cast %mul3A_692 : i32 to index
          %swap3A_694 = tpu.vector_load %arg7[%swap3A_693] {strides = array<i32>} : memref<2048xi32, #tpu.memory_space<vmem>>, vector<16xi32>,
          tpu.vector_store %arg7[%swap3A_693], %gather3A_690 {strides = array<i32>} : memref<2048xi32, #tpu.memory_space<vmem>>, vector<16xi32>,
        }
        %scan3A_67 = arith.constant 32 : i32
        %dma_start3A_68 = arith.constant 0 : i32
        %dma_start3A_69 = arith.constant 0 : i32
        %dma_start3A_70 = tpu.memref_slice %arg3[%dma_start3A_68, %dma_start3A_69] : memref<1000000x32xbf16, #tpu.memory_space<hbm>> -> memref<1000000x32xbf16, #tpu.memory_space<hbm>>
        tpu.enqueue_indirect_dma source(%dma_start3A_70 : memref<1000000x32xbf16, #tpu.memory_space<hbm>>) target(%arg9 : memref<2048x32xbf16, #tpu.memory_space<vmem>>) offsets(%arg7 : memref<2048xi32, #tpu.memory_space<vmem>>) semaphore(%arg13 : memref<!tpu.dma_semaphore, #tpu.memory_space<semaphore_mem>>)
        %dma_wait3A = arith.constant 0 : i32
        %dma_wait3A_71 = arith.constant 0 : i32
        %dma_wait3A_72 = tpu.memref_slice %arg3[%dma_wait3A, %dma_wait3A_71] : memref<1000000x32xbf16, #tpu.memory_space<hbm>> -> memref<1000000x32xbf16, #tpu.memory_space<hbm>>
        tpu.wait_indirect_dma semaphore(%arg12 : memref<!tpu.dma_semaphore, #tpu.memory_space<semaphore_mem>>) src(%dma_wait3A_72 : memref<1000000x32xbf16, #tpu.memory_space<hbm>>) dst(%arg8 : memref<2048x32xbf16, #tpu.memory_space<vmem>>)
        %mul3A_73 = arith.constant 2 : i32
        %mul3A_74 = arith.muli %mul3A_73, %scan3A_47 : i32
        %add3A_75 = arith.addi %mul3A_40, %mul3A_74 : i32
        %mul3A_76 = arith.constant 4 : i32
        %mul3A_77 = arith.muli %add3A_75, %mul3A_76 : i32
        %add3A_78 = arith.constant 0 : i32
        %add3A_79 = arith.addi %mul3A_77, %add3A_78 : i32
        %scan3A_80 = arith.constant 0 : i32
        %scan3A_81 = arith.constant 0 : i32
        %scan3A_82 = arith.constant 64 : i32
        %scan3A_83 = arith.addi %scan3A_81, %scan3A_82 : i32
        %scan3A_84 = arith.constant 1 : i32
        scf.for %scan3A_508 = %scan3A_81 to %scan3A_83 step %scan3A_84  : i32 {
          %mul3A_509 = arith.constant 8 : i32
          %mul3A_510 = arith.muli %scan3A_508, %mul3A_509 : i32
          %jit3A_511 = arith.constant 128 : i32
          %div3A_512 = arith.divsi %mul3A_510, %jit3A_511 : i32
          %sign3A_513 = arith.constant 0 : i32
          %sign3A_514 = arith.cmpi sgt, %mul3A_510, %sign3A_513 : i32
          %sign3A_515 = arith.extui %sign3A_514 : i1 to i32
          %sign3A_516 = arith.constant 0 : i32
          %sign3A_517 = arith.cmpi slt, %mul3A_510, %sign3A_516 : i32
          %sign3A_518 = arith.extui %sign3A_517 : i1 to i32
          %sign3A_519 = arith.subi %sign3A_515, %sign3A_518 : i32
          %sign3A_520 = arith.constant 0 : i32
          %sign3A_521 = arith.cmpi sgt, %jit3A_511, %sign3A_520 : i32
          %sign3A_522 = arith.extui %sign3A_521 : i1 to i32
          %sign3A_523 = arith.constant 0 : i32
          %sign3A_524 = arith.cmpi slt, %jit3A_511, %sign3A_523 : i32
          %sign3A_525 = arith.extui %sign3A_524 : i1 to i32
          %sign3A_526 = arith.subi %sign3A_522, %sign3A_525 : i32
          %ne3A_527 = arith.cmpi ne, %sign3A_519, %sign3A_526 : i32
          %rem3A_528 = arith.remsi %mul3A_510, %jit3A_511 : i32
          %ne3A_529 = arith.constant 0 : i32
          %ne3A_530 = arith.cmpi ne, %rem3A_528, %ne3A_529 : i32
          %and3A_531 = arith.andi %ne3A_527, %ne3A_530 : i1
          %sub3A_532 = arith.constant 1 : i32
          %sub3A_533 = arith.subi %div3A_512, %sub3A_532 : i32
          %select_n3A_534 = arith.select %and3A_531, %sub3A_533, %div3A_512 : i32
          %mul3A_535 = arith.constant 8 : i32
          %mul3A_536 = arith.muli %scan3A_508, %mul3A_535 : i32
          %rem3A_537 = arith.constant 128 : i32
          %rem3A_538 = arith.remsi %mul3A_536, %rem3A_537 : i32
          %mul3A_539 = arith.constant 8 : i32
          %mul3A_540 = arith.muli %scan3A_508, %mul3A_539 : i32
          %add3A_541 = arith.constant 0 : i32
          %add3A_542 = arith.addi %mul3A_540, %add3A_541 : i32
          %add3A_543 = arith.constant 0 : i32
          %add3A_544 = arith.addi %add3A_543, %add3A_542 : i32
          %get3A = arith.index_cast %add3A_544 : i32 to index
          %get3A_545 = arith.constant 0 : index
          %get3A_546 = tpu.vector_load %arg8[%get3A, %get3A_545] {strides = array<i32>} : memref<2048x32xbf16, #tpu.memory_space<vmem>>, vector<32xbf16>,
          %bitcast3A = vector.bitcast %get3A_546 : vector<32xbf16> to vector<16xi32>
          %mul3A_547 = arith.constant 0 : i32
          %mul3A_548 = vector.broadcast %mul3A_547 : i32 to vector<16xi32>
          %mul3A_549 = arith.muli %iota3A, %mul3A_548 : vector<16xi32>
          %add3A_550 = vector.broadcast %select_n3A_534 : i32 to vector<16xi32>
          %add3A_551 = arith.addi %mul3A_549, %add3A_550 : vector<16xi32>
          %mul3A_552 = arith.constant 0 : i32
          %mul3A_553 = vector.broadcast %mul3A_552 : i32 to vector<16xi32>
          %mul3A_554 = arith.muli %iota3A, %mul3A_553 : vector<16xi32>
          %add3A_555 = arith.constant 0 : i32
          %add3A_556 = arith.addi %rem3A_538, %add3A_555 : i32
          %add3A_557 = vector.broadcast %add3A_556 : i32 to vector<16xi32>
          %add3A_558 = arith.addi %mul3A_554, %add3A_557 : vector<16xi32>
          tpu.vector_store_idx %arg10[%select_n3A, %add3A_551, %rem3A_30, %add3A_558], %bitcast3A : memref<2x5x8x129xi32, #tpu.memory_space<vmem>>[vector<16xi32>, vector<16xi32>, vector<16xi32>, vector<16xi32>], vector<16xi32>,
          %mul3A_559 = arith.constant 8 : i32
          %mul3A_560 = arith.muli %scan3A_508, %mul3A_559 : i32
          %add3A_561 = arith.constant 1 : i32
          %add3A_562 = arith.addi %mul3A_560, %add3A_561 : i32
          %add3A_563 = arith.constant 0 : i32
          %add3A_564 = arith.addi %add3A_563, %add3A_562 : i32
          %get3A_565 = arith.index_cast %add3A_564 : i32 to index
          %get3A_566 = arith.constant 0 : index
          %get3A_567 = tpu.vector_load %arg8[%get3A_565, %get3A_566] {strides = array<i32>} : memref<2048x32xbf16, #tpu.memory_space<vmem>>, vector<32xbf16>,
          %bitcast3A_568 = vector.bitcast %get3A_567 : vector<32xbf16> to vector<16xi32>
          %mul3A_569 = arith.constant 0 : i32
          %mul3A_570 = vector.broadcast %mul3A_569 : i32 to vector<16xi32>
          %mul3A_571 = arith.muli %iota3A, %mul3A_570 : vector<16xi32>
          %add3A_572 = vector.broadcast %select_n3A_534 : i32 to vector<16xi32>
          %add3A_573 = arith.addi %mul3A_571, %add3A_572 : vector<16xi32>
          %mul3A_574 = arith.constant 0 : i32
          %mul3A_575 = vector.broadcast %mul3A_574 : i32 to vector<16xi32>
          %mul3A_576 = arith.muli %iota3A, %mul3A_575 : vector<16xi32>
          %add3A_577 = arith.constant 1 : i32
          %add3A_578 = arith.addi %rem3A_538, %add3A_577 : i32
          %add3A_579 = vector.broadcast %add3A_578 : i32 to vector<16xi32>
          %add3A_580 = arith.addi %mul3A_576, %add3A_579 : vector<16xi32>
          tpu.vector_store_idx %arg10[%select_n3A, %add3A_573, %rem3A_30, %add3A_580], %bitcast3A_568 : memref<2x5x8x129xi32, #tpu.memory_space<vmem>>[vector<16xi32>, vector<16xi32>, vector<16xi32>, vector<16xi32>], vector<16xi32>,
          %mul3A_581 = arith.constant 8 : i32
          %mul3A_582 = arith.muli %scan3A_508, %mul3A_581 : i32
          %add3A_583 = arith.constant 2 : i32
          %add3A_584 = arith.addi %mul3A_582, %add3A_583 : i32
          %add3A_585 = arith.constant 0 : i32
          %add3A_586 = arith.addi %add3A_585, %add3A_584 : i32
          %get3A_587 = arith.index_cast %add3A_586 : i32 to index
          %get3A_588 = arith.constant 0 : index
          %get3A_589 = tpu.vector_load %arg8[%get3A_587, %get3A_588] {strides = array<i32>} : memref<2048x32xbf16, #tpu.memory_space<vmem>>, vector<32xbf16>,
          %bitcast3A_590 = vector.bitcast %get3A_589 : vector<32xbf16> to vector<16xi32>
          %mul3A_591 = arith.constant 0 : i32
          %mul3A_592 = vector.broadcast %mul3A_591 : i32 to vector<16xi32>
          %mul3A_593 = arith.muli %iota3A, %mul3A_592 : vector<16xi32>
          %add3A_594 = vector.broadcast %select_n3A_534 : i32 to vector<16xi32>
          %add3A_595 = arith.addi %mul3A_593, %add3A_594 : vector<16xi32>
          %mul3A_596 = arith.constant 0 : i32
          %mul3A_597 = vector.broadcast %mul3A_596 : i32 to vector<16xi32>
          %mul3A_598 = arith.muli %iota3A, %mul3A_597 : vector<16xi32>
          %add3A_599 = arith.constant 2 : i32
          %add3A_600 = arith.addi %rem3A_538, %add3A_599 : i32
          %add3A_601 = vector.broadcast %add3A_600 : i32 to vector<16xi32>
          %add3A_602 = arith.addi %mul3A_598, %add3A_601 : vector<16xi32>
          tpu.vector_store_idx %arg10[%select_n3A, %add3A_595, %rem3A_30, %add3A_602], %bitcast3A_590 : memref<2x5x8x129xi32, #tpu.memory_space<vmem>>[vector<16xi32>, vector<16xi32>, vector<16xi32>, vector<16xi32>], vector<16xi32>,
          %mul3A_603 = arith.constant 8 : i32
          %mul3A_604 = arith.muli %scan3A_508, %mul3A_603 : i32
          %add3A_605 = arith.constant 3 : i32
          %add3A_606 = arith.addi %mul3A_604, %add3A_605 : i32
          %add3A_607 = arith.constant 0 : i32
          %add3A_608 = arith.addi %add3A_607, %add3A_606 : i32
          %get3A_609 = arith.index_cast %add3A_608 : i32 to index
          %get3A_610 = arith.constant 0 : index
          %get3A_611 = tpu.vector_load %arg8[%get3A_609, %get3A_610] {strides = array<i32>} : memref<2048x32xbf16, #tpu.memory_space<vmem>>, vector<32xbf16>,
          %bitcast3A_612 = vector.bitcast %get3A_611 : vector<32xbf16> to vector<16xi32>
          %mul3A_613 = arith.constant 0 : i32
          %mul3A_614 = vector.broadcast %mul3A_613 : i32 to vector<16xi32>
          %mul3A_615 = arith.muli %iota3A, %mul3A_614 : vector<16xi32>
          %add3A_616 = vector.broadcast %select_n3A_534 : i32 to vector<16xi32>
          %add3A_617 = arith.addi %mul3A_615, %add3A_616 : vector<16xi32>
          %mul3A_618 = arith.constant 0 : i32
          %mul3A_619 = vector.broadcast %mul3A_618 : i32 to vector<16xi32>
          %mul3A_620 = arith.muli %iota3A, %mul3A_619 : vector<16xi32>
          %add3A_621 = arith.constant 3 : i32
          %add3A_622 = arith.addi %rem3A_538, %add3A_621 : i32
          %add3A_623 = vector.broadcast %add3A_622 : i32 to vector<16xi32>
          %add3A_624 = arith.addi %mul3A_620, %add3A_623 : vector<16xi32>
          tpu.vector_store_idx %arg10[%select_n3A, %add3A_617, %rem3A_30, %add3A_624], %bitcast3A_612 : memref<2x5x8x129xi32, #tpu.memory_space<vmem>>[vector<16xi32>, vector<16xi32>, vector<16xi32>, vector<16xi32>], vector<16xi32>,
          %mul3A_625 = arith.constant 8 : i32
          %mul3A_626 = arith.muli %scan3A_508, %mul3A_625 : i32
          %add3A_627 = arith.constant 4 : i32
          %add3A_628 = arith.addi %mul3A_626, %add3A_627 : i32
          %add3A_629 = arith.constant 0 : i32
          %add3A_630 = arith.addi %add3A_629, %add3A_628 : i32
          %get3A_631 = arith.index_cast %add3A_630 : i32 to index
          %get3A_632 = arith.constant 0 : index
          %get3A_633 = tpu.vector_load %arg8[%get3A_631, %get3A_632] {strides = array<i32>} : memref<2048x32xbf16, #tpu.memory_space<vmem>>, vector<32xbf16>,
          %bitcast3A_634 = vector.bitcast %get3A_633 : vector<32xbf16> to vector<16xi32>
          %mul3A_635 = arith.constant 0 : i32
          %mul3A_636 = vector.broadcast %mul3A_635 : i32 to vector<16xi32>
          %mul3A_637 = arith.muli %iota3A, %mul3A_636 : vector<16xi32>
          %add3A_638 = vector.broadcast %select_n3A_534 : i32 to vector<16xi32>
          %add3A_639 = arith.addi %mul3A_637, %add3A_638 : vector<16xi32>
          %mul3A_640 = arith.constant 0 : i32
          %mul3A_641 = vector.broadcast %mul3A_640 : i32 to vector<16xi32>
          %mul3A_642 = arith.muli %iota3A, %mul3A_641 : vector<16xi32>
          %add3A_643 = arith.constant 4 : i32
          %add3A_644 = arith.addi %rem3A_538, %add3A_643 : i32
          %add3A_645 = vector.broadcast %add3A_644 : i32 to vector<16xi32>
          %add3A_646 = arith.addi %mul3A_642, %add3A_645 : vector<16xi32>
          tpu.vector_store_idx %arg10[%select_n3A, %add3A_639, %rem3A_30, %add3A_646], %bitcast3A_634 : memref<2x5x8x129xi32, #tpu.memory_space<vmem>>[vector<16xi32>, vector<16xi32>, vector<16xi32>, vector<16xi32>], vector<16xi32>,
          %mul3A_647 = arith.constant 8 : i32
          %mul3A_648 = arith.muli %scan3A_508, %mul3A_647 : i32
          %add3A_649 = arith.constant 5 : i32
          %add3A_650 = arith.addi %mul3A_648, %add3A_649 : i32
          %add3A_651 = arith.constant 0 : i32
          %add3A_652 = arith.addi %add3A_651, %add3A_650 : i32
          %get3A_653 = arith.index_cast %add3A_652 : i32 to index
          %get3A_654 = arith.constant 0 : index
          %get3A_655 = tpu.vector_load %arg8[%get3A_653, %get3A_654] {strides = array<i32>} : memref<2048x32xbf16, #tpu.memory_space<vmem>>, vector<32xbf16>,
          %bitcast3A_656 = vector.bitcast %get3A_655 : vector<32xbf16> to vector<16xi32>
          %mul3A_657 = arith.constant 0 : i32
          %mul3A_658 = vector.broadcast %mul3A_657 : i32 to vector<16xi32>
          %mul3A_659 = arith.muli %iota3A, %mul3A_658 : vector<16xi32>
          %add3A_660 = vector.broadcast %select_n3A_534 : i32 to vector<16xi32>
          %add3A_661 = arith.addi %mul3A_659, %add3A_660 : vector<16xi32>
          %mul3A_662 = arith.constant 0 : i32
          %mul3A_663 = vector.broadcast %mul3A_662 : i32 to vector<16xi32>
          %mul3A_664 = arith.muli %iota3A, %mul3A_663 : vector<16xi32>
          %add3A_665 = arith.constant 5 : i32
          %add3A_666 = arith.addi %rem3A_538, %add3A_665 : i32
          %add3A_667 = vector.broadcast %add3A_666 : i32 to vector<16xi32>
          %add3A_668 = arith.addi %mul3A_664, %add3A_667 : vector<16xi32>
          tpu.vector_store_idx %arg10[%select_n3A, %add3A_661, %rem3A_30, %add3A_668], %bitcast3A_656 : memref<2x5x8x129xi32, #tpu.memory_space<vmem>>[vector<16xi32>, vector<16xi32>, vector<16xi32>, vector<16xi32>], vector<16xi32>,
          %mul3A_669 = arith.constant 8 : i32
          %mul3A_670 = arith.muli %scan3A_508, %mul3A_669 : i32
          %add3A_671 = arith.constant 6 : i32
          %add3A_672 = arith.addi %mul3A_670, %add3A_671 : i32
          %add3A_673 = arith.constant 0 : i32
          %add3A_674 = arith.addi %add3A_673, %add3A_672 : i32
          %get3A_675 = arith.index_cast %add3A_674 : i32 to index
          %get3A_676 = arith.constant 0 : index
          %get3A_677 = tpu.vector_load %arg8[%get3A_675, %get3A_676] {strides = array<i32>} : memref<2048x32xbf16, #tpu.memory_space<vmem>>, vector<32xbf16>,
          %bitcast3A_678 = vector.bitcast %get3A_677 : vector<32xbf16> to vector<16xi32>
          %mul3A_679 = arith.constant 0 : i32
          %mul3A_680 = vector.broadcast %mul3A_679 : i32 to vector<16xi32>
          %mul3A_681 = arith.muli %iota3A, %mul3A_680 : vector<16xi32>
          %add3A_682 = vector.broadcast %select_n3A_534 : i32 to vector<16xi32>
          %add3A_683 = arith.addi %mul3A_681, %add3A_682 : vector<16xi32>
          %mul3A_684 = arith.constant 0 : i32
          %mul3A_685 = vector.broadcast %mul3A_684 : i32 to vector<16xi32>
          %mul3A_686 = arith.muli %iota3A, %mul3A_685 : vector<16xi32>
          %add3A_687 = arith.constant 6 : i32
          %add3A_688 = arith.addi %rem3A_538, %add3A_687 : i32
          %add3A_689 = vector.broadcast %add3A_688 : i32 to vector<16xi32>
          %add3A_690 = arith.addi %mul3A_686, %add3A_689 : vector<16xi32>
          tpu.vector_store_idx %arg10[%select_n3A, %add3A_683, %rem3A_30, %add3A_690], %bitcast3A_678 : memref<2x5x8x129xi32, #tpu.memory_space<vmem>>[vector<16xi32>, vector<16xi32>, vector<16xi32>, vector<16xi32>], vector<16xi32>,
          %mul3A_691 = arith.constant 8 : i32
          %mul3A_692 = arith.muli %scan3A_508, %mul3A_691 : i32
          %add3A_693 = arith.constant 7 : i32
          %add3A_694 = arith.addi %mul3A_692, %add3A_693 : i32
          %add3A_695 = arith.constant 0 : i32
          %add3A_696 = arith.addi %add3A_695, %add3A_694 : i32
          %get3A_697 = arith.index_cast %add3A_696 : i32 to index
          %get3A_698 = arith.constant 0 : index
          %get3A_699 = tpu.vector_load %arg8[%get3A_697, %get3A_698] {strides = array<i32>} : memref<2048x32xbf16, #tpu.memory_space<vmem>>, vector<32xbf16>,
          %bitcast3A_700 = vector.bitcast %get3A_699 : vector<32xbf16> to vector<16xi32>
          %mul3A_701 = arith.constant 0 : i32
          %mul3A_702 = vector.broadcast %mul3A_701 : i32 to vector<16xi32>
          %mul3A_703 = arith.muli %iota3A, %mul3A_702 : vector<16xi32>
          %add3A_704 = vector.broadcast %select_n3A_534 : i32 to vector<16xi32>
          %add3A_705 = arith.addi %mul3A_703, %add3A_704 : vector<16xi32>
          %mul3A_706 = arith.constant 0 : i32
          %mul3A_707 = vector.broadcast %mul3A_706 : i32 to vector<16xi32>
          %mul3A_708 = arith.muli %iota3A, %mul3A_707 : vector<16xi32>
          %add3A_709 = arith.constant 7 : i32
          %add3A_710 = arith.addi %rem3A_538, %add3A_709 : i32
          %add3A_711 = vector.broadcast %add3A_710 : i32 to vector<16xi32>
          %add3A_712 = arith.addi %mul3A_708, %add3A_711 : vector<16xi32>
          tpu.vector_store_idx %arg10[%select_n3A, %add3A_705, %rem3A_30, %add3A_712], %bitcast3A_700 : memref<2x5x8x129xi32, #tpu.memory_space<vmem>>[vector<16xi32>, vector<16xi32>, vector<16xi32>, vector<16xi32>], vector<16xi32>,
        }
        %scan3A_85 = arith.constant 64 : i32
        %dma_start3A_86 = arith.constant 0 : i32
        %dma_start3A_87 = arith.constant 0 : i32
        %dma_start3A_88 = arith.constant 0 : i32
        %dma_start3A_89 = arith.constant 0 : i32
        %dma_start3A_90 = tpu.memref_slice %arg10[%dma_start3A_86, %dma_start3A_87, %dma_start3A_88, %dma_start3A_89] : memref<2x5x8x129xi32, #tpu.memory_space<vmem>> -> memref<2x4x8x128xi32, #tpu.memory_space<vmem>>
        %dma_start3A_91 = arith.constant 0 : i32
        %dma_start3A_92 = arith.constant 0 : i32
        %dma_start3A_93 = arith.constant 0 : i32
        %dma_start3A_94 = tpu.memref_slice %arg4[%add3A_79, %dma_start3A_91, %mul3A_4, %dma_start3A_92, %dma_start3A_93] : memref<200x2x128x8x128xi32, #tpu.memory_space<hbm>> -> memref<1x2x4x8x128xi32, #tpu.memory_space<hbm>>
        %dma_start3A_95 = tpu.memref_squeeze %dma_start3A_94 : memref<1x2x4x8x128xi32, #tpu.memory_space<hbm>> -> memref<2x4x8x128xi32, #tpu.memory_space<hbm>>
        %dma_start3A_96 = arith.constant 0 : i32
        %dma_start3A_97 = arith.constant 0 : i32
        %dma_start3A_98 = arith.constant 0 : i32
        %dma_start3A_99 = tpu.memref_slice %arg4[%add3A_79, %dma_start3A_96, %mul3A_4, %dma_start3A_97, %dma_start3A_98] : memref<200x2x128x8x128xi32, #tpu.memory_space<hbm>> -> memref<1x2x4x8x128xi32, #tpu.memory_space<hbm>>
        %dma_start3A_100 = tpu.memref_squeeze %dma_start3A_99 : memref<1x2x4x8x128xi32, #tpu.memory_space<hbm>> -> memref<2x4x8x128xi32, #tpu.memory_space<hbm>>
        %dma_start3A_101 = arith.constant 0 : i32
        %dma_start3A_102 = arith.constant 0 : i32
        %dma_start3A_103 = arith.constant 0 : i32
        %dma_start3A_104 = arith.constant 0 : i32
        %dma_start3A_105 = tpu.memref_slice %arg10[%dma_start3A_101, %dma_start3A_102, %dma_start3A_103, %dma_start3A_104] : memref<2x5x8x129xi32, #tpu.memory_space<vmem>> -> memref<2x4x8x128xi32, #tpu.memory_space<vmem>>
        tpu.enqueue_dma source(%dma_start3A_105 : memref<2x4x8x128xi32, #tpu.memory_space<vmem>>) target(%dma_start3A_100 : memref<2x4x8x128xi32, #tpu.memory_space<hbm>>) target_semaphore(%arg14 : memref<!tpu.dma_semaphore, #tpu.memory_space<semaphore_mem>>)
        %mul3A_106 = arith.constant 4 : i32
        %mul3A_107 = arith.muli %add3A_75, %mul3A_106 : i32
        %add3A_108 = arith.constant 1 : i32
        %add3A_109 = arith.addi %mul3A_107, %add3A_108 : i32
        %scan3A_110 = arith.constant 0 : i32
        %scan3A_111 = arith.constant 0 : i32
        %scan3A_112 = arith.constant 64 : i32
        %scan3A_113 = arith.addi %scan3A_111, %scan3A_112 : i32
        %scan3A_114 = arith.constant 1 : i32
        scf.for %scan3A_508 = %scan3A_111 to %scan3A_113 step %scan3A_114  : i32 {
          %mul3A_509 = arith.constant 8 : i32
          %mul3A_510 = arith.muli %scan3A_508, %mul3A_509 : i32
          %jit3A_511 = arith.constant 128 : i32
          %div3A_512 = arith.divsi %mul3A_510, %jit3A_511 : i32
          %sign3A_513 = arith.constant 0 : i32
          %sign3A_514 = arith.cmpi sgt, %mul3A_510, %sign3A_513 : i32
          %sign3A_515 = arith.extui %sign3A_514 : i1 to i32
          %sign3A_516 = arith.constant 0 : i32
          %sign3A_517 = arith.cmpi slt, %mul3A_510, %sign3A_516 : i32
          %sign3A_518 = arith.extui %sign3A_517 : i1 to i32
          %sign3A_519 = arith.subi %sign3A_515, %sign3A_518 : i32
          %sign3A_520 = arith.constant 0 : i32
          %sign3A_521 = arith.cmpi sgt, %jit3A_511, %sign3A_520 : i32
          %sign3A_522 = arith.extui %sign3A_521 : i1 to i32
          %sign3A_523 = arith.constant 0 : i32
          %sign3A_524 = arith.cmpi slt, %jit3A_511, %sign3A_523 : i32
          %sign3A_525 = arith.extui %sign3A_524 : i1 to i32
          %sign3A_526 = arith.subi %sign3A_522, %sign3A_525 : i32
          %ne3A_527 = arith.cmpi ne, %sign3A_519, %sign3A_526 : i32
          %rem3A_528 = arith.remsi %mul3A_510, %jit3A_511 : i32
          %ne3A_529 = arith.constant 0 : i32
          %ne3A_530 = arith.cmpi ne, %rem3A_528, %ne3A_529 : i32
          %and3A_531 = arith.andi %ne3A_527, %ne3A_530 : i1
          %sub3A_532 = arith.constant 1 : i32
          %sub3A_533 = arith.subi %div3A_512, %sub3A_532 : i32
          %select_n3A_534 = arith.select %and3A_531, %sub3A_533, %div3A_512 : i32
          %mul3A_535 = arith.constant 8 : i32
          %mul3A_536 = arith.muli %scan3A_508, %mul3A_535 : i32
          %rem3A_537 = arith.constant 128 : i32
          %rem3A_538 = arith.remsi %mul3A_536, %rem3A_537 : i32
          %mul3A_539 = arith.constant 8 : i32
          %mul3A_540 = arith.muli %scan3A_508, %mul3A_539 : i32
          %add3A_541 = arith.constant 0 : i32
          %add3A_542 = arith.addi %mul3A_540, %add3A_541 : i32
          %add3A_543 = arith.constant 512 : i32
          %add3A_544 = arith.addi %add3A_543, %add3A_542 : i32
          %get3A = arith.index_cast %add3A_544 : i32 to index
          %get3A_545 = arith.constant 0 : index
          %get3A_546 = tpu.vector_load %arg8[%get3A, %get3A_545] {strides = array<i32>} : memref<2048x32xbf16, #tpu.memory_space<vmem>>, vector<32xbf16>,
          %bitcast3A = vector.bitcast %get3A_546 : vector<32xbf16> to vector<16xi32>
          %mul3A_547 = arith.constant 0 : i32
          %mul3A_548 = vector.broadcast %mul3A_547 : i32 to vector<16xi32>
          %mul3A_549 = arith.muli %iota3A, %mul3A_548 : vector<16xi32>
          %add3A_550 = vector.broadcast %select_n3A_534 : i32 to vector<16xi32>
          %add3A_551 = arith.addi %mul3A_549, %add3A_550 : vector<16xi32>
          %mul3A_552 = arith.constant 0 : i32
          %mul3A_553 = vector.broadcast %mul3A_552 : i32 to vector<16xi32>
          %mul3A_554 = arith.muli %iota3A, %mul3A_553 : vector<16xi32>
          %add3A_555 = arith.constant 0 : i32
          %add3A_556 = arith.addi %rem3A_538, %add3A_555 : i32
          %add3A_557 = vector.broadcast %add3A_556 : i32 to vector<16xi32>
          %add3A_558 = arith.addi %mul3A_554, %add3A_557 : vector<16xi32>
          tpu.vector_store_idx %arg11[%select_n3A, %add3A_551, %rem3A_30, %add3A_558], %bitcast3A : memref<2x5x8x129xi32, #tpu.memory_space<vmem>>[vector<16xi32>, vector<16xi32>, vector<16xi32>, vector<16xi32>], vector<16xi32>,
          %mul3A_559 = arith.constant 8 : i32
          %mul3A_560 = arith.muli %scan3A_508, %mul3A_559 : i32
          %add3A_561 = arith.constant 1 : i32
          %add3A_562 = arith.addi %mul3A_560, %add3A_561 : i32
          %add3A_563 = arith.constant 512 : i32
          %add3A_564 = arith.addi %add3A_563, %add3A_562 : i32
          %get3A_565 = arith.index_cast %add3A_564 : i32 to index
          %get3A_566 = arith.constant 0 : index
          %get3A_567 = tpu.vector_load %arg8[%get3A_565, %get3A_566] {strides = array<i32>} : memref<2048x32xbf16, #tpu.memory_space<vmem>>, vector<32xbf16>,
          %bitcast3A_568 = vector.bitcast %get3A_567 : vector<32xbf16> to vector<16xi32>
          %mul3A_569 = arith.constant 0 : i32
          %mul3A_570 = vector.broadcast %mul3A_569 : i32 to vector<16xi32>
          %mul3A_571 = arith.muli %iota3A, %mul3A_570 : vector<16xi32>
          %add3A_572 = vector.broadcast %select_n3A_534 : i32 to vector<16xi32>
          %add3A_573 = arith.addi %mul3A_571, %add3A_572 : vector<16xi32>
          %mul3A_574 = arith.constant 0 : i32
          %mul3A_575 = vector.broadcast %mul3A_574 : i32 to vector<16xi32>
          %mul3A_576 = arith.muli %iota3A, %mul3A_575 : vector<16xi32>
          %add3A_577 = arith.constant 1 : i32
          %add3A_578 = arith.addi %rem3A_538, %add3A_577 : i32
          %add3A_579 = vector.broadcast %add3A_578 : i32 to vector<16xi32>
          %add3A_580 = arith.addi %mul3A_576, %add3A_579 : vector<16xi32>
          tpu.vector_store_idx %arg11[%select_n3A, %add3A_573, %rem3A_30, %add3A_580], %bitcast3A_568 : memref<2x5x8x129xi32, #tpu.memory_space<vmem>>[vector<16xi32>, vector<16xi32>, vector<16xi32>, vector<16xi32>], vector<16xi32>,
          %mul3A_581 = arith.constant 8 : i32
          %mul3A_582 = arith.muli %scan3A_508, %mul3A_581 : i32
          %add3A_583 = arith.constant 2 : i32
          %add3A_584 = arith.addi %mul3A_582, %add3A_583 : i32
          %add3A_585 = arith.constant 512 : i32
          %add3A_586 = arith.addi %add3A_585, %add3A_584 : i32
          %get3A_587 = arith.index_cast %add3A_586 : i32 to index
          %get3A_588 = arith.constant 0 : index
          %get3A_589 = tpu.vector_load %arg8[%get3A_587, %get3A_588] {strides = array<i32>} : memref<2048x32xbf16, #tpu.memory_space<vmem>>, vector<32xbf16>,
          %bitcast3A_590 = vector.bitcast %get3A_589 : vector<32xbf16> to vector<16xi32>
          %mul3A_591 = arith.constant 0 : i32
          %mul3A_592 = vector.broadcast %mul3A_591 : i32 to vector<16xi32>
          %mul3A_593 = arith.muli %iota3A, %mul3A_592 : vector<16xi32>
          %add3A_594 = vector.broadcast %select_n3A_534 : i32 to vector<16xi32>
          %add3A_595 = arith.addi %mul3A_593, %add3A_594 : vector<16xi32>
          %mul3A_596 = arith.constant 0 : i32
          %mul3A_597 = vector.broadcast %mul3A_596 : i32 to vector<16xi32>
          %mul3A_598 = arith.muli %iota3A, %mul3A_597 : vector<16xi32>
          %add3A_599 = arith.constant 2 : i32
          %add3A_600 = arith.addi %rem3A_538, %add3A_599 : i32
          %add3A_601 = vector.broadcast %add3A_600 : i32 to vector<16xi32>
          %add3A_602 = arith.addi %mul3A_598, %add3A_601 : vector<16xi32>
          tpu.vector_store_idx %arg11[%select_n3A, %add3A_595, %rem3A_30, %add3A_602], %bitcast3A_590 : memref<2x5x8x129xi32, #tpu.memory_space<vmem>>[vector<16xi32>, vector<16xi32>, vector<16xi32>, vector<16xi32>], vector<16xi32>,
          %mul3A_603 = arith.constant 8 : i32
          %mul3A_604 = arith.muli %scan3A_508, %mul3A_603 : i32
          %add3A_605 = arith.constant 3 : i32
          %add3A_606 = arith.addi %mul3A_604, %add3A_605 : i32
          %add3A_607 = arith.constant 512 : i32
          %add3A_608 = arith.addi %add3A_607, %add3A_606 : i32
          %get3A_609 = arith.index_cast %add3A_608 : i32 to index
          %get3A_610 = arith.constant 0 : index
          %get3A_611 = tpu.vector_load %arg8[%get3A_609, %get3A_610] {strides = array<i32>} : memref<2048x32xbf16, #tpu.memory_space<vmem>>, vector<32xbf16>,
          %bitcast3A_612 = vector.bitcast %get3A_611 : vector<32xbf16> to vector<16xi32>
          %mul3A_613 = arith.constant 0 : i32
          %mul3A_614 = vector.broadcast %mul3A_613 : i32 to vector<16xi32>
          %mul3A_615 = arith.muli %iota3A, %mul3A_614 : vector<16xi32>
          %add3A_616 = vector.broadcast %select_n3A_534 : i32 to vector<16xi32>
          %add3A_617 = arith.addi %mul3A_615, %add3A_616 : vector<16xi32>
          %mul3A_618 = arith.constant 0 : i32
          %mul3A_619 = vector.broadcast %mul3A_618 : i32 to vector<16xi32>
          %mul3A_620 = arith.muli %iota3A, %mul3A_619 : vector<16xi32>
          %add3A_621 = arith.constant 3 : i32
          %add3A_622 = arith.addi %rem3A_538, %add3A_621 : i32
          %add3A_623 = vector.broadcast %add3A_622 : i32 to vector<16xi32>
          %add3A_624 = arith.addi %mul3A_620, %add3A_623 : vector<16xi32>
          tpu.vector_store_idx %arg11[%select_n3A, %add3A_617, %rem3A_30, %add3A_624], %bitcast3A_612 : memref<2x5x8x129xi32, #tpu.memory_space<vmem>>[vector<16xi32>, vector<16xi32>, vector<16xi32>, vector<16xi32>], vector<16xi32>,
          %mul3A_625 = arith.constant 8 : i32
          %mul3A_626 = arith.muli %scan3A_508, %mul3A_625 : i32
          %add3A_627 = arith.constant 4 : i32
          %add3A_628 = arith.addi %mul3A_626, %add3A_627 : i32
          %add3A_629 = arith.constant 512 : i32
          %add3A_630 = arith.addi %add3A_629, %add3A_628 : i32
          %get3A_631 = arith.index_cast %add3A_630 : i32 to index
          %get3A_632 = arith.constant 0 : index
          %get3A_633 = tpu.vector_load %arg8[%get3A_631, %get3A_632] {strides = array<i32>} : memref<2048x32xbf16, #tpu.memory_space<vmem>>, vector<32xbf16>,
          %bitcast3A_634 = vector.bitcast %get3A_633 : vector<32xbf16> to vector<16xi32>
          %mul3A_635 = arith.constant 0 : i32
          %mul3A_636 = vector.broadcast %mul3A_635 : i32 to vector<16xi32>
          %mul3A_637 = arith.muli %iota3A, %mul3A_636 : vector<16xi32>
          %add3A_638 = vector.broadcast %select_n3A_534 : i32 to vector<16xi32>
          %add3A_639 = arith.addi %mul3A_637, %add3A_638 : vector<16xi32>
          %mul3A_640 = arith.constant 0 : i32
          %mul3A_641 = vector.broadcast %mul3A_640 : i32 to vector<16xi32>
          %mul3A_642 = arith.muli %iota3A, %mul3A_641 : vector<16xi32>
          %add3A_643 = arith.constant 4 : i32
          %add3A_644 = arith.addi %rem3A_538, %add3A_643 : i32
          %add3A_645 = vector.broadcast %add3A_644 : i32 to vector<16xi32>
          %add3A_646 = arith.addi %mul3A_642, %add3A_645 : vector<16xi32>
          tpu.vector_store_idx %arg11[%select_n3A, %add3A_639, %rem3A_30, %add3A_646], %bitcast3A_634 : memref<2x5x8x129xi32, #tpu.memory_space<vmem>>[vector<16xi32>, vector<16xi32>, vector<16xi32>, vector<16xi32>], vector<16xi32>,
          %mul3A_647 = arith.constant 8 : i32
          %mul3A_648 = arith.muli %scan3A_508, %mul3A_647 : i32
          %add3A_649 = arith.constant 5 : i32
          %add3A_650 = arith.addi %mul3A_648, %add3A_649 : i32
          %add3A_651 = arith.constant 512 : i32
          %add3A_652 = arith.addi %add3A_651, %add3A_650 : i32
          %get3A_653 = arith.index_cast %add3A_652 : i32 to index
          %get3A_654 = arith.constant 0 : index
          %get3A_655 = tpu.vector_load %arg8[%get3A_653, %get3A_654] {strides = array<i32>} : memref<2048x32xbf16, #tpu.memory_space<vmem>>, vector<32xbf16>,
          %bitcast3A_656 = vector.bitcast %get3A_655 : vector<32xbf16> to vector<16xi32>
          %mul3A_657 = arith.constant 0 : i32
          %mul3A_658 = vector.broadcast %mul3A_657 : i32 to vector<16xi32>
          %mul3A_659 = arith.muli %iota3A, %mul3A_658 : vector<16xi32>
          %add3A_660 = vector.broadcast %select_n3A_534 : i32 to vector<16xi32>
          %add3A_661 = arith.addi %mul3A_659, %add3A_660 : vector<16xi32>
          %mul3A_662 = arith.constant 0 : i32
          %mul3A_663 = vector.broadcast %mul3A_662 : i32 to vector<16xi32>
          %mul3A_664 = arith.muli %iota3A, %mul3A_663 : vector<16xi32>
          %add3A_665 = arith.constant 5 : i32
          %add3A_666 = arith.addi %rem3A_538, %add3A_665 : i32
          %add3A_667 = vector.broadcast %add3A_666 : i32 to vector<16xi32>
          %add3A_668 = arith.addi %mul3A_664, %add3A_667 : vector<16xi32>
          tpu.vector_store_idx %arg11[%select_n3A, %add3A_661, %rem3A_30, %add3A_668], %bitcast3A_656 : memref<2x5x8x129xi32, #tpu.memory_space<vmem>>[vector<16xi32>, vector<16xi32>, vector<16xi32>, vector<16xi32>], vector<16xi32>,
          %mul3A_669 = arith.constant 8 : i32
          %mul3A_670 = arith.muli %scan3A_508, %mul3A_669 : i32
          %add3A_671 = arith.constant 6 : i32
          %add3A_672 = arith.addi %mul3A_670, %add3A_671 : i32
          %add3A_673 = arith.constant 512 : i32
          %add3A_674 = arith.addi %add3A_673, %add3A_672 : i32
          %get3A_675 = arith.index_cast %add3A_674 : i32 to index
          %get3A_676 = arith.constant 0 : index
          %get3A_677 = tpu.vector_load %arg8[%get3A_675, %get3A_676] {strides = array<i32>} : memref<2048x32xbf16, #tpu.memory_space<vmem>>, vector<32xbf16>,
          %bitcast3A_678 = vector.bitcast %get3A_677 : vector<32xbf16> to vector<16xi32>
          %mul3A_679 = arith.constant 0 : i32
          %mul3A_680 = vector.broadcast %mul3A_679 : i32 to vector<16xi32>
          %mul3A_681 = arith.muli %iota3A, %mul3A_680 : vector<16xi32>
          %add3A_682 = vector.broadcast %select_n3A_534 : i32 to vector<16xi32>
          %add3A_683 = arith.addi %mul3A_681, %add3A_682 : vector<16xi32>
          %mul3A_684 = arith.constant 0 : i32
          %mul3A_685 = vector.broadcast %mul3A_684 : i32 to vector<16xi32>
          %mul3A_686 = arith.muli %iota3A, %mul3A_685 : vector<16xi32>
          %add3A_687 = arith.constant 6 : i32
          %add3A_688 = arith.addi %rem3A_538, %add3A_687 : i32
          %add3A_689 = vector.broadcast %add3A_688 : i32 to vector<16xi32>
          %add3A_690 = arith.addi %mul3A_686, %add3A_689 : vector<16xi32>
          tpu.vector_store_idx %arg11[%select_n3A, %add3A_683, %rem3A_30, %add3A_690], %bitcast3A_678 : memref<2x5x8x129xi32, #tpu.memory_space<vmem>>[vector<16xi32>, vector<16xi32>, vector<16xi32>, vector<16xi32>], vector<16xi32>,
          %mul3A_691 = arith.constant 8 : i32
          %mul3A_692 = arith.muli %scan3A_508, %mul3A_691 : i32
          %add3A_693 = arith.constant 7 : i32
          %add3A_694 = arith.addi %mul3A_692, %add3A_693 : i32
          %add3A_695 = arith.constant 512 : i32
          %add3A_696 = arith.addi %add3A_695, %add3A_694 : i32
          %get3A_697 = arith.index_cast %add3A_696 : i32 to index
          %get3A_698 = arith.constant 0 : index
          %get3A_699 = tpu.vector_load %arg8[%get3A_697, %get3A_698] {strides = array<i32>} : memref<2048x32xbf16, #tpu.memory_space<vmem>>, vector<32xbf16>,
          %bitcast3A_700 = vector.bitcast %get3A_699 : vector<32xbf16> to vector<16xi32>
          %mul3A_701 = arith.constant 0 : i32
          %mul3A_702 = vector.broadcast %mul3A_701 : i32 to vector<16xi32>
          %mul3A_703 = arith.muli %iota3A, %mul3A_702 : vector<16xi32>
          %add3A_704 = vector.broadcast %select_n3A_534 : i32 to vector<16xi32>
          %add3A_705 = arith.addi %mul3A_703, %add3A_704 : vector<16xi32>
          %mul3A_706 = arith.constant 0 : i32
          %mul3A_707 = vector.broadcast %mul3A_706 : i32 to vector<16xi32>
          %mul3A_708 = arith.muli %iota3A, %mul3A_707 : vector<16xi32>
          %add3A_709 = arith.constant 7 : i32
          %add3A_710 = arith.addi %rem3A_538, %add3A_709 : i32
          %add3A_711 = vector.broadcast %add3A_710 : i32 to vector<16xi32>
          %add3A_712 = arith.addi %mul3A_708, %add3A_711 : vector<16xi32>
          tpu.vector_store_idx %arg11[%select_n3A, %add3A_705, %rem3A_30, %add3A_712], %bitcast3A_700 : memref<2x5x8x129xi32, #tpu.memory_space<vmem>>[vector<16xi32>, vector<16xi32>, vector<16xi32>, vector<16xi32>], vector<16xi32>,
        }
        %scan3A_115 = arith.constant 64 : i32
        %dma_start3A_116 = arith.constant 0 : i32
        %dma_start3A_117 = arith.constant 0 : i32
        %dma_start3A_118 = arith.constant 0 : i32
        %dma_start3A_119 = arith.constant 0 : i32
        %dma_start3A_120 = tpu.memref_slice %arg11[%dma_start3A_116, %dma_start3A_117, %dma_start3A_118, %dma_start3A_119] : memref<2x5x8x129xi32, #tpu.memory_space<vmem>> -> memref<2x4x8x128xi32, #tpu.memory_space<vmem>>
        %dma_start3A_121 = arith.constant 0 : i32
        %dma_start3A_122 = arith.constant 0 : i32
        %dma_start3A_123 = arith.constant 0 : i32
        %dma_start3A_124 = tpu.memref_slice %arg4[%add3A_109, %dma_start3A_121, %mul3A_4, %dma_start3A_122, %dma_start3A_123] : memref<200x2x128x8x128xi32, #tpu.memory_space<hbm>> -> memref<1x2x4x8x128xi32, #tpu.memory_space<hbm>>
        %dma_start3A_125 = tpu.memref_squeeze %dma_start3A_124 : memref<1x2x4x8x128xi32, #tpu.memory_space<hbm>> -> memref<2x4x8x128xi32, #tpu.memory_space<hbm>>
        %dma_start3A_126 = arith.constant 0 : i32
        %dma_start3A_127 = arith.constant 0 : i32
        %dma_start3A_128 = arith.constant 0 : i32
        %dma_start3A_129 = tpu.memref_slice %arg4[%add3A_109, %dma_start3A_126, %mul3A_4, %dma_start3A_127, %dma_start3A_128] : memref<200x2x128x8x128xi32, #tpu.memory_space<hbm>> -> memref<1x2x4x8x128xi32, #tpu.memory_space<hbm>>
        %dma_start3A_130 = tpu.memref_squeeze %dma_start3A_129 : memref<1x2x4x8x128xi32, #tpu.memory_space<hbm>> -> memref<2x4x8x128xi32, #tpu.memory_space<hbm>>
        %dma_start3A_131 = arith.constant 0 : i32
        %dma_start3A_132 = arith.constant 0 : i32
        %dma_start3A_133 = arith.constant 0 : i32
        %dma_start3A_134 = arith.constant 0 : i32
        %dma_start3A_135 = tpu.memref_slice %arg11[%dma_start3A_131, %dma_start3A_132, %dma_start3A_133, %dma_start3A_134] : memref<2x5x8x129xi32, #tpu.memory_space<vmem>> -> memref<2x4x8x128xi32, #tpu.memory_space<vmem>>
        tpu.enqueue_dma source(%dma_start3A_135 : memref<2x4x8x128xi32, #tpu.memory_space<vmem>>) target(%dma_start3A_130 : memref<2x4x8x128xi32, #tpu.memory_space<hbm>>) target_semaphore(%arg15 : memref<!tpu.dma_semaphore, #tpu.memory_space<semaphore_mem>>)
        %mul3A_136 = arith.constant 4 : i32
        %mul3A_137 = arith.muli %add3A_75, %mul3A_136 : i32
        %add3A_138 = arith.constant 2 : i32
        %add3A_139 = arith.addi %mul3A_137, %add3A_138 : i32
        %sub3A_140 = arith.constant 2 : i32
        %sub3A_141 = arith.subi %add3A_139, %sub3A_140 : i32
        %dma_wait3A_142 = arith.constant 0 : i32
        %dma_wait3A_143 = arith.constant 0 : i32
        %dma_wait3A_144 = arith.constant 0 : i32
        %dma_wait3A_145 = arith.constant 0 : i32
        %dma_wait3A_146 = tpu.memref_slice %arg10[%dma_wait3A_142, %dma_wait3A_143, %dma_wait3A_144, %dma_wait3A_145] : memref<2x5x8x129xi32, #tpu.memory_space<vmem>> -> memref<2x4x8x128xi32, #tpu.memory_space<vmem>>
        %dma_wait3A_147 = arith.constant 0 : i32
        %dma_wait3A_148 = arith.constant 0 : i32
        %dma_wait3A_149 = arith.constant 0 : i32
        %dma_wait3A_150 = tpu.memref_slice %arg4[%sub3A_141, %dma_wait3A_147, %mul3A_4, %dma_wait3A_148, %dma_wait3A_149] : memref<200x2x128x8x128xi32, #tpu.memory_space<hbm>> -> memref<1x2x4x8x128xi32, #tpu.memory_space<hbm>>
        %dma_wait3A_151 = tpu.memref_squeeze %dma_wait3A_150 : memref<1x2x4x8x128xi32, #tpu.memory_space<hbm>> -> memref<2x4x8x128xi32, #tpu.memory_space<hbm>>
        %dma_wait3A_152 = arith.constant 0 : i32
        %dma_wait3A_153 = arith.constant 0 : i32
        %dma_wait3A_154 = arith.constant 0 : i32
        %dma_wait3A_155 = tpu.memref_slice %arg4[%sub3A_141, %dma_wait3A_152, %mul3A_4, %dma_wait3A_153, %dma_wait3A_154] : memref<200x2x128x8x128xi32, #tpu.memory_space<hbm>> -> memref<1x2x4x8x128xi32, #tpu.memory_space<hbm>>
        %dma_wait3A_156 = tpu.memref_squeeze %dma_wait3A_155 : memref<1x2x4x8x128xi32, #tpu.memory_space<hbm>> -> memref<2x4x8x128xi32, #tpu.memory_space<hbm>>
        %dma_wait3A_157 = arith.constant 0 : i32
        %dma_wait3A_158 = arith.constant 0 : i32
        %dma_wait3A_159 = arith.constant 0 : i32
        %dma_wait3A_160 = arith.constant 0 : i32
        %dma_wait3A_161 = tpu.memref_slice %arg10[%dma_wait3A_157, %dma_wait3A_158, %dma_wait3A_159, %dma_wait3A_160] : memref<2x5x8x129xi32, #tpu.memory_space<vmem>> -> memref<2x4x8x128xi32, #tpu.memory_space<vmem>>
        tpu.wait_dma2 semaphore(%arg14 : memref<!tpu.dma_semaphore, #tpu.memory_space<semaphore_mem>>) src(%dma_wait3A_161 : memref<2x4x8x128xi32, #tpu.memory_space<vmem>>) dst(%dma_wait3A_156 : memref<2x4x8x128xi32, #tpu.memory_space<hbm>>)
        %scan3A_162 = arith.constant 0 : i32
        %scan3A_163 = arith.constant 0 : i32
        %scan3A_164 = arith.constant 64 : i32
        %scan3A_165 = arith.addi %scan3A_163, %scan3A_164 : i32
        %scan3A_166 = arith.constant 1 : i32
        scf.for %scan3A_508 = %scan3A_163 to %scan3A_165 step %scan3A_166  : i32 {
          %mul3A_509 = arith.constant 8 : i32
          %mul3A_510 = arith.muli %scan3A_508, %mul3A_509 : i32
          %jit3A_511 = arith.constant 128 : i32
          %div3A_512 = arith.divsi %mul3A_510, %jit3A_511 : i32
          %sign3A_513 = arith.constant 0 : i32
          %sign3A_514 = arith.cmpi sgt, %mul3A_510, %sign3A_513 : i32
          %sign3A_515 = arith.extui %sign3A_514 : i1 to i32
          %sign3A_516 = arith.constant 0 : i32
          %sign3A_517 = arith.cmpi slt, %mul3A_510, %sign3A_516 : i32
          %sign3A_518 = arith.extui %sign3A_517 : i1 to i32
          %sign3A_519 = arith.subi %sign3A_515, %sign3A_518 : i32
          %sign3A_520 = arith.constant 0 : i32
          %sign3A_521 = arith.cmpi sgt, %jit3A_511, %sign3A_520 : i32
          %sign3A_522 = arith.extui %sign3A_521 : i1 to i32
          %sign3A_523 = arith.constant 0 : i32
          %sign3A_524 = arith.cmpi slt, %jit3A_511, %sign3A_523 : i32
          %sign3A_525 = arith.extui %sign3A_524 : i1 to i32
          %sign3A_526 = arith.subi %sign3A_522, %sign3A_525 : i32
          %ne3A_527 = arith.cmpi ne, %sign3A_519, %sign3A_526 : i32
          %rem3A_528 = arith.remsi %mul3A_510, %jit3A_511 : i32
          %ne3A_529 = arith.constant 0 : i32
          %ne3A_530 = arith.cmpi ne, %rem3A_528, %ne3A_529 : i32
          %and3A_531 = arith.andi %ne3A_527, %ne3A_530 : i1
          %sub3A_532 = arith.constant 1 : i32
          %sub3A_533 = arith.subi %div3A_512, %sub3A_532 : i32
          %select_n3A_534 = arith.select %and3A_531, %sub3A_533, %div3A_512 : i32
          %mul3A_535 = arith.constant 8 : i32
          %mul3A_536 = arith.muli %scan3A_508, %mul3A_535 : i32
          %rem3A_537 = arith.constant 128 : i32
          %rem3A_538 = arith.remsi %mul3A_536, %rem3A_537 : i32
          %mul3A_539 = arith.constant 8 : i32
          %mul3A_540 = arith.muli %scan3A_508, %mul3A_539 : i32
          %add3A_541 = arith.constant 0 : i32
          %add3A_542 = arith.addi %mul3A_540, %add3A_541 : i32
          %add3A_543 = arith.constant 1024 : i32
          %add3A_544 = arith.addi %add3A_543, %add3A_542 : i32
          %get3A = arith.index_cast %add3A_544 : i32 to index
          %get3A_545 = arith.constant 0 : index
          %get3A_546 = tpu.vector_load %arg8[%get3A, %get3A_545] {strides = array<i32>} : memref<2048x32xbf16, #tpu.memory_space<vmem>>, vector<32xbf16>,
          %bitcast3A = vector.bitcast %get3A_546 : vector<32xbf16> to vector<16xi32>
          %mul3A_547 = arith.constant 0 : i32
          %mul3A_548 = vector.broadcast %mul3A_547 : i32 to vector<16xi32>
          %mul3A_549 = arith.muli %iota3A, %mul3A_548 : vector<16xi32>
          %add3A_550 = vector.broadcast %select_n3A_534 : i32 to vector<16xi32>
          %add3A_551 = arith.addi %mul3A_549, %add3A_550 : vector<16xi32>
          %mul3A_552 = arith.constant 0 : i32
          %mul3A_553 = vector.broadcast %mul3A_552 : i32 to vector<16xi32>
          %mul3A_554 = arith.muli %iota3A, %mul3A_553 : vector<16xi32>
          %add3A_555 = arith.constant 0 : i32
          %add3A_556 = arith.addi %rem3A_538, %add3A_555 : i32
          %add3A_557 = vector.broadcast %add3A_556 : i32 to vector<16xi32>
          %add3A_558 = arith.addi %mul3A_554, %add3A_557 : vector<16xi32>
          tpu.vector_store_idx %arg10[%select_n3A, %add3A_551, %rem3A_30, %add3A_558], %bitcast3A : memref<2x5x8x129xi32, #tpu.memory_space<vmem>>[vector<16xi32>, vector<16xi32>, vector<16xi32>, vector<16xi32>], vector<16xi32>,
          %mul3A_559 = arith.constant 8 : i32
          %mul3A_560 = arith.muli %scan3A_508, %mul3A_559 : i32
          %add3A_561 = arith.constant 1 : i32
          %add3A_562 = arith.addi %mul3A_560, %add3A_561 : i32
          %add3A_563 = arith.constant 1024 : i32
          %add3A_564 = arith.addi %add3A_563, %add3A_562 : i32
          %get3A_565 = arith.index_cast %add3A_564 : i32 to index
          %get3A_566 = arith.constant 0 : index
          %get3A_567 = tpu.vector_load %arg8[%get3A_565, %get3A_566] {strides = array<i32>} : memref<2048x32xbf16, #tpu.memory_space<vmem>>, vector<32xbf16>,
          %bitcast3A_568 = vector.bitcast %get3A_567 : vector<32xbf16> to vector<16xi32>
          %mul3A_569 = arith.constant 0 : i32
          %mul3A_570 = vector.broadcast %mul3A_569 : i32 to vector<16xi32>
          %mul3A_571 = arith.muli %iota3A, %mul3A_570 : vector<16xi32>
          %add3A_572 = vector.broadcast %select_n3A_534 : i32 to vector<16xi32>
          %add3A_573 = arith.addi %mul3A_571, %add3A_572 : vector<16xi32>
          %mul3A_574 = arith.constant 0 : i32
          %mul3A_575 = vector.broadcast %mul3A_574 : i32 to vector<16xi32>
          %mul3A_576 = arith.muli %iota3A, %mul3A_575 : vector<16xi32>
          %add3A_577 = arith.constant 1 : i32
          %add3A_578 = arith.addi %rem3A_538, %add3A_577 : i32
          %add3A_579 = vector.broadcast %add3A_578 : i32 to vector<16xi32>
          %add3A_580 = arith.addi %mul3A_576, %add3A_579 : vector<16xi32>
          tpu.vector_store_idx %arg10[%select_n3A, %add3A_573, %rem3A_30, %add3A_580], %bitcast3A_568 : memref<2x5x8x129xi32, #tpu.memory_space<vmem>>[vector<16xi32>, vector<16xi32>, vector<16xi32>, vector<16xi32>], vector<16xi32>,
          %mul3A_581 = arith.constant 8 : i32
          %mul3A_582 = arith.muli %scan3A_508, %mul3A_581 : i32
          %add3A_583 = arith.constant 2 : i32
          %add3A_584 = arith.addi %mul3A_582, %add3A_583 : i32
          %add3A_585 = arith.constant 1024 : i32
          %add3A_586 = arith.addi %add3A_585, %add3A_584 : i32
          %get3A_587 = arith.index_cast %add3A_586 : i32 to index
          %get3A_588 = arith.constant 0 : index
          %get3A_589 = tpu.vector_load %arg8[%get3A_587, %get3A_588] {strides = array<i32>} : memref<2048x32xbf16, #tpu.memory_space<vmem>>, vector<32xbf16>,
          %bitcast3A_590 = vector.bitcast %get3A_589 : vector<32xbf16> to vector<16xi32>
          %mul3A_591 = arith.constant 0 : i32
          %mul3A_592 = vector.broadcast %mul3A_591 : i32 to vector<16xi32>
          %mul3A_593 = arith.muli %iota3A, %mul3A_592 : vector<16xi32>
          %add3A_594 = vector.broadcast %select_n3A_534 : i32 to vector<16xi32>
          %add3A_595 = arith.addi %mul3A_593, %add3A_594 : vector<16xi32>
          %mul3A_596 = arith.constant 0 : i32
          %mul3A_597 = vector.broadcast %mul3A_596 : i32 to vector<16xi32>
          %mul3A_598 = arith.muli %iota3A, %mul3A_597 : vector<16xi32>
          %add3A_599 = arith.constant 2 : i32
          %add3A_600 = arith.addi %rem3A_538, %add3A_599 : i32
          %add3A_601 = vector.broadcast %add3A_600 : i32 to vector<16xi32>
          %add3A_602 = arith.addi %mul3A_598, %add3A_601 : vector<16xi32>
          tpu.vector_store_idx %arg10[%select_n3A, %add3A_595, %rem3A_30, %add3A_602], %bitcast3A_590 : memref<2x5x8x129xi32, #tpu.memory_space<vmem>>[vector<16xi32>, vector<16xi32>, vector<16xi32>, vector<16xi32>], vector<16xi32>,
          %mul3A_603 = arith.constant 8 : i32
          %mul3A_604 = arith.muli %scan3A_508, %mul3A_603 : i32
          %add3A_605 = arith.constant 3 : i32
          %add3A_606 = arith.addi %mul3A_604, %add3A_605 : i32
          %add3A_607 = arith.constant 1024 : i32
          %add3A_608 = arith.addi %add3A_607, %add3A_606 : i32
          %get3A_609 = arith.index_cast %add3A_608 : i32 to index
          %get3A_610 = arith.constant 0 : index
          %get3A_611 = tpu.vector_load %arg8[%get3A_609, %get3A_610] {strides = array<i32>} : memref<2048x32xbf16, #tpu.memory_space<vmem>>, vector<32xbf16>,
          %bitcast3A_612 = vector.bitcast %get3A_611 : vector<32xbf16> to vector<16xi32>
          %mul3A_613 = arith.constant 0 : i32
          %mul3A_614 = vector.broadcast %mul3A_613 : i32 to vector<16xi32>
          %mul3A_615 = arith.muli %iota3A, %mul3A_614 : vector<16xi32>
          %add3A_616 = vector.broadcast %select_n3A_534 : i32 to vector<16xi32>
          %add3A_617 = arith.addi %mul3A_615, %add3A_616 : vector<16xi32>
          %mul3A_618 = arith.constant 0 : i32
          %mul3A_619 = vector.broadcast %mul3A_618 : i32 to vector<16xi32>
          %mul3A_620 = arith.muli %iota3A, %mul3A_619 : vector<16xi32>
          %add3A_621 = arith.constant 3 : i32
          %add3A_622 = arith.addi %rem3A_538, %add3A_621 : i32
          %add3A_623 = vector.broadcast %add3A_622 : i32 to vector<16xi32>
          %add3A_624 = arith.addi %mul3A_620, %add3A_623 : vector<16xi32>
          tpu.vector_store_idx %arg10[%select_n3A, %add3A_617, %rem3A_30, %add3A_624], %bitcast3A_612 : memref<2x5x8x129xi32, #tpu.memory_space<vmem>>[vector<16xi32>, vector<16xi32>, vector<16xi32>, vector<16xi32>], vector<16xi32>,
          %mul3A_625 = arith.constant 8 : i32
          %mul3A_626 = arith.muli %scan3A_508, %mul3A_625 : i32
          %add3A_627 = arith.constant 4 : i32
          %add3A_628 = arith.addi %mul3A_626, %add3A_627 : i32
          %add3A_629 = arith.constant 1024 : i32
          %add3A_630 = arith.addi %add3A_629, %add3A_628 : i32
          %get3A_631 = arith.index_cast %add3A_630 : i32 to index
          %get3A_632 = arith.constant 0 : index
          %get3A_633 = tpu.vector_load %arg8[%get3A_631, %get3A_632] {strides = array<i32>} : memref<2048x32xbf16, #tpu.memory_space<vmem>>, vector<32xbf16>,
          %bitcast3A_634 = vector.bitcast %get3A_633 : vector<32xbf16> to vector<16xi32>
          %mul3A_635 = arith.constant 0 : i32
          %mul3A_636 = vector.broadcast %mul3A_635 : i32 to vector<16xi32>
          %mul3A_637 = arith.muli %iota3A, %mul3A_636 : vector<16xi32>
          %add3A_638 = vector.broadcast %select_n3A_534 : i32 to vector<16xi32>
          %add3A_639 = arith.addi %mul3A_637, %add3A_638 : vector<16xi32>
          %mul3A_640 = arith.constant 0 : i32
          %mul3A_641 = vector.broadcast %mul3A_640 : i32 to vector<16xi32>
          %mul3A_642 = arith.muli %iota3A, %mul3A_641 : vector<16xi32>
          %add3A_643 = arith.constant 4 : i32
          %add3A_644 = arith.addi %rem3A_538, %add3A_643 : i32
          %add3A_645 = vector.broadcast %add3A_644 : i32 to vector<16xi32>
          %add3A_646 = arith.addi %mul3A_642, %add3A_645 : vector<16xi32>
          tpu.vector_store_idx %arg10[%select_n3A, %add3A_639, %rem3A_30, %add3A_646], %bitcast3A_634 : memref<2x5x8x129xi32, #tpu.memory_space<vmem>>[vector<16xi32>, vector<16xi32>, vector<16xi32>, vector<16xi32>], vector<16xi32>,
          %mul3A_647 = arith.constant 8 : i32
          %mul3A_648 = arith.muli %scan3A_508, %mul3A_647 : i32
          %add3A_649 = arith.constant 5 : i32
          %add3A_650 = arith.addi %mul3A_648, %add3A_649 : i32
          %add3A_651 = arith.constant 1024 : i32
          %add3A_652 = arith.addi %add3A_651, %add3A_650 : i32
          %get3A_653 = arith.index_cast %add3A_652 : i32 to index
          %get3A_654 = arith.constant 0 : index
          %get3A_655 = tpu.vector_load %arg8[%get3A_653, %get3A_654] {strides = array<i32>} : memref<2048x32xbf16, #tpu.memory_space<vmem>>, vector<32xbf16>,
          %bitcast3A_656 = vector.bitcast %get3A_655 : vector<32xbf16> to vector<16xi32>
          %mul3A_657 = arith.constant 0 : i32
          %mul3A_658 = vector.broadcast %mul3A_657 : i32 to vector<16xi32>
          %mul3A_659 = arith.muli %iota3A, %mul3A_658 : vector<16xi32>
          %add3A_660 = vector.broadcast %select_n3A_534 : i32 to vector<16xi32>
          %add3A_661 = arith.addi %mul3A_659, %add3A_660 : vector<16xi32>
          %mul3A_662 = arith.constant 0 : i32
          %mul3A_663 = vector.broadcast %mul3A_662 : i32 to vector<16xi32>
          %mul3A_664 = arith.muli %iota3A, %mul3A_663 : vector<16xi32>
          %add3A_665 = arith.constant 5 : i32
          %add3A_666 = arith.addi %rem3A_538, %add3A_665 : i32
          %add3A_667 = vector.broadcast %add3A_666 : i32 to vector<16xi32>
          %add3A_668 = arith.addi %mul3A_664, %add3A_667 : vector<16xi32>
          tpu.vector_store_idx %arg10[%select_n3A, %add3A_661, %rem3A_30, %add3A_668], %bitcast3A_656 : memref<2x5x8x129xi32, #tpu.memory_space<vmem>>[vector<16xi32>, vector<16xi32>, vector<16xi32>, vector<16xi32>], vector<16xi32>,
          %mul3A_669 = arith.constant 8 : i32
          %mul3A_670 = arith.muli %scan3A_508, %mul3A_669 : i32
          %add3A_671 = arith.constant 6 : i32
          %add3A_672 = arith.addi %mul3A_670, %add3A_671 : i32
          %add3A_673 = arith.constant 1024 : i32
          %add3A_674 = arith.addi %add3A_673, %add3A_672 : i32
          %get3A_675 = arith.index_cast %add3A_674 : i32 to index
          %get3A_676 = arith.constant 0 : index
          %get3A_677 = tpu.vector_load %arg8[%get3A_675, %get3A_676] {strides = array<i32>} : memref<2048x32xbf16, #tpu.memory_space<vmem>>, vector<32xbf16>,
          %bitcast3A_678 = vector.bitcast %get3A_677 : vector<32xbf16> to vector<16xi32>
          %mul3A_679 = arith.constant 0 : i32
          %mul3A_680 = vector.broadcast %mul3A_679 : i32 to vector<16xi32>
          %mul3A_681 = arith.muli %iota3A, %mul3A_680 : vector<16xi32>
          %add3A_682 = vector.broadcast %select_n3A_534 : i32 to vector<16xi32>
          %add3A_683 = arith.addi %mul3A_681, %add3A_682 : vector<16xi32>
          %mul3A_684 = arith.constant 0 : i32
          %mul3A_685 = vector.broadcast %mul3A_684 : i32 to vector<16xi32>
          %mul3A_686 = arith.muli %iota3A, %mul3A_685 : vector<16xi32>
          %add3A_687 = arith.constant 6 : i32
          %add3A_688 = arith.addi %rem3A_538, %add3A_687 : i32
          %add3A_689 = vector.broadcast %add3A_688 : i32 to vector<16xi32>
          %add3A_690 = arith.addi %mul3A_686, %add3A_689 : vector<16xi32>
          tpu.vector_store_idx %arg10[%select_n3A, %add3A_683, %rem3A_30, %add3A_690], %bitcast3A_678 : memref<2x5x8x129xi32, #tpu.memory_space<vmem>>[vector<16xi32>, vector<16xi32>, vector<16xi32>, vector<16xi32>], vector<16xi32>,
          %mul3A_691 = arith.constant 8 : i32
          %mul3A_692 = arith.muli %scan3A_508, %mul3A_691 : i32
          %add3A_693 = arith.constant 7 : i32
          %add3A_694 = arith.addi %mul3A_692, %add3A_693 : i32
          %add3A_695 = arith.constant 1024 : i32
          %add3A_696 = arith.addi %add3A_695, %add3A_694 : i32
          %get3A_697 = arith.index_cast %add3A_696 : i32 to index
          %get3A_698 = arith.constant 0 : index
          %get3A_699 = tpu.vector_load %arg8[%get3A_697, %get3A_698] {strides = array<i32>} : memref<2048x32xbf16, #tpu.memory_space<vmem>>, vector<32xbf16>,
          %bitcast3A_700 = vector.bitcast %get3A_699 : vector<32xbf16> to vector<16xi32>
          %mul3A_701 = arith.constant 0 : i32
          %mul3A_702 = vector.broadcast %mul3A_701 : i32 to vector<16xi32>
          %mul3A_703 = arith.muli %iota3A, %mul3A_702 : vector<16xi32>
          %add3A_704 = vector.broadcast %select_n3A_534 : i32 to vector<16xi32>
          %add3A_705 = arith.addi %mul3A_703, %add3A_704 : vector<16xi32>
          %mul3A_706 = arith.constant 0 : i32
          %mul3A_707 = vector.broadcast %mul3A_706 : i32 to vector<16xi32>
          %mul3A_708 = arith.muli %iota3A, %mul3A_707 : vector<16xi32>
          %add3A_709 = arith.constant 7 : i32
          %add3A_710 = arith.addi %rem3A_538, %add3A_709 : i32
          %add3A_711 = vector.broadcast %add3A_710 : i32 to vector<16xi32>
          %add3A_712 = arith.addi %mul3A_708, %add3A_711 : vector<16xi32>
          tpu.vector_store_idx %arg10[%select_n3A, %add3A_705, %rem3A_30, %add3A_712], %bitcast3A_700 : memref<2x5x8x129xi32, #tpu.memory_space<vmem>>[vector<16xi32>, vector<16xi32>, vector<16xi32>, vector<16xi32>], vector<16xi32>,
        }
        %scan3A_167 = arith.constant 64 : i32
        %dma_start3A_168 = arith.constant 0 : i32
        %dma_start3A_169 = arith.constant 0 : i32
        %dma_start3A_170 = arith.constant 0 : i32
        %dma_start3A_171 = arith.constant 0 : i32
        %dma_start3A_172 = tpu.memref_slice %arg10[%dma_start3A_168, %dma_start3A_169, %dma_start3A_170, %dma_start3A_171] : memref<2x5x8x129xi32, #tpu.memory_space<vmem>> -> memref<2x4x8x128xi32, #tpu.memory_space<vmem>>
        %dma_start3A_173 = arith.constant 0 : i32
        %dma_start3A_174 = arith.constant 0 : i32
        %dma_start3A_175 = arith.constant 0 : i32
        %dma_start3A_176 = tpu.memref_slice %arg4[%add3A_139, %dma_start3A_173, %mul3A_4, %dma_start3A_174, %dma_start3A_175] : memref<200x2x128x8x128xi32, #tpu.memory_space<hbm>> -> memref<1x2x4x8x128xi32, #tpu.memory_space<hbm>>
        %dma_start3A_177 = tpu.memref_squeeze %dma_start3A_176 : memref<1x2x4x8x128xi32, #tpu.memory_space<hbm>> -> memref<2x4x8x128xi32, #tpu.memory_space<hbm>>
        %dma_start3A_178 = arith.constant 0 : i32
        %dma_start3A_179 = arith.constant 0 : i32
        %dma_start3A_180 = arith.constant 0 : i32
        %dma_start3A_181 = tpu.memref_slice %arg4[%add3A_139, %dma_start3A_178, %mul3A_4, %dma_start3A_179, %dma_start3A_180] : memref<200x2x128x8x128xi32, #tpu.memory_space<hbm>> -> memref<1x2x4x8x128xi32, #tpu.memory_space<hbm>>
        %dma_start3A_182 = tpu.memref_squeeze %dma_start3A_181 : memref<1x2x4x8x128xi32, #tpu.memory_space<hbm>> -> memref<2x4x8x128xi32, #tpu.memory_space<hbm>>
        %dma_start3A_183 = arith.constant 0 : i32
        %dma_start3A_184 = arith.constant 0 : i32
        %dma_start3A_185 = arith.constant 0 : i32
        %dma_start3A_186 = arith.constant 0 : i32
        %dma_start3A_187 = tpu.memref_slice %arg10[%dma_start3A_183, %dma_start3A_184, %dma_start3A_185, %dma_start3A_186] : memref<2x5x8x129xi32, #tpu.memory_space<vmem>> -> memref<2x4x8x128xi32, #tpu.memory_space<vmem>>
        tpu.enqueue_dma source(%dma_start3A_187 : memref<2x4x8x128xi32, #tpu.memory_space<vmem>>) target(%dma_start3A_182 : memref<2x4x8x128xi32, #tpu.memory_space<hbm>>) target_semaphore(%arg14 : memref<!tpu.dma_semaphore, #tpu.memory_space<semaphore_mem>>)
        %mul3A_188 = arith.constant 4 : i32
        %mul3A_189 = arith.muli %add3A_75, %mul3A_188 : i32
        %add3A_190 = arith.constant 3 : i32
        %add3A_191 = arith.addi %mul3A_189, %add3A_190 : i32
        %sub3A_192 = arith.constant 2 : i32
        %sub3A_193 = arith.subi %add3A_191, %sub3A_192 : i32
        %dma_wait3A_194 = arith.constant 0 : i32
        %dma_wait3A_195 = arith.constant 0 : i32
        %dma_wait3A_196 = arith.constant 0 : i32
        %dma_wait3A_197 = arith.constant 0 : i32
        %dma_wait3A_198 = tpu.memref_slice %arg11[%dma_wait3A_194, %dma_wait3A_195, %dma_wait3A_196, %dma_wait3A_197] : memref<2x5x8x129xi32, #tpu.memory_space<vmem>> -> memref<2x4x8x128xi32, #tpu.memory_space<vmem>>
        %dma_wait3A_199 = arith.constant 0 : i32
        %dma_wait3A_200 = arith.constant 0 : i32
        %dma_wait3A_201 = arith.constant 0 : i32
        %dma_wait3A_202 = tpu.memref_slice %arg4[%sub3A_193, %dma_wait3A_199, %mul3A_4, %dma_wait3A_200, %dma_wait3A_201] : memref<200x2x128x8x128xi32, #tpu.memory_space<hbm>> -> memref<1x2x4x8x128xi32, #tpu.memory_space<hbm>>
        %dma_wait3A_203 = tpu.memref_squeeze %dma_wait3A_202 : memref<1x2x4x8x128xi32, #tpu.memory_space<hbm>> -> memref<2x4x8x128xi32, #tpu.memory_space<hbm>>
        %dma_wait3A_204 = arith.constant 0 : i32
        %dma_wait3A_205 = arith.constant 0 : i32
        %dma_wait3A_206 = arith.constant 0 : i32
        %dma_wait3A_207 = tpu.memref_slice %arg4[%sub3A_193, %dma_wait3A_204, %mul3A_4, %dma_wait3A_205, %dma_wait3A_206] : memref<200x2x128x8x128xi32, #tpu.memory_space<hbm>> -> memref<1x2x4x8x128xi32, #tpu.memory_space<hbm>>
        %dma_wait3A_208 = tpu.memref_squeeze %dma_wait3A_207 : memref<1x2x4x8x128xi32, #tpu.memory_space<hbm>> -> memref<2x4x8x128xi32, #tpu.memory_space<hbm>>
        %dma_wait3A_209 = arith.constant 0 : i32
        %dma_wait3A_210 = arith.constant 0 : i32
        %dma_wait3A_211 = arith.constant 0 : i32
        %dma_wait3A_212 = arith.constant 0 : i32
        %dma_wait3A_213 = tpu.memref_slice %arg11[%dma_wait3A_209, %dma_wait3A_210, %dma_wait3A_211, %dma_wait3A_212] : memref<2x5x8x129xi32, #tpu.memory_space<vmem>> -> memref<2x4x8x128xi32, #tpu.memory_space<vmem>>
        tpu.wait_dma2 semaphore(%arg15 : memref<!tpu.dma_semaphore, #tpu.memory_space<semaphore_mem>>) src(%dma_wait3A_213 : memref<2x4x8x128xi32, #tpu.memory_space<vmem>>) dst(%dma_wait3A_208 : memref<2x4x8x128xi32, #tpu.memory_space<hbm>>)
        %scan3A_214 = arith.constant 0 : i32
        %scan3A_215 = arith.constant 0 : i32
        %scan3A_216 = arith.constant 64 : i32
        %scan3A_217 = arith.addi %scan3A_215, %scan3A_216 : i32
        %scan3A_218 = arith.constant 1 : i32
        scf.for %scan3A_508 = %scan3A_215 to %scan3A_217 step %scan3A_218  : i32 {
          %mul3A_509 = arith.constant 8 : i32
          %mul3A_510 = arith.muli %scan3A_508, %mul3A_509 : i32
          %jit3A_511 = arith.constant 128 : i32
          %div3A_512 = arith.divsi %mul3A_510, %jit3A_511 : i32
          %sign3A_513 = arith.constant 0 : i32
          %sign3A_514 = arith.cmpi sgt, %mul3A_510, %sign3A_513 : i32
          %sign3A_515 = arith.extui %sign3A_514 : i1 to i32
          %sign3A_516 = arith.constant 0 : i32
          %sign3A_517 = arith.cmpi slt, %mul3A_510, %sign3A_516 : i32
          %sign3A_518 = arith.extui %sign3A_517 : i1 to i32
          %sign3A_519 = arith.subi %sign3A_515, %sign3A_518 : i32
          %sign3A_520 = arith.constant 0 : i32
          %sign3A_521 = arith.cmpi sgt, %jit3A_511, %sign3A_520 : i32
          %sign3A_522 = arith.extui %sign3A_521 : i1 to i32
          %sign3A_523 = arith.constant 0 : i32
          %sign3A_524 = arith.cmpi slt, %jit3A_511, %sign3A_523 : i32
          %sign3A_525 = arith.extui %sign3A_524 : i1 to i32
          %sign3A_526 = arith.subi %sign3A_522, %sign3A_525 : i32
          %ne3A_527 = arith.cmpi ne, %sign3A_519, %sign3A_526 : i32
          %rem3A_528 = arith.remsi %mul3A_510, %jit3A_511 : i32
          %ne3A_529 = arith.constant 0 : i32
          %ne3A_530 = arith.cmpi ne, %rem3A_528, %ne3A_529 : i32
          %and3A_531 = arith.andi %ne3A_527, %ne3A_530 : i1
          %sub3A_532 = arith.constant 1 : i32
          %sub3A_533 = arith.subi %div3A_512, %sub3A_532 : i32
          %select_n3A_534 = arith.select %and3A_531, %sub3A_533, %div3A_512 : i32
          %mul3A_535 = arith.constant 8 : i32
          %mul3A_536 = arith.muli %scan3A_508, %mul3A_535 : i32
          %rem3A_537 = arith.constant 128 : i32
          %rem3A_538 = arith.remsi %mul3A_536, %rem3A_537 : i32
          %mul3A_539 = arith.constant 8 : i32
          %mul3A_540 = arith.muli %scan3A_508, %mul3A_539 : i32
          %add3A_541 = arith.constant 0 : i32
          %add3A_542 = arith.addi %mul3A_540, %add3A_541 : i32
          %add3A_543 = arith.constant 1536 : i32
          %add3A_544 = arith.addi %add3A_543, %add3A_542 : i32
          %get3A = arith.index_cast %add3A_544 : i32 to index
          %get3A_545 = arith.constant 0 : index
          %get3A_546 = tpu.vector_load %arg8[%get3A, %get3A_545] {strides = array<i32>} : memref<2048x32xbf16, #tpu.memory_space<vmem>>, vector<32xbf16>,
          %bitcast3A = vector.bitcast %get3A_546 : vector<32xbf16> to vector<16xi32>
          %mul3A_547 = arith.constant 0 : i32
          %mul3A_548 = vector.broadcast %mul3A_547 : i32 to vector<16xi32>
          %mul3A_549 = arith.muli %iota3A, %mul3A_548 : vector<16xi32>
          %add3A_550 = vector.broadcast %select_n3A_534 : i32 to vector<16xi32>
          %add3A_551 = arith.addi %mul3A_549, %add3A_550 : vector<16xi32>
          %mul3A_552 = arith.constant 0 : i32
          %mul3A_553 = vector.broadcast %mul3A_552 : i32 to vector<16xi32>
          %mul3A_554 = arith.muli %iota3A, %mul3A_553 : vector<16xi32>
          %add3A_555 = arith.constant 0 : i32
          %add3A_556 = arith.addi %rem3A_538, %add3A_555 : i32
          %add3A_557 = vector.broadcast %add3A_556 : i32 to vector<16xi32>
          %add3A_558 = arith.addi %mul3A_554, %add3A_557 : vector<16xi32>
          tpu.vector_store_idx %arg11[%select_n3A, %add3A_551, %rem3A_30, %add3A_558], %bitcast3A : memref<2x5x8x129xi32, #tpu.memory_space<vmem>>[vector<16xi32>, vector<16xi32>, vector<16xi32>, vector<16xi32>], vector<16xi32>,
          %mul3A_559 = arith.constant 8 : i32
          %mul3A_560 = arith.muli %scan3A_508, %mul3A_559 : i32
          %add3A_561 = arith.constant 1 : i32
          %add3A_562 = arith.addi %mul3A_560, %add3A_561 : i32
          %add3A_563 = arith.constant 1536 : i32
          %add3A_564 = arith.addi %add3A_563, %add3A_562 : i32
          %get3A_565 = arith.index_cast %add3A_564 : i32 to index
          %get3A_566 = arith.constant 0 : index
          %get3A_567 = tpu.vector_load %arg8[%get3A_565, %get3A_566] {strides = array<i32>} : memref<2048x32xbf16, #tpu.memory_space<vmem>>, vector<32xbf16>,
          %bitcast3A_568 = vector.bitcast %get3A_567 : vector<32xbf16> to vector<16xi32>
          %mul3A_569 = arith.constant 0 : i32
          %mul3A_570 = vector.broadcast %mul3A_569 : i32 to vector<16xi32>
          %mul3A_571 = arith.muli %iota3A, %mul3A_570 : vector<16xi32>
          %add3A_572 = vector.broadcast %select_n3A_534 : i32 to vector<16xi32>
          %add3A_573 = arith.addi %mul3A_571, %add3A_572 : vector<16xi32>
          %mul3A_574 = arith.constant 0 : i32
          %mul3A_575 = vector.broadcast %mul3A_574 : i32 to vector<16xi32>
          %mul3A_576 = arith.muli %iota3A, %mul3A_575 : vector<16xi32>
          %add3A_577 = arith.constant 1 : i32
          %add3A_578 = arith.addi %rem3A_538, %add3A_577 : i32
          %add3A_579 = vector.broadcast %add3A_578 : i32 to vector<16xi32>
          %add3A_580 = arith.addi %mul3A_576, %add3A_579 : vector<16xi32>
          tpu.vector_store_idx %arg11[%select_n3A, %add3A_573, %rem3A_30, %add3A_580], %bitcast3A_568 : memref<2x5x8x129xi32, #tpu.memory_space<vmem>>[vector<16xi32>, vector<16xi32>, vector<16xi32>, vector<16xi32>], vector<16xi32>,
          %mul3A_581 = arith.constant 8 : i32
          %mul3A_582 = arith.muli %scan3A_508, %mul3A_581 : i32
          %add3A_583 = arith.constant 2 : i32
          %add3A_584 = arith.addi %mul3A_582, %add3A_583 : i32
          %add3A_585 = arith.constant 1536 : i32
          %add3A_586 = arith.addi %add3A_585, %add3A_584 : i32
          %get3A_587 = arith.index_cast %add3A_586 : i32 to index
          %get3A_588 = arith.constant 0 : index
          %get3A_589 = tpu.vector_load %arg8[%get3A_587, %get3A_588] {strides = array<i32>} : memref<2048x32xbf16, #tpu.memory_space<vmem>>, vector<32xbf16>,
          %bitcast3A_590 = vector.bitcast %get3A_589 : vector<32xbf16> to vector<16xi32>
          %mul3A_591 = arith.constant 0 : i32
          %mul3A_592 = vector.broadcast %mul3A_591 : i32 to vector<16xi32>
          %mul3A_593 = arith.muli %iota3A, %mul3A_592 : vector<16xi32>
          %add3A_594 = vector.broadcast %select_n3A_534 : i32 to vector<16xi32>
          %add3A_595 = arith.addi %mul3A_593, %add3A_594 : vector<16xi32>
          %mul3A_596 = arith.constant 0 : i32
          %mul3A_597 = vector.broadcast %mul3A_596 : i32 to vector<16xi32>
          %mul3A_598 = arith.muli %iota3A, %mul3A_597 : vector<16xi32>
          %add3A_599 = arith.constant 2 : i32
          %add3A_600 = arith.addi %rem3A_538, %add3A_599 : i32
          %add3A_601 = vector.broadcast %add3A_600 : i32 to vector<16xi32>
          %add3A_602 = arith.addi %mul3A_598, %add3A_601 : vector<16xi32>
          tpu.vector_store_idx %arg11[%select_n3A, %add3A_595, %rem3A_30, %add3A_602], %bitcast3A_590 : memref<2x5x8x129xi32, #tpu.memory_space<vmem>>[vector<16xi32>, vector<16xi32>, vector<16xi32>, vector<16xi32>], vector<16xi32>,
          %mul3A_603 = arith.constant 8 : i32
          %mul3A_604 = arith.muli %scan3A_508, %mul3A_603 : i32
          %add3A_605 = arith.constant 3 : i32
          %add3A_606 = arith.addi %mul3A_604, %add3A_605 : i32
          %add3A_607 = arith.constant 1536 : i32
          %add3A_608 = arith.addi %add3A_607, %add3A_606 : i32
          %get3A_609 = arith.index_cast %add3A_608 : i32 to index
          %get3A_610 = arith.constant 0 : index
          %get3A_611 = tpu.vector_load %arg8[%get3A_609, %get3A_610] {strides = array<i32>} : memref<2048x32xbf16, #tpu.memory_space<vmem>>, vector<32xbf16>,
          %bitcast3A_612 = vector.bitcast %get3A_611 : vector<32xbf16> to vector<16xi32>
          %mul3A_613 = arith.constant 0 : i32
          %mul3A_614 = vector.broadcast %mul3A_613 : i32 to vector<16xi32>
          %mul3A_615 = arith.muli %iota3A, %mul3A_614 : vector<16xi32>
          %add3A_616 = vector.broadcast %select_n3A_534 : i32 to vector<16xi32>
          %add3A_617 = arith.addi %mul3A_615, %add3A_616 : vector<16xi32>
          %mul3A_618 = arith.constant 0 : i32
          %mul3A_619 = vector.broadcast %mul3A_618 : i32 to vector<16xi32>
          %mul3A_620 = arith.muli %iota3A, %mul3A_619 : vector<16xi32>
          %add3A_621 = arith.constant 3 : i32
          %add3A_622 = arith.addi %rem3A_538, %add3A_621 : i32
          %add3A_623 = vector.broadcast %add3A_622 : i32 to vector<16xi32>
          %add3A_624 = arith.addi %mul3A_620, %add3A_623 : vector<16xi32>
          tpu.vector_store_idx %arg11[%select_n3A, %add3A_617, %rem3A_30, %add3A_624], %bitcast3A_612 : memref<2x5x8x129xi32, #tpu.memory_space<vmem>>[vector<16xi32>, vector<16xi32>, vector<16xi32>, vector<16xi32>], vector<16xi32>,
          %mul3A_625 = arith.constant 8 : i32
          %mul3A_626 = arith.muli %scan3A_508, %mul3A_625 : i32
          %add3A_627 = arith.constant 4 : i32
          %add3A_628 = arith.addi %mul3A_626, %add3A_627 : i32
          %add3A_629 = arith.constant 1536 : i32
          %add3A_630 = arith.addi %add3A_629, %add3A_628 : i32
          %get3A_631 = arith.index_cast %add3A_630 : i32 to index
          %get3A_632 = arith.constant 0 : index
          %get3A_633 = tpu.vector_load %arg8[%get3A_631, %get3A_632] {strides = array<i32>} : memref<2048x32xbf16, #tpu.memory_space<vmem>>, vector<32xbf16>,
          %bitcast3A_634 = vector.bitcast %get3A_633 : vector<32xbf16> to vector<16xi32>
          %mul3A_635 = arith.constant 0 : i32
          %mul3A_636 = vector.broadcast %mul3A_635 : i32 to vector<16xi32>
          %mul3A_637 = arith.muli %iota3A, %mul3A_636 : vector<16xi32>
          %add3A_638 = vector.broadcast %select_n3A_534 : i32 to vector<16xi32>
          %add3A_639 = arith.addi %mul3A_637, %add3A_638 : vector<16xi32>
          %mul3A_640 = arith.constant 0 : i32
          %mul3A_641 = vector.broadcast %mul3A_640 : i32 to vector<16xi32>
          %mul3A_642 = arith.muli %iota3A, %mul3A_641 : vector<16xi32>
          %add3A_643 = arith.constant 4 : i32
          %add3A_644 = arith.addi %rem3A_538, %add3A_643 : i32
          %add3A_645 = vector.broadcast %add3A_644 : i32 to vector<16xi32>
          %add3A_646 = arith.addi %mul3A_642, %add3A_645 : vector<16xi32>
          tpu.vector_store_idx %arg11[%select_n3A, %add3A_639, %rem3A_30, %add3A_646], %bitcast3A_634 : memref<2x5x8x129xi32, #tpu.memory_space<vmem>>[vector<16xi32>, vector<16xi32>, vector<16xi32>, vector<16xi32>], vector<16xi32>,
          %mul3A_647 = arith.constant 8 : i32
          %mul3A_648 = arith.muli %scan3A_508, %mul3A_647 : i32
          %add3A_649 = arith.constant 5 : i32
          %add3A_650 = arith.addi %mul3A_648, %add3A_649 : i32
          %add3A_651 = arith.constant 1536 : i32
          %add3A_652 = arith.addi %add3A_651, %add3A_650 : i32
          %get3A_653 = arith.index_cast %add3A_652 : i32 to index
          %get3A_654 = arith.constant 0 : index
          %get3A_655 = tpu.vector_load %arg8[%get3A_653, %get3A_654] {strides = array<i32>} : memref<2048x32xbf16, #tpu.memory_space<vmem>>, vector<32xbf16>,
          %bitcast3A_656 = vector.bitcast %get3A_655 : vector<32xbf16> to vector<16xi32>
          %mul3A_657 = arith.constant 0 : i32
          %mul3A_658 = vector.broadcast %mul3A_657 : i32 to vector<16xi32>
          %mul3A_659 = arith.muli %iota3A, %mul3A_658 : vector<16xi32>
          %add3A_660 = vector.broadcast %select_n3A_534 : i32 to vector<16xi32>
          %add3A_661 = arith.addi %mul3A_659, %add3A_660 : vector<16xi32>
          %mul3A_662 = arith.constant 0 : i32
          %mul3A_663 = vector.broadcast %mul3A_662 : i32 to vector<16xi32>
          %mul3A_664 = arith.muli %iota3A, %mul3A_663 : vector<16xi32>
          %add3A_665 = arith.constant 5 : i32
          %add3A_666 = arith.addi %rem3A_538, %add3A_665 : i32
          %add3A_667 = vector.broadcast %add3A_666 : i32 to vector<16xi32>
          %add3A_668 = arith.addi %mul3A_664, %add3A_667 : vector<16xi32>
          tpu.vector_store_idx %arg11[%select_n3A, %add3A_661, %rem3A_30, %add3A_668], %bitcast3A_656 : memref<2x5x8x129xi32, #tpu.memory_space<vmem>>[vector<16xi32>, vector<16xi32>, vector<16xi32>, vector<16xi32>], vector<16xi32>,
          %mul3A_669 = arith.constant 8 : i32
          %mul3A_670 = arith.muli %scan3A_508, %mul3A_669 : i32
          %add3A_671 = arith.constant 6 : i32
          %add3A_672 = arith.addi %mul3A_670, %add3A_671 : i32
          %add3A_673 = arith.constant 1536 : i32
          %add3A_674 = arith.addi %add3A_673, %add3A_672 : i32
          %get3A_675 = arith.index_cast %add3A_674 : i32 to index
          %get3A_676 = arith.constant 0 : index
          %get3A_677 = tpu.vector_load %arg8[%get3A_675, %get3A_676] {strides = array<i32>} : memref<2048x32xbf16, #tpu.memory_space<vmem>>, vector<32xbf16>,
          %bitcast3A_678 = vector.bitcast %get3A_677 : vector<32xbf16> to vector<16xi32>
          %mul3A_679 = arith.constant 0 : i32
          %mul3A_680 = vector.broadcast %mul3A_679 : i32 to vector<16xi32>
          %mul3A_681 = arith.muli %iota3A, %mul3A_680 : vector<16xi32>
          %add3A_682 = vector.broadcast %select_n3A_534 : i32 to vector<16xi32>
          %add3A_683 = arith.addi %mul3A_681, %add3A_682 : vector<16xi32>
          %mul3A_684 = arith.constant 0 : i32
          %mul3A_685 = vector.broadcast %mul3A_684 : i32 to vector<16xi32>
          %mul3A_686 = arith.muli %iota3A, %mul3A_685 : vector<16xi32>
          %add3A_687 = arith.constant 6 : i32
          %add3A_688 = arith.addi %rem3A_538, %add3A_687 : i32
          %add3A_689 = vector.broadcast %add3A_688 : i32 to vector<16xi32>
          %add3A_690 = arith.addi %mul3A_686, %add3A_689 : vector<16xi32>
          tpu.vector_store_idx %arg11[%select_n3A, %add3A_683, %rem3A_30, %add3A_690], %bitcast3A_678 : memref<2x5x8x129xi32, #tpu.memory_space<vmem>>[vector<16xi32>, vector<16xi32>, vector<16xi32>, vector<16xi32>], vector<16xi32>,
          %mul3A_691 = arith.constant 8 : i32
          %mul3A_692 = arith.muli %scan3A_508, %mul3A_691 : i32
          %add3A_693 = arith.constant 7 : i32
          %add3A_694 = arith.addi %mul3A_692, %add3A_693 : i32
          %add3A_695 = arith.constant 1536 : i32
          %add3A_696 = arith.addi %add3A_695, %add3A_694 : i32
          %get3A_697 = arith.index_cast %add3A_696 : i32 to index
          %get3A_698 = arith.constant 0 : index
          %get3A_699 = tpu.vector_load %arg8[%get3A_697, %get3A_698] {strides = array<i32>} : memref<2048x32xbf16, #tpu.memory_space<vmem>>, vector<32xbf16>,
          %bitcast3A_700 = vector.bitcast %get3A_699 : vector<32xbf16> to vector<16xi32>
          %mul3A_701 = arith.constant 0 : i32
          %mul3A_702 = vector.broadcast %mul3A_701 : i32 to vector<16xi32>
          %mul3A_703 = arith.muli %iota3A, %mul3A_702 : vector<16xi32>
          %add3A_704 = vector.broadcast %select_n3A_534 : i32 to vector<16xi32>
          %add3A_705 = arith.addi %mul3A_703, %add3A_704 : vector<16xi32>
          %mul3A_706 = arith.constant 0 : i32
          %mul3A_707 = vector.broadcast %mul3A_706 : i32 to vector<16xi32>
          %mul3A_708 = arith.muli %iota3A, %mul3A_707 : vector<16xi32>
          %add3A_709 = arith.constant 7 : i32
          %add3A_710 = arith.addi %rem3A_538, %add3A_709 : i32
          %add3A_711 = vector.broadcast %add3A_710 : i32 to vector<16xi32>
          %add3A_712 = arith.addi %mul3A_708, %add3A_711 : vector<16xi32>
          tpu.vector_store_idx %arg11[%select_n3A, %add3A_705, %rem3A_30, %add3A_712], %bitcast3A_700 : memref<2x5x8x129xi32, #tpu.memory_space<vmem>>[vector<16xi32>, vector<16xi32>, vector<16xi32>, vector<16xi32>], vector<16xi32>,
        }
        %scan3A_219 = arith.constant 64 : i32
        %dma_start3A_220 = arith.constant 0 : i32
        %dma_start3A_221 = arith.constant 0 : i32
        %dma_start3A_222 = arith.constant 0 : i32
        %dma_start3A_223 = arith.constant 0 : i32
        %dma_start3A_224 = tpu.memref_slice %arg11[%dma_start3A_220, %dma_start3A_221, %dma_start3A_222, %dma_start3A_223] : memref<2x5x8x129xi32, #tpu.memory_space<vmem>> -> memref<2x4x8x128xi32, #tpu.memory_space<vmem>>
        %dma_start3A_225 = arith.constant 0 : i32
        %dma_start3A_226 = arith.constant 0 : i32
        %dma_start3A_227 = arith.constant 0 : i32
        %dma_start3A_228 = tpu.memref_slice %arg4[%add3A_191, %dma_start3A_225, %mul3A_4, %dma_start3A_226, %dma_start3A_227] : memref<200x2x128x8x128xi32, #tpu.memory_space<hbm>> -> memref<1x2x4x8x128xi32, #tpu.memory_space<hbm>>
        %dma_start3A_229 = tpu.memref_squeeze %dma_start3A_228 : memref<1x2x4x8x128xi32, #tpu.memory_space<hbm>> -> memref<2x4x8x128xi32, #tpu.memory_space<hbm>>
        %dma_start3A_230 = arith.constant 0 : i32
        %dma_start3A_231 = arith.constant 0 : i32
        %dma_start3A_232 = arith.constant 0 : i32
        %dma_start3A_233 = tpu.memref_slice %arg4[%add3A_191, %dma_start3A_230, %mul3A_4, %dma_start3A_231, %dma_start3A_232] : memref<200x2x128x8x128xi32, #tpu.memory_space<hbm>> -> memref<1x2x4x8x128xi32, #tpu.memory_space<hbm>>
        %dma_start3A_234 = tpu.memref_squeeze %dma_start3A_233 : memref<1x2x4x8x128xi32, #tpu.memory_space<hbm>> -> memref<2x4x8x128xi32, #tpu.memory_space<hbm>>
        %dma_start3A_235 = arith.constant 0 : i32
        %dma_start3A_236 = arith.constant 0 : i32
        %dma_start3A_237 = arith.constant 0 : i32
        %dma_start3A_238 = arith.constant 0 : i32
        %dma_start3A_239 = tpu.memref_slice %arg11[%dma_start3A_235, %dma_start3A_236, %dma_start3A_237, %dma_start3A_238] : memref<2x5x8x129xi32, #tpu.memory_space<vmem>> -> memref<2x4x8x128xi32, #tpu.memory_space<vmem>>
        tpu.enqueue_dma source(%dma_start3A_239 : memref<2x4x8x128xi32, #tpu.memory_space<vmem>>) target(%dma_start3A_234 : memref<2x4x8x128xi32, #tpu.memory_space<hbm>>) target_semaphore(%arg15 : memref<!tpu.dma_semaphore, #tpu.memory_space<semaphore_mem>>)
        %mul3A_240 = arith.constant 4 : i32
        %mul3A_241 = arith.muli %add3A_75, %mul3A_240 : i32
        %add3A_242 = arith.constant 2 : i32
        %add3A_243 = arith.addi %mul3A_241, %add3A_242 : i32
        %dma_wait3A_244 = arith.constant 0 : i32
        %dma_wait3A_245 = arith.constant 0 : i32
        %dma_wait3A_246 = arith.constant 0 : i32
        %dma_wait3A_247 = arith.constant 0 : i32
        %dma_wait3A_248 = tpu.memref_slice %arg10[%dma_wait3A_244, %dma_wait3A_245, %dma_wait3A_246, %dma_wait3A_247] : memref<2x5x8x129xi32, #tpu.memory_space<vmem>> -> memref<2x4x8x128xi32, #tpu.memory_space<vmem>>
        %dma_wait3A_249 = arith.constant 0 : i32
        %dma_wait3A_250 = arith.constant 0 : i32
        %dma_wait3A_251 = arith.constant 0 : i32
        %dma_wait3A_252 = tpu.memref_slice %arg4[%add3A_243, %dma_wait3A_249, %mul3A_4, %dma_wait3A_250, %dma_wait3A_251] : memref<200x2x128x8x128xi32, #tpu.memory_space<hbm>> -> memref<1x2x4x8x128xi32, #tpu.memory_space<hbm>>
        %dma_wait3A_253 = tpu.memref_squeeze %dma_wait3A_252 : memref<1x2x4x8x128xi32, #tpu.memory_space<hbm>> -> memref<2x4x8x128xi32, #tpu.memory_space<hbm>>
        %dma_wait3A_254 = arith.constant 0 : i32
        %dma_wait3A_255 = arith.constant 0 : i32
        %dma_wait3A_256 = arith.constant 0 : i32
        %dma_wait3A_257 = tpu.memref_slice %arg4[%add3A_243, %dma_wait3A_254, %mul3A_4, %dma_wait3A_255, %dma_wait3A_256] : memref<200x2x128x8x128xi32, #tpu.memory_space<hbm>> -> memref<1x2x4x8x128xi32, #tpu.memory_space<hbm>>
        %dma_wait3A_258 = tpu.memref_squeeze %dma_wait3A_257 : memref<1x2x4x8x128xi32, #tpu.memory_space<hbm>> -> memref<2x4x8x128xi32, #tpu.memory_space<hbm>>
        %dma_wait3A_259 = arith.constant 0 : i32
        %dma_wait3A_260 = arith.constant 0 : i32
        %dma_wait3A_261 = arith.constant 0 : i32
        %dma_wait3A_262 = arith.constant 0 : i32
        %dma_wait3A_263 = tpu.memref_slice %arg10[%dma_wait3A_259, %dma_wait3A_260, %dma_wait3A_261, %dma_wait3A_262] : memref<2x5x8x129xi32, #tpu.memory_space<vmem>> -> memref<2x4x8x128xi32, #tpu.memory_space<vmem>>
        tpu.wait_dma2 semaphore(%arg14 : memref<!tpu.dma_semaphore, #tpu.memory_space<semaphore_mem>>) src(%dma_wait3A_263 : memref<2x4x8x128xi32, #tpu.memory_space<vmem>>) dst(%dma_wait3A_258 : memref<2x4x8x128xi32, #tpu.memory_space<hbm>>)
        %mul3A_264 = arith.constant 4 : i32
        %mul3A_265 = arith.muli %add3A_75, %mul3A_264 : i32
        %add3A_266 = arith.constant 3 : i32
        %add3A_267 = arith.addi %mul3A_265, %add3A_266 : i32
        %dma_wait3A_268 = arith.constant 0 : i32
        %dma_wait3A_269 = arith.constant 0 : i32
        %dma_wait3A_270 = arith.constant 0 : i32
        %dma_wait3A_271 = arith.constant 0 : i32
        %dma_wait3A_272 = tpu.memref_slice %arg11[%dma_wait3A_268, %dma_wait3A_269, %dma_wait3A_270, %dma_wait3A_271] : memref<2x5x8x129xi32, #tpu.memory_space<vmem>> -> memref<2x4x8x128xi32, #tpu.memory_space<vmem>>
        %dma_wait3A_273 = arith.constant 0 : i32
        %dma_wait3A_274 = arith.constant 0 : i32
        %dma_wait3A_275 = arith.constant 0 : i32
        %dma_wait3A_276 = tpu.memref_slice %arg4[%add3A_267, %dma_wait3A_273, %mul3A_4, %dma_wait3A_274, %dma_wait3A_275] : memref<200x2x128x8x128xi32, #tpu.memory_space<hbm>> -> memref<1x2x4x8x128xi32, #tpu.memory_space<hbm>>
        %dma_wait3A_277 = tpu.memref_squeeze %dma_wait3A_276 : memref<1x2x4x8x128xi32, #tpu.memory_space<hbm>> -> memref<2x4x8x128xi32, #tpu.memory_space<hbm>>
        %dma_wait3A_278 = arith.constant 0 : i32
        %dma_wait3A_279 = arith.constant 0 : i32
        %dma_wait3A_280 = arith.constant 0 : i32
        %dma_wait3A_281 = tpu.memref_slice %arg4[%add3A_267, %dma_wait3A_278, %mul3A_4, %dma_wait3A_279, %dma_wait3A_280] : memref<200x2x128x8x128xi32, #tpu.memory_space<hbm>> -> memref<1x2x4x8x128xi32, #tpu.memory_space<hbm>>
        %dma_wait3A_282 = tpu.memref_squeeze %dma_wait3A_281 : memref<1x2x4x8x128xi32, #tpu.memory_space<hbm>> -> memref<2x4x8x128xi32, #tpu.memory_space<hbm>>
        %dma_wait3A_283 = arith.constant 0 : i32
        %dma_wait3A_284 = arith.constant 0 : i32
        %dma_wait3A_285 = arith.constant 0 : i32
        %dma_wait3A_286 = arith.constant 0 : i32
        %dma_wait3A_287 = tpu.memref_slice %arg11[%dma_wait3A_283, %dma_wait3A_284, %dma_wait3A_285, %dma_wait3A_286] : memref<2x5x8x129xi32, #tpu.memory_space<vmem>> -> memref<2x4x8x128xi32, #tpu.memory_space<vmem>>
        tpu.wait_dma2 semaphore(%arg15 : memref<!tpu.dma_semaphore, #tpu.memory_space<semaphore_mem>>) src(%dma_wait3A_287 : memref<2x4x8x128xi32, #tpu.memory_space<vmem>>) dst(%dma_wait3A_282 : memref<2x4x8x128xi32, #tpu.memory_space<hbm>>)
        %dma_wait3A_288 = arith.constant 0 : i32
        %dma_wait3A_289 = arith.constant 0 : i32
        %dma_wait3A_290 = tpu.memref_slice %arg3[%dma_wait3A_288, %dma_wait3A_289] : memref<1000000x32xbf16, #tpu.memory_space<hbm>> -> memref<1000000x32xbf16, #tpu.memory_space<hbm>>
        tpu.wait_indirect_dma semaphore(%arg13 : memref<!tpu.dma_semaphore, #tpu.memory_space<semaphore_mem>>) src(%dma_wait3A_290 : memref<1000000x32xbf16, #tpu.memory_space<hbm>>) dst(%arg9 : memref<2048x32xbf16, #tpu.memory_space<vmem>>)
        %mul3A_291 = arith.constant 2 : i32
        %mul3A_292 = arith.muli %mul3A_291, %scan3A_47 : i32
        %add3A_293 = arith.addi %mul3A_40, %mul3A_292 : i32
        %add3A_294 = arith.constant 1 : i32
        %add3A_295 = arith.addi %add3A_293, %add3A_294 : i32
        %mul3A_296 = arith.constant 4 : i32
        %mul3A_297 = arith.muli %add3A_295, %mul3A_296 : i32
        %add3A_298 = arith.constant 0 : i32
        %add3A_299 = arith.addi %mul3A_297, %add3A_298 : i32
        %scan3A_300 = arith.constant 0 : i32
        %scan3A_301 = arith.constant 0 : i32
        %scan3A_302 = arith.constant 64 : i32
        %scan3A_303 = arith.addi %scan3A_301, %scan3A_302 : i32
        %scan3A_304 = arith.constant 1 : i32
        scf.for %scan3A_508 = %scan3A_301 to %scan3A_303 step %scan3A_304  : i32 {
          %mul3A_509 = arith.constant 8 : i32
          %mul3A_510 = arith.muli %scan3A_508, %mul3A_509 : i32
          %jit3A_511 = arith.constant 128 : i32
          %div3A_512 = arith.divsi %mul3A_510, %jit3A_511 : i32
          %sign3A_513 = arith.constant 0 : i32
          %sign3A_514 = arith.cmpi sgt, %mul3A_510, %sign3A_513 : i32
          %sign3A_515 = arith.extui %sign3A_514 : i1 to i32
          %sign3A_516 = arith.constant 0 : i32
          %sign3A_517 = arith.cmpi slt, %mul3A_510, %sign3A_516 : i32
          %sign3A_518 = arith.extui %sign3A_517 : i1 to i32
          %sign3A_519 = arith.subi %sign3A_515, %sign3A_518 : i32
          %sign3A_520 = arith.constant 0 : i32
          %sign3A_521 = arith.cmpi sgt, %jit3A_511, %sign3A_520 : i32
          %sign3A_522 = arith.extui %sign3A_521 : i1 to i32
          %sign3A_523 = arith.constant 0 : i32
          %sign3A_524 = arith.cmpi slt, %jit3A_511, %sign3A_523 : i32
          %sign3A_525 = arith.extui %sign3A_524 : i1 to i32
          %sign3A_526 = arith.subi %sign3A_522, %sign3A_525 : i32
          %ne3A_527 = arith.cmpi ne, %sign3A_519, %sign3A_526 : i32
          %rem3A_528 = arith.remsi %mul3A_510, %jit3A_511 : i32
          %ne3A_529 = arith.constant 0 : i32
          %ne3A_530 = arith.cmpi ne, %rem3A_528, %ne3A_529 : i32
          %and3A_531 = arith.andi %ne3A_527, %ne3A_530 : i1
          %sub3A_532 = arith.constant 1 : i32
          %sub3A_533 = arith.subi %div3A_512, %sub3A_532 : i32
          %select_n3A_534 = arith.select %and3A_531, %sub3A_533, %div3A_512 : i32
          %mul3A_535 = arith.constant 8 : i32
          %mul3A_536 = arith.muli %scan3A_508, %mul3A_535 : i32
          %rem3A_537 = arith.constant 128 : i32
          %rem3A_538 = arith.remsi %mul3A_536, %rem3A_537 : i32
          %mul3A_539 = arith.constant 8 : i32
          %mul3A_540 = arith.muli %scan3A_508, %mul3A_539 : i32
          %add3A_541 = arith.constant 0 : i32
          %add3A_542 = arith.addi %mul3A_540, %add3A_541 : i32
          %add3A_543 = arith.constant 0 : i32
          %add3A_544 = arith.addi %add3A_543, %add3A_542 : i32
          %get3A = arith.index_cast %add3A_544 : i32 to index
          %get3A_545 = arith.constant 0 : index
          %get3A_546 = tpu.vector_load %arg9[%get3A, %get3A_545] {strides = array<i32>} : memref<2048x32xbf16, #tpu.memory_space<vmem>>, vector<32xbf16>,
          %bitcast3A = vector.bitcast %get3A_546 : vector<32xbf16> to vector<16xi32>
          %mul3A_547 = arith.constant 0 : i32
          %mul3A_548 = vector.broadcast %mul3A_547 : i32 to vector<16xi32>
          %mul3A_549 = arith.muli %iota3A, %mul3A_548 : vector<16xi32>
          %add3A_550 = vector.broadcast %select_n3A_534 : i32 to vector<16xi32>
          %add3A_551 = arith.addi %mul3A_549, %add3A_550 : vector<16xi32>
          %mul3A_552 = arith.constant 0 : i32
          %mul3A_553 = vector.broadcast %mul3A_552 : i32 to vector<16xi32>
          %mul3A_554 = arith.muli %iota3A, %mul3A_553 : vector<16xi32>
          %add3A_555 = arith.constant 0 : i32
          %add3A_556 = arith.addi %rem3A_538, %add3A_555 : i32
          %add3A_557 = vector.broadcast %add3A_556 : i32 to vector<16xi32>
          %add3A_558 = arith.addi %mul3A_554, %add3A_557 : vector<16xi32>
          tpu.vector_store_idx %arg10[%select_n3A, %add3A_551, %rem3A_30, %add3A_558], %bitcast3A : memref<2x5x8x129xi32, #tpu.memory_space<vmem>>[vector<16xi32>, vector<16xi32>, vector<16xi32>, vector<16xi32>], vector<16xi32>,
          %mul3A_559 = arith.constant 8 : i32
          %mul3A_560 = arith.muli %scan3A_508, %mul3A_559 : i32
          %add3A_561 = arith.constant 1 : i32
          %add3A_562 = arith.addi %mul3A_560, %add3A_561 : i32
          %add3A_563 = arith.constant 0 : i32
          %add3A_564 = arith.addi %add3A_563, %add3A_562 : i32
          %get3A_565 = arith.index_cast %add3A_564 : i32 to index
          %get3A_566 = arith.constant 0 : index
          %get3A_567 = tpu.vector_load %arg9[%get3A_565, %get3A_566] {strides = array<i32>} : memref<2048x32xbf16, #tpu.memory_space<vmem>>, vector<32xbf16>,
          %bitcast3A_568 = vector.bitcast %get3A_567 : vector<32xbf16> to vector<16xi32>
          %mul3A_569 = arith.constant 0 : i32
          %mul3A_570 = vector.broadcast %mul3A_569 : i32 to vector<16xi32>
          %mul3A_571 = arith.muli %iota3A, %mul3A_570 : vector<16xi32>
          %add3A_572 = vector.broadcast %select_n3A_534 : i32 to vector<16xi32>
          %add3A_573 = arith.addi %mul3A_571, %add3A_572 : vector<16xi32>
          %mul3A_574 = arith.constant 0 : i32
          %mul3A_575 = vector.broadcast %mul3A_574 : i32 to vector<16xi32>
          %mul3A_576 = arith.muli %iota3A, %mul3A_575 : vector<16xi32>
          %add3A_577 = arith.constant 1 : i32
          %add3A_578 = arith.addi %rem3A_538, %add3A_577 : i32
          %add3A_579 = vector.broadcast %add3A_578 : i32 to vector<16xi32>
          %add3A_580 = arith.addi %mul3A_576, %add3A_579 : vector<16xi32>
          tpu.vector_store_idx %arg10[%select_n3A, %add3A_573, %rem3A_30, %add3A_580], %bitcast3A_568 : memref<2x5x8x129xi32, #tpu.memory_space<vmem>>[vector<16xi32>, vector<16xi32>, vector<16xi32>, vector<16xi32>], vector<16xi32>,
          %mul3A_581 = arith.constant 8 : i32
          %mul3A_582 = arith.muli %scan3A_508, %mul3A_581 : i32
          %add3A_583 = arith.constant 2 : i32
          %add3A_584 = arith.addi %mul3A_582, %add3A_583 : i32
          %add3A_585 = arith.constant 0 : i32
          %add3A_586 = arith.addi %add3A_585, %add3A_584 : i32
          %get3A_587 = arith.index_cast %add3A_586 : i32 to index
          %get3A_588 = arith.constant 0 : index
          %get3A_589 = tpu.vector_load %arg9[%get3A_587, %get3A_588] {strides = array<i32>} : memref<2048x32xbf16, #tpu.memory_space<vmem>>, vector<32xbf16>,
          %bitcast3A_590 = vector.bitcast %get3A_589 : vector<32xbf16> to vector<16xi32>
          %mul3A_591 = arith.constant 0 : i32
          %mul3A_592 = vector.broadcast %mul3A_591 : i32 to vector<16xi32>
          %mul3A_593 = arith.muli %iota3A, %mul3A_592 : vector<16xi32>
          %add3A_594 = vector.broadcast %select_n3A_534 : i32 to vector<16xi32>
          %add3A_595 = arith.addi %mul3A_593, %add3A_594 : vector<16xi32>
          %mul3A_596 = arith.constant 0 : i32
          %mul3A_597 = vector.broadcast %mul3A_596 : i32 to vector<16xi32>
          %mul3A_598 = arith.muli %iota3A, %mul3A_597 : vector<16xi32>
          %add3A_599 = arith.constant 2 : i32
          %add3A_600 = arith.addi %rem3A_538, %add3A_599 : i32
          %add3A_601 = vector.broadcast %add3A_600 : i32 to vector<16xi32>
          %add3A_602 = arith.addi %mul3A_598, %add3A_601 : vector<16xi32>
          tpu.vector_store_idx %arg10[%select_n3A, %add3A_595, %rem3A_30, %add3A_602], %bitcast3A_590 : memref<2x5x8x129xi32, #tpu.memory_space<vmem>>[vector<16xi32>, vector<16xi32>, vector<16xi32>, vector<16xi32>], vector<16xi32>,
          %mul3A_603 = arith.constant 8 : i32
          %mul3A_604 = arith.muli %scan3A_508, %mul3A_603 : i32
          %add3A_605 = arith.constant 3 : i32
          %add3A_606 = arith.addi %mul3A_604, %add3A_605 : i32
          %add3A_607 = arith.constant 0 : i32
          %add3A_608 = arith.addi %add3A_607, %add3A_606 : i32
          %get3A_609 = arith.index_cast %add3A_608 : i32 to index
          %get3A_610 = arith.constant 0 : index
          %get3A_611 = tpu.vector_load %arg9[%get3A_609, %get3A_610] {strides = array<i32>} : memref<2048x32xbf16, #tpu.memory_space<vmem>>, vector<32xbf16>,
          %bitcast3A_612 = vector.bitcast %get3A_611 : vector<32xbf16> to vector<16xi32>
          %mul3A_613 = arith.constant 0 : i32
          %mul3A_614 = vector.broadcast %mul3A_613 : i32 to vector<16xi32>
          %mul3A_615 = arith.muli %iota3A, %mul3A_614 : vector<16xi32>
          %add3A_616 = vector.broadcast %select_n3A_534 : i32 to vector<16xi32>
          %add3A_617 = arith.addi %mul3A_615, %add3A_616 : vector<16xi32>
          %mul3A_618 = arith.constant 0 : i32
          %mul3A_619 = vector.broadcast %mul3A_618 : i32 to vector<16xi32>
          %mul3A_620 = arith.muli %iota3A, %mul3A_619 : vector<16xi32>
          %add3A_621 = arith.constant 3 : i32
          %add3A_622 = arith.addi %rem3A_538, %add3A_621 : i32
          %add3A_623 = vector.broadcast %add3A_622 : i32 to vector<16xi32>
          %add3A_624 = arith.addi %mul3A_620, %add3A_623 : vector<16xi32>
          tpu.vector_store_idx %arg10[%select_n3A, %add3A_617, %rem3A_30, %add3A_624], %bitcast3A_612 : memref<2x5x8x129xi32, #tpu.memory_space<vmem>>[vector<16xi32>, vector<16xi32>, vector<16xi32>, vector<16xi32>], vector<16xi32>,
          %mul3A_625 = arith.constant 8 : i32
          %mul3A_626 = arith.muli %scan3A_508, %mul3A_625 : i32
          %add3A_627 = arith.constant 4 : i32
          %add3A_628 = arith.addi %mul3A_626, %add3A_627 : i32
          %add3A_629 = arith.constant 0 : i32
          %add3A_630 = arith.addi %add3A_629, %add3A_628 : i32
          %get3A_631 = arith.index_cast %add3A_630 : i32 to index
          %get3A_632 = arith.constant 0 : index
          %get3A_633 = tpu.vector_load %arg9[%get3A_631, %get3A_632] {strides = array<i32>} : memref<2048x32xbf16, #tpu.memory_space<vmem>>, vector<32xbf16>,
          %bitcast3A_634 = vector.bitcast %get3A_633 : vector<32xbf16> to vector<16xi32>
          %mul3A_635 = arith.constant 0 : i32
          %mul3A_636 = vector.broadcast %mul3A_635 : i32 to vector<16xi32>
          %mul3A_637 = arith.muli %iota3A, %mul3A_636 : vector<16xi32>
          %add3A_638 = vector.broadcast %select_n3A_534 : i32 to vector<16xi32>
          %add3A_639 = arith.addi %mul3A_637, %add3A_638 : vector<16xi32>
          %mul3A_640 = arith.constant 0 : i32
          %mul3A_641 = vector.broadcast %mul3A_640 : i32 to vector<16xi32>
          %mul3A_642 = arith.muli %iota3A, %mul3A_641 : vector<16xi32>
          %add3A_643 = arith.constant 4 : i32
          %add3A_644 = arith.addi %rem3A_538, %add3A_643 : i32
          %add3A_645 = vector.broadcast %add3A_644 : i32 to vector<16xi32>
          %add3A_646 = arith.addi %mul3A_642, %add3A_645 : vector<16xi32>
          tpu.vector_store_idx %arg10[%select_n3A, %add3A_639, %rem3A_30, %add3A_646], %bitcast3A_634 : memref<2x5x8x129xi32, #tpu.memory_space<vmem>>[vector<16xi32>, vector<16xi32>, vector<16xi32>, vector<16xi32>], vector<16xi32>,
          %mul3A_647 = arith.constant 8 : i32
          %mul3A_648 = arith.muli %scan3A_508, %mul3A_647 : i32
          %add3A_649 = arith.constant 5 : i32
          %add3A_650 = arith.addi %mul3A_648, %add3A_649 : i32
          %add3A_651 = arith.constant 0 : i32
          %add3A_652 = arith.addi %add3A_651, %add3A_650 : i32
          %get3A_653 = arith.index_cast %add3A_652 : i32 to index
          %get3A_654 = arith.constant 0 : index
          %get3A_655 = tpu.vector_load %arg9[%get3A_653, %get3A_654] {strides = array<i32>} : memref<2048x32xbf16, #tpu.memory_space<vmem>>, vector<32xbf16>,
          %bitcast3A_656 = vector.bitcast %get3A_655 : vector<32xbf16> to vector<16xi32>
          %mul3A_657 = arith.constant 0 : i32
          %mul3A_658 = vector.broadcast %mul3A_657 : i32 to vector<16xi32>
          %mul3A_659 = arith.muli %iota3A, %mul3A_658 : vector<16xi32>
          %add3A_660 = vector.broadcast %select_n3A_534 : i32 to vector<16xi32>
          %add3A_661 = arith.addi %mul3A_659, %add3A_660 : vector<16xi32>
          %mul3A_662 = arith.constant 0 : i32
          %mul3A_663 = vector.broadcast %mul3A_662 : i32 to vector<16xi32>
          %mul3A_664 = arith.muli %iota3A, %mul3A_663 : vector<16xi32>
          %add3A_665 = arith.constant 5 : i32
          %add3A_666 = arith.addi %rem3A_538, %add3A_665 : i32
          %add3A_667 = vector.broadcast %add3A_666 : i32 to vector<16xi32>
          %add3A_668 = arith.addi %mul3A_664, %add3A_667 : vector<16xi32>
          tpu.vector_store_idx %arg10[%select_n3A, %add3A_661, %rem3A_30, %add3A_668], %bitcast3A_656 : memref<2x5x8x129xi32, #tpu.memory_space<vmem>>[vector<16xi32>, vector<16xi32>, vector<16xi32>, vector<16xi32>], vector<16xi32>,
          %mul3A_669 = arith.constant 8 : i32
          %mul3A_670 = arith.muli %scan3A_508, %mul3A_669 : i32
          %add3A_671 = arith.constant 6 : i32
          %add3A_672 = arith.addi %mul3A_670, %add3A_671 : i32
          %add3A_673 = arith.constant 0 : i32
          %add3A_674 = arith.addi %add3A_673, %add3A_672 : i32
          %get3A_675 = arith.index_cast %add3A_674 : i32 to index
          %get3A_676 = arith.constant 0 : index
          %get3A_677 = tpu.vector_load %arg9[%get3A_675, %get3A_676] {strides = array<i32>} : memref<2048x32xbf16, #tpu.memory_space<vmem>>, vector<32xbf16>,
          %bitcast3A_678 = vector.bitcast %get3A_677 : vector<32xbf16> to vector<16xi32>
          %mul3A_679 = arith.constant 0 : i32
          %mul3A_680 = vector.broadcast %mul3A_679 : i32 to vector<16xi32>
          %mul3A_681 = arith.muli %iota3A, %mul3A_680 : vector<16xi32>
          %add3A_682 = vector.broadcast %select_n3A_534 : i32 to vector<16xi32>
          %add3A_683 = arith.addi %mul3A_681, %add3A_682 : vector<16xi32>
          %mul3A_684 = arith.constant 0 : i32
          %mul3A_685 = vector.broadcast %mul3A_684 : i32 to vector<16xi32>
          %mul3A_686 = arith.muli %iota3A, %mul3A_685 : vector<16xi32>
          %add3A_687 = arith.constant 6 : i32
          %add3A_688 = arith.addi %rem3A_538, %add3A_687 : i32
          %add3A_689 = vector.broadcast %add3A_688 : i32 to vector<16xi32>
          %add3A_690 = arith.addi %mul3A_686, %add3A_689 : vector<16xi32>
          tpu.vector_store_idx %arg10[%select_n3A, %add3A_683, %rem3A_30, %add3A_690], %bitcast3A_678 : memref<2x5x8x129xi32, #tpu.memory_space<vmem>>[vector<16xi32>, vector<16xi32>, vector<16xi32>, vector<16xi32>], vector<16xi32>,
          %mul3A_691 = arith.constant 8 : i32
          %mul3A_692 = arith.muli %scan3A_508, %mul3A_691 : i32
          %add3A_693 = arith.constant 7 : i32
          %add3A_694 = arith.addi %mul3A_692, %add3A_693 : i32
          %add3A_695 = arith.constant 0 : i32
          %add3A_696 = arith.addi %add3A_695, %add3A_694 : i32
          %get3A_697 = arith.index_cast %add3A_696 : i32 to index
          %get3A_698 = arith.constant 0 : index
          %get3A_699 = tpu.vector_load %arg9[%get3A_697, %get3A_698] {strides = array<i32>} : memref<2048x32xbf16, #tpu.memory_space<vmem>>, vector<32xbf16>,
          %bitcast3A_700 = vector.bitcast %get3A_699 : vector<32xbf16> to vector<16xi32>
          %mul3A_701 = arith.constant 0 : i32
          %mul3A_702 = vector.broadcast %mul3A_701 : i32 to vector<16xi32>
          %mul3A_703 = arith.muli %iota3A, %mul3A_702 : vector<16xi32>
          %add3A_704 = vector.broadcast %select_n3A_534 : i32 to vector<16xi32>
          %add3A_705 = arith.addi %mul3A_703, %add3A_704 : vector<16xi32>
          %mul3A_706 = arith.constant 0 : i32
          %mul3A_707 = vector.broadcast %mul3A_706 : i32 to vector<16xi32>
          %mul3A_708 = arith.muli %iota3A, %mul3A_707 : vector<16xi32>
          %add3A_709 = arith.constant 7 : i32
          %add3A_710 = arith.addi %rem3A_538, %add3A_709 : i32
          %add3A_711 = vector.broadcast %add3A_710 : i32 to vector<16xi32>
          %add3A_712 = arith.addi %mul3A_708, %add3A_711 : vector<16xi32>
          tpu.vector_store_idx %arg10[%select_n3A, %add3A_705, %rem3A_30, %add3A_712], %bitcast3A_700 : memref<2x5x8x129xi32, #tpu.memory_space<vmem>>[vector<16xi32>, vector<16xi32>, vector<16xi32>, vector<16xi32>], vector<16xi32>,
        }
        %scan3A_305 = arith.constant 64 : i32
        %dma_start3A_306 = arith.constant 0 : i32
        %dma_start3A_307 = arith.constant 0 : i32
        %dma_start3A_308 = arith.constant 0 : i32
        %dma_start3A_309 = arith.constant 0 : i32
        %dma_start3A_310 = tpu.memref_slice %arg10[%dma_start3A_306, %dma_start3A_307, %dma_start3A_308, %dma_start3A_309] : memref<2x5x8x129xi32, #tpu.memory_space<vmem>> -> memref<2x4x8x128xi32, #tpu.memory_space<vmem>>
        %dma_start3A_311 = arith.constant 0 : i32
        %dma_start3A_312 = arith.constant 0 : i32
        %dma_start3A_313 = arith.constant 0 : i32
        %dma_start3A_314 = tpu.memref_slice %arg4[%add3A_299, %dma_start3A_311, %mul3A_4, %dma_start3A_312, %dma_start3A_313] : memref<200x2x128x8x128xi32, #tpu.memory_space<hbm>> -> memref<1x2x4x8x128xi32, #tpu.memory_space<hbm>>
        %dma_start3A_315 = tpu.memref_squeeze %dma_start3A_314 : memref<1x2x4x8x128xi32, #tpu.memory_space<hbm>> -> memref<2x4x8x128xi32, #tpu.memory_space<hbm>>
        %dma_start3A_316 = arith.constant 0 : i32
        %dma_start3A_317 = arith.constant 0 : i32
        %dma_start3A_318 = arith.constant 0 : i32
        %dma_start3A_319 = tpu.memref_slice %arg4[%add3A_299, %dma_start3A_316, %mul3A_4, %dma_start3A_317, %dma_start3A_318] : memref<200x2x128x8x128xi32, #tpu.memory_space<hbm>> -> memref<1x2x4x8x128xi32, #tpu.memory_space<hbm>>
        %dma_start3A_320 = tpu.memref_squeeze %dma_start3A_319 : memref<1x2x4x8x128xi32, #tpu.memory_space<hbm>> -> memref<2x4x8x128xi32, #tpu.memory_space<hbm>>
        %dma_start3A_321 = arith.constant 0 : i32
        %dma_start3A_322 = arith.constant 0 : i32
        %dma_start3A_323 = arith.constant 0 : i32
        %dma_start3A_324 = arith.constant 0 : i32
        %dma_start3A_325 = tpu.memref_slice %arg10[%dma_start3A_321, %dma_start3A_322, %dma_start3A_323, %dma_start3A_324] : memref<2x5x8x129xi32, #tpu.memory_space<vmem>> -> memref<2x4x8x128xi32, #tpu.memory_space<vmem>>
        tpu.enqueue_dma source(%dma_start3A_325 : memref<2x4x8x128xi32, #tpu.memory_space<vmem>>) target(%dma_start3A_320 : memref<2x4x8x128xi32, #tpu.memory_space<hbm>>) target_semaphore(%arg14 : memref<!tpu.dma_semaphore, #tpu.memory_space<semaphore_mem>>)
        %mul3A_326 = arith.constant 4 : i32
        %mul3A_327 = arith.muli %add3A_295, %mul3A_326 : i32
        %add3A_328 = arith.constant 1 : i32
        %add3A_329 = arith.addi %mul3A_327, %add3A_328 : i32
        %scan3A_330 = arith.constant 0 : i32
        %scan3A_331 = arith.constant 0 : i32
        %scan3A_332 = arith.constant 64 : i32
        %scan3A_333 = arith.addi %scan3A_331, %scan3A_332 : i32
        %scan3A_334 = arith.constant 1 : i32
        scf.for %scan3A_508 = %scan3A_331 to %scan3A_333 step %scan3A_334  : i32 {
          %mul3A_509 = arith.constant 8 : i32
          %mul3A_510 = arith.muli %scan3A_508, %mul3A_509 : i32
          %jit3A_511 = arith.constant 128 : i32
          %div3A_512 = arith.divsi %mul3A_510, %jit3A_511 : i32
          %sign3A_513 = arith.constant 0 : i32
          %sign3A_514 = arith.cmpi sgt, %mul3A_510, %sign3A_513 : i32
          %sign3A_515 = arith.extui %sign3A_514 : i1 to i32
          %sign3A_516 = arith.constant 0 : i32
          %sign3A_517 = arith.cmpi slt, %mul3A_510, %sign3A_516 : i32
          %sign3A_518 = arith.extui %sign3A_517 : i1 to i32
          %sign3A_519 = arith.subi %sign3A_515, %sign3A_518 : i32
          %sign3A_520 = arith.constant 0 : i32
          %sign3A_521 = arith.cmpi sgt, %jit3A_511, %sign3A_520 : i32
          %sign3A_522 = arith.extui %sign3A_521 : i1 to i32
          %sign3A_523 = arith.constant 0 : i32
          %sign3A_524 = arith.cmpi slt, %jit3A_511, %sign3A_523 : i32
          %sign3A_525 = arith.extui %sign3A_524 : i1 to i32
          %sign3A_526 = arith.subi %sign3A_522, %sign3A_525 : i32
          %ne3A_527 = arith.cmpi ne, %sign3A_519, %sign3A_526 : i32
          %rem3A_528 = arith.remsi %mul3A_510, %jit3A_511 : i32
          %ne3A_529 = arith.constant 0 : i32
          %ne3A_530 = arith.cmpi ne, %rem3A_528, %ne3A_529 : i32
          %and3A_531 = arith.andi %ne3A_527, %ne3A_530 : i1
          %sub3A_532 = arith.constant 1 : i32
          %sub3A_533 = arith.subi %div3A_512, %sub3A_532 : i32
          %select_n3A_534 = arith.select %and3A_531, %sub3A_533, %div3A_512 : i32
          %mul3A_535 = arith.constant 8 : i32
          %mul3A_536 = arith.muli %scan3A_508, %mul3A_535 : i32
          %rem3A_537 = arith.constant 128 : i32
          %rem3A_538 = arith.remsi %mul3A_536, %rem3A_537 : i32
          %mul3A_539 = arith.constant 8 : i32
          %mul3A_540 = arith.muli %scan3A_508, %mul3A_539 : i32
          %add3A_541 = arith.constant 0 : i32
          %add3A_542 = arith.addi %mul3A_540, %add3A_541 : i32
          %add3A_543 = arith.constant 512 : i32
          %add3A_544 = arith.addi %add3A_543, %add3A_542 : i32
          %get3A = arith.index_cast %add3A_544 : i32 to index
          %get3A_545 = arith.constant 0 : index
          %get3A_546 = tpu.vector_load %arg9[%get3A, %get3A_545] {strides = array<i32>} : memref<2048x32xbf16, #tpu.memory_space<vmem>>, vector<32xbf16>,
          %bitcast3A = vector.bitcast %get3A_546 : vector<32xbf16> to vector<16xi32>
          %mul3A_547 = arith.constant 0 : i32
          %mul3A_548 = vector.broadcast %mul3A_547 : i32 to vector<16xi32>
          %mul3A_549 = arith.muli %iota3A, %mul3A_548 : vector<16xi32>
          %add3A_550 = vector.broadcast %select_n3A_534 : i32 to vector<16xi32>
          %add3A_551 = arith.addi %mul3A_549, %add3A_550 : vector<16xi32>
          %mul3A_552 = arith.constant 0 : i32
          %mul3A_553 = vector.broadcast %mul3A_552 : i32 to vector<16xi32>
          %mul3A_554 = arith.muli %iota3A, %mul3A_553 : vector<16xi32>
          %add3A_555 = arith.constant 0 : i32
          %add3A_556 = arith.addi %rem3A_538, %add3A_555 : i32
          %add3A_557 = vector.broadcast %add3A_556 : i32 to vector<16xi32>
          %add3A_558 = arith.addi %mul3A_554, %add3A_557 : vector<16xi32>
          tpu.vector_store_idx %arg11[%select_n3A, %add3A_551, %rem3A_30, %add3A_558], %bitcast3A : memref<2x5x8x129xi32, #tpu.memory_space<vmem>>[vector<16xi32>, vector<16xi32>, vector<16xi32>, vector<16xi32>], vector<16xi32>,
          %mul3A_559 = arith.constant 8 : i32
          %mul3A_560 = arith.muli %scan3A_508, %mul3A_559 : i32
          %add3A_561 = arith.constant 1 : i32
          %add3A_562 = arith.addi %mul3A_560, %add3A_561 : i32
          %add3A_563 = arith.constant 512 : i32
          %add3A_564 = arith.addi %add3A_563, %add3A_562 : i32
          %get3A_565 = arith.index_cast %add3A_564 : i32 to index
          %get3A_566 = arith.constant 0 : index
          %get3A_567 = tpu.vector_load %arg9[%get3A_565, %get3A_566] {strides = array<i32>} : memref<2048x32xbf16, #tpu.memory_space<vmem>>, vector<32xbf16>,
          %bitcast3A_568 = vector.bitcast %get3A_567 : vector<32xbf16> to vector<16xi32>
          %mul3A_569 = arith.constant 0 : i32
          %mul3A_570 = vector.broadcast %mul3A_569 : i32 to vector<16xi32>
          %mul3A_571 = arith.muli %iota3A, %mul3A_570 : vector<16xi32>
          %add3A_572 = vector.broadcast %select_n3A_534 : i32 to vector<16xi32>
          %add3A_573 = arith.addi %mul3A_571, %add3A_572 : vector<16xi32>
          %mul3A_574 = arith.constant 0 : i32
          %mul3A_575 = vector.broadcast %mul3A_574 : i32 to vector<16xi32>
          %mul3A_576 = arith.muli %iota3A, %mul3A_575 : vector<16xi32>
          %add3A_577 = arith.constant 1 : i32
          %add3A_578 = arith.addi %rem3A_538, %add3A_577 : i32
          %add3A_579 = vector.broadcast %add3A_578 : i32 to vector<16xi32>
          %add3A_580 = arith.addi %mul3A_576, %add3A_579 : vector<16xi32>
          tpu.vector_store_idx %arg11[%select_n3A, %add3A_573, %rem3A_30, %add3A_580], %bitcast3A_568 : memref<2x5x8x129xi32, #tpu.memory_space<vmem>>[vector<16xi32>, vector<16xi32>, vector<16xi32>, vector<16xi32>], vector<16xi32>,
          %mul3A_581 = arith.constant 8 : i32
          %mul3A_582 = arith.muli %scan3A_508, %mul3A_581 : i32
          %add3A_583 = arith.constant 2 : i32
          %add3A_584 = arith.addi %mul3A_582, %add3A_583 : i32
          %add3A_585 = arith.constant 512 : i32
          %add3A_586 = arith.addi %add3A_585, %add3A_584 : i32
          %get3A_587 = arith.index_cast %add3A_586 : i32 to index
          %get3A_588 = arith.constant 0 : index
          %get3A_589 = tpu.vector_load %arg9[%get3A_587, %get3A_588] {strides = array<i32>} : memref<2048x32xbf16, #tpu.memory_space<vmem>>, vector<32xbf16>,
          %bitcast3A_590 = vector.bitcast %get3A_589 : vector<32xbf16> to vector<16xi32>
          %mul3A_591 = arith.constant 0 : i32
          %mul3A_592 = vector.broadcast %mul3A_591 : i32 to vector<16xi32>
          %mul3A_593 = arith.muli %iota3A, %mul3A_592 : vector<16xi32>
          %add3A_594 = vector.broadcast %select_n3A_534 : i32 to vector<16xi32>
          %add3A_595 = arith.addi %mul3A_593, %add3A_594 : vector<16xi32>
          %mul3A_596 = arith.constant 0 : i32
          %mul3A_597 = vector.broadcast %mul3A_596 : i32 to vector<16xi32>
          %mul3A_598 = arith.muli %iota3A, %mul3A_597 : vector<16xi32>
          %add3A_599 = arith.constant 2 : i32
          %add3A_600 = arith.addi %rem3A_538, %add3A_599 : i32
          %add3A_601 = vector.broadcast %add3A_600 : i32 to vector<16xi32>
          %add3A_602 = arith.addi %mul3A_598, %add3A_601 : vector<16xi32>
          tpu.vector_store_idx %arg11[%select_n3A, %add3A_595, %rem3A_30, %add3A_602], %bitcast3A_590 : memref<2x5x8x129xi32, #tpu.memory_space<vmem>>[vector<16xi32>, vector<16xi32>, vector<16xi32>, vector<16xi32>], vector<16xi32>,
          %mul3A_603 = arith.constant 8 : i32
          %mul3A_604 = arith.muli %scan3A_508, %mul3A_603 : i32
          %add3A_605 = arith.constant 3 : i32
          %add3A_606 = arith.addi %mul3A_604, %add3A_605 : i32
          %add3A_607 = arith.constant 512 : i32
          %add3A_608 = arith.addi %add3A_607, %add3A_606 : i32
          %get3A_609 = arith.index_cast %add3A_608 : i32 to index
          %get3A_610 = arith.constant 0 : index
          %get3A_611 = tpu.vector_load %arg9[%get3A_609, %get3A_610] {strides = array<i32>} : memref<2048x32xbf16, #tpu.memory_space<vmem>>, vector<32xbf16>,
          %bitcast3A_612 = vector.bitcast %get3A_611 : vector<32xbf16> to vector<16xi32>
          %mul3A_613 = arith.constant 0 : i32
          %mul3A_614 = vector.broadcast %mul3A_613 : i32 to vector<16xi32>
          %mul3A_615 = arith.muli %iota3A, %mul3A_614 : vector<16xi32>
          %add3A_616 = vector.broadcast %select_n3A_534 : i32 to vector<16xi32>
          %add3A_617 = arith.addi %mul3A_615, %add3A_616 : vector<16xi32>
          %mul3A_618 = arith.constant 0 : i32
          %mul3A_619 = vector.broadcast %mul3A_618 : i32 to vector<16xi32>
          %mul3A_620 = arith.muli %iota3A, %mul3A_619 : vector<16xi32>
          %add3A_621 = arith.constant 3 : i32
          %add3A_622 = arith.addi %rem3A_538, %add3A_621 : i32
          %add3A_623 = vector.broadcast %add3A_622 : i32 to vector<16xi32>
          %add3A_624 = arith.addi %mul3A_620, %add3A_623 : vector<16xi32>
          tpu.vector_store_idx %arg11[%select_n3A, %add3A_617, %rem3A_30, %add3A_624], %bitcast3A_612 : memref<2x5x8x129xi32, #tpu.memory_space<vmem>>[vector<16xi32>, vector<16xi32>, vector<16xi32>, vector<16xi32>], vector<16xi32>,
          %mul3A_625 = arith.constant 8 : i32
          %mul3A_626 = arith.muli %scan3A_508, %mul3A_625 : i32
          %add3A_627 = arith.constant 4 : i32
          %add3A_628 = arith.addi %mul3A_626, %add3A_627 : i32
          %add3A_629 = arith.constant 512 : i32
          %add3A_630 = arith.addi %add3A_629, %add3A_628 : i32
          %get3A_631 = arith.index_cast %add3A_630 : i32 to index
          %get3A_632 = arith.constant 0 : index
          %get3A_633 = tpu.vector_load %arg9[%get3A_631, %get3A_632] {strides = array<i32>} : memref<2048x32xbf16, #tpu.memory_space<vmem>>, vector<32xbf16>,
          %bitcast3A_634 = vector.bitcast %get3A_633 : vector<32xbf16> to vector<16xi32>
          %mul3A_635 = arith.constant 0 : i32
          %mul3A_636 = vector.broadcast %mul3A_635 : i32 to vector<16xi32>
          %mul3A_637 = arith.muli %iota3A, %mul3A_636 : vector<16xi32>
          %add3A_638 = vector.broadcast %select_n3A_534 : i32 to vector<16xi32>
          %add3A_639 = arith.addi %mul3A_637, %add3A_638 : vector<16xi32>
          %mul3A_640 = arith.constant 0 : i32
          %mul3A_641 = vector.broadcast %mul3A_640 : i32 to vector<16xi32>
          %mul3A_642 = arith.muli %iota3A, %mul3A_641 : vector<16xi32>
          %add3A_643 = arith.constant 4 : i32
          %add3A_644 = arith.addi %rem3A_538, %add3A_643 : i32
          %add3A_645 = vector.broadcast %add3A_644 : i32 to vector<16xi32>
          %add3A_646 = arith.addi %mul3A_642, %add3A_645 : vector<16xi32>
          tpu.vector_store_idx %arg11[%select_n3A, %add3A_639, %rem3A_30, %add3A_646], %bitcast3A_634 : memref<2x5x8x129xi32, #tpu.memory_space<vmem>>[vector<16xi32>, vector<16xi32>, vector<16xi32>, vector<16xi32>], vector<16xi32>,
          %mul3A_647 = arith.constant 8 : i32
          %mul3A_648 = arith.muli %scan3A_508, %mul3A_647 : i32
          %add3A_649 = arith.constant 5 : i32
          %add3A_650 = arith.addi %mul3A_648, %add3A_649 : i32
          %add3A_651 = arith.constant 512 : i32
          %add3A_652 = arith.addi %add3A_651, %add3A_650 : i32
          %get3A_653 = arith.index_cast %add3A_652 : i32 to index
          %get3A_654 = arith.constant 0 : index
          %get3A_655 = tpu.vector_load %arg9[%get3A_653, %get3A_654] {strides = array<i32>} : memref<2048x32xbf16, #tpu.memory_space<vmem>>, vector<32xbf16>,
          %bitcast3A_656 = vector.bitcast %get3A_655 : vector<32xbf16> to vector<16xi32>
          %mul3A_657 = arith.constant 0 : i32
          %mul3A_658 = vector.broadcast %mul3A_657 : i32 to vector<16xi32>
          %mul3A_659 = arith.muli %iota3A, %mul3A_658 : vector<16xi32>
          %add3A_660 = vector.broadcast %select_n3A_534 : i32 to vector<16xi32>
          %add3A_661 = arith.addi %mul3A_659, %add3A_660 : vector<16xi32>
          %mul3A_662 = arith.constant 0 : i32
          %mul3A_663 = vector.broadcast %mul3A_662 : i32 to vector<16xi32>
          %mul3A_664 = arith.muli %iota3A, %mul3A_663 : vector<16xi32>
          %add3A_665 = arith.constant 5 : i32
          %add3A_666 = arith.addi %rem3A_538, %add3A_665 : i32
          %add3A_667 = vector.broadcast %add3A_666 : i32 to vector<16xi32>
          %add3A_668 = arith.addi %mul3A_664, %add3A_667 : vector<16xi32>
          tpu.vector_store_idx %arg11[%select_n3A, %add3A_661, %rem3A_30, %add3A_668], %bitcast3A_656 : memref<2x5x8x129xi32, #tpu.memory_space<vmem>>[vector<16xi32>, vector<16xi32>, vector<16xi32>, vector<16xi32>], vector<16xi32>,
          %mul3A_669 = arith.constant 8 : i32
          %mul3A_670 = arith.muli %scan3A_508, %mul3A_669 : i32
          %add3A_671 = arith.constant 6 : i32
          %add3A_672 = arith.addi %mul3A_670, %add3A_671 : i32
          %add3A_673 = arith.constant 512 : i32
          %add3A_674 = arith.addi %add3A_673, %add3A_672 : i32
          %get3A_675 = arith.index_cast %add3A_674 : i32 to index
          %get3A_676 = arith.constant 0 : index
          %get3A_677 = tpu.vector_load %arg9[%get3A_675, %get3A_676] {strides = array<i32>} : memref<2048x32xbf16, #tpu.memory_space<vmem>>, vector<32xbf16>,
          %bitcast3A_678 = vector.bitcast %get3A_677 : vector<32xbf16> to vector<16xi32>
          %mul3A_679 = arith.constant 0 : i32
          %mul3A_680 = vector.broadcast %mul3A_679 : i32 to vector<16xi32>
          %mul3A_681 = arith.muli %iota3A, %mul3A_680 : vector<16xi32>
          %add3A_682 = vector.broadcast %select_n3A_534 : i32 to vector<16xi32>
          %add3A_683 = arith.addi %mul3A_681, %add3A_682 : vector<16xi32>
          %mul3A_684 = arith.constant 0 : i32
          %mul3A_685 = vector.broadcast %mul3A_684 : i32 to vector<16xi32>
          %mul3A_686 = arith.muli %iota3A, %mul3A_685 : vector<16xi32>
          %add3A_687 = arith.constant 6 : i32
          %add3A_688 = arith.addi %rem3A_538, %add3A_687 : i32
          %add3A_689 = vector.broadcast %add3A_688 : i32 to vector<16xi32>
          %add3A_690 = arith.addi %mul3A_686, %add3A_689 : vector<16xi32>
          tpu.vector_store_idx %arg11[%select_n3A, %add3A_683, %rem3A_30, %add3A_690], %bitcast3A_678 : memref<2x5x8x129xi32, #tpu.memory_space<vmem>>[vector<16xi32>, vector<16xi32>, vector<16xi32>, vector<16xi32>], vector<16xi32>,
          %mul3A_691 = arith.constant 8 : i32
          %mul3A_692 = arith.muli %scan3A_508, %mul3A_691 : i32
          %add3A_693 = arith.constant 7 : i32
          %add3A_694 = arith.addi %mul3A_692, %add3A_693 : i32
          %add3A_695 = arith.constant 512 : i32
          %add3A_696 = arith.addi %add3A_695, %add3A_694 : i32
          %get3A_697 = arith.index_cast %add3A_696 : i32 to index
          %get3A_698 = arith.constant 0 : index
          %get3A_699 = tpu.vector_load %arg9[%get3A_697, %get3A_698] {strides = array<i32>} : memref<2048x32xbf16, #tpu.memory_space<vmem>>, vector<32xbf16>,
          %bitcast3A_700 = vector.bitcast %get3A_699 : vector<32xbf16> to vector<16xi32>
          %mul3A_701 = arith.constant 0 : i32
          %mul3A_702 = vector.broadcast %mul3A_701 : i32 to vector<16xi32>
          %mul3A_703 = arith.muli %iota3A, %mul3A_702 : vector<16xi32>
          %add3A_704 = vector.broadcast %select_n3A_534 : i32 to vector<16xi32>
          %add3A_705 = arith.addi %mul3A_703, %add3A_704 : vector<16xi32>
          %mul3A_706 = arith.constant 0 : i32
          %mul3A_707 = vector.broadcast %mul3A_706 : i32 to vector<16xi32>
          %mul3A_708 = arith.muli %iota3A, %mul3A_707 : vector<16xi32>
          %add3A_709 = arith.constant 7 : i32
          %add3A_710 = arith.addi %rem3A_538, %add3A_709 : i32
          %add3A_711 = vector.broadcast %add3A_710 : i32 to vector<16xi32>
          %add3A_712 = arith.addi %mul3A_708, %add3A_711 : vector<16xi32>
          tpu.vector_store_idx %arg11[%select_n3A, %add3A_705, %rem3A_30, %add3A_712], %bitcast3A_700 : memref<2x5x8x129xi32, #tpu.memory_space<vmem>>[vector<16xi32>, vector<16xi32>, vector<16xi32>, vector<16xi32>], vector<16xi32>,
        }
        %scan3A_335 = arith.constant 64 : i32
        %dma_start3A_336 = arith.constant 0 : i32
        %dma_start3A_337 = arith.constant 0 : i32
        %dma_start3A_338 = arith.constant 0 : i32
        %dma_start3A_339 = arith.constant 0 : i32
        %dma_start3A_340 = tpu.memref_slice %arg11[%dma_start3A_336, %dma_start3A_337, %dma_start3A_338, %dma_start3A_339] : memref<2x5x8x129xi32, #tpu.memory_space<vmem>> -> memref<2x4x8x128xi32, #tpu.memory_space<vmem>>
        %dma_start3A_341 = arith.constant 0 : i32
        %dma_start3A_342 = arith.constant 0 : i32
        %dma_start3A_343 = arith.constant 0 : i32
        %dma_start3A_344 = tpu.memref_slice %arg4[%add3A_329, %dma_start3A_341, %mul3A_4, %dma_start3A_342, %dma_start3A_343] : memref<200x2x128x8x128xi32, #tpu.memory_space<hbm>> -> memref<1x2x4x8x128xi32, #tpu.memory_space<hbm>>
        %dma_start3A_345 = tpu.memref_squeeze %dma_start3A_344 : memref<1x2x4x8x128xi32, #tpu.memory_space<hbm>> -> memref<2x4x8x128xi32, #tpu.memory_space<hbm>>
        %dma_start3A_346 = arith.constant 0 : i32
        %dma_start3A_347 = arith.constant 0 : i32
        %dma_start3A_348 = arith.constant 0 : i32
        %dma_start3A_349 = tpu.memref_slice %arg4[%add3A_329, %dma_start3A_346, %mul3A_4, %dma_start3A_347, %dma_start3A_348] : memref<200x2x128x8x128xi32, #tpu.memory_space<hbm>> -> memref<1x2x4x8x128xi32, #tpu.memory_space<hbm>>
        %dma_start3A_350 = tpu.memref_squeeze %dma_start3A_349 : memref<1x2x4x8x128xi32, #tpu.memory_space<hbm>> -> memref<2x4x8x128xi32, #tpu.memory_space<hbm>>
        %dma_start3A_351 = arith.constant 0 : i32
        %dma_start3A_352 = arith.constant 0 : i32
        %dma_start3A_353 = arith.constant 0 : i32
        %dma_start3A_354 = arith.constant 0 : i32
        %dma_start3A_355 = tpu.memref_slice %arg11[%dma_start3A_351, %dma_start3A_352, %dma_start3A_353, %dma_start3A_354] : memref<2x5x8x129xi32, #tpu.memory_space<vmem>> -> memref<2x4x8x128xi32, #tpu.memory_space<vmem>>
        tpu.enqueue_dma source(%dma_start3A_355 : memref<2x4x8x128xi32, #tpu.memory_space<vmem>>) target(%dma_start3A_350 : memref<2x4x8x128xi32, #tpu.memory_space<hbm>>) target_semaphore(%arg15 : memref<!tpu.dma_semaphore, #tpu.memory_space<semaphore_mem>>)
        %mul3A_356 = arith.constant 4 : i32
        %mul3A_357 = arith.muli %add3A_295, %mul3A_356 : i32
        %add3A_358 = arith.constant 2 : i32
        %add3A_359 = arith.addi %mul3A_357, %add3A_358 : i32
        %sub3A_360 = arith.constant 2 : i32
        %sub3A_361 = arith.subi %add3A_359, %sub3A_360 : i32
        %dma_wait3A_362 = arith.constant 0 : i32
        %dma_wait3A_363 = arith.constant 0 : i32
        %dma_wait3A_364 = arith.constant 0 : i32
        %dma_wait3A_365 = arith.constant 0 : i32
        %dma_wait3A_366 = tpu.memref_slice %arg10[%dma_wait3A_362, %dma_wait3A_363, %dma_wait3A_364, %dma_wait3A_365] : memref<2x5x8x129xi32, #tpu.memory_space<vmem>> -> memref<2x4x8x128xi32, #tpu.memory_space<vmem>>
        %dma_wait3A_367 = arith.constant 0 : i32
        %dma_wait3A_368 = arith.constant 0 : i32
        %dma_wait3A_369 = arith.constant 0 : i32
        %dma_wait3A_370 = tpu.memref_slice %arg4[%sub3A_361, %dma_wait3A_367, %mul3A_4, %dma_wait3A_368, %dma_wait3A_369] : memref<200x2x128x8x128xi32, #tpu.memory_space<hbm>> -> memref<1x2x4x8x128xi32, #tpu.memory_space<hbm>>
        %dma_wait3A_371 = tpu.memref_squeeze %dma_wait3A_370 : memref<1x2x4x8x128xi32, #tpu.memory_space<hbm>> -> memref<2x4x8x128xi32, #tpu.memory_space<hbm>>
        %dma_wait3A_372 = arith.constant 0 : i32
        %dma_wait3A_373 = arith.constant 0 : i32
        %dma_wait3A_374 = arith.constant 0 : i32
        %dma_wait3A_375 = tpu.memref_slice %arg4[%sub3A_361, %dma_wait3A_372, %mul3A_4, %dma_wait3A_373, %dma_wait3A_374] : memref<200x2x128x8x128xi32, #tpu.memory_space<hbm>> -> memref<1x2x4x8x128xi32, #tpu.memory_space<hbm>>
        %dma_wait3A_376 = tpu.memref_squeeze %dma_wait3A_375 : memref<1x2x4x8x128xi32, #tpu.memory_space<hbm>> -> memref<2x4x8x128xi32, #tpu.memory_space<hbm>>
        %dma_wait3A_377 = arith.constant 0 : i32
        %dma_wait3A_378 = arith.constant 0 : i32
        %dma_wait3A_379 = arith.constant 0 : i32
        %dma_wait3A_380 = arith.constant 0 : i32
        %dma_wait3A_381 = tpu.memref_slice %arg10[%dma_wait3A_377, %dma_wait3A_378, %dma_wait3A_379, %dma_wait3A_380] : memref<2x5x8x129xi32, #tpu.memory_space<vmem>> -> memref<2x4x8x128xi32, #tpu.memory_space<vmem>>
        tpu.wait_dma2 semaphore(%arg14 : memref<!tpu.dma_semaphore, #tpu.memory_space<semaphore_mem>>) src(%dma_wait3A_381 : memref<2x4x8x128xi32, #tpu.memory_space<vmem>>) dst(%dma_wait3A_376 : memref<2x4x8x128xi32, #tpu.memory_space<hbm>>)
        %scan3A_382 = arith.constant 0 : i32
        %scan3A_383 = arith.constant 0 : i32
        %scan3A_384 = arith.constant 64 : i32
        %scan3A_385 = arith.addi %scan3A_383, %scan3A_384 : i32
        %scan3A_386 = arith.constant 1 : i32
        scf.for %scan3A_508 = %scan3A_383 to %scan3A_385 step %scan3A_386  : i32 {
          %mul3A_509 = arith.constant 8 : i32
          %mul3A_510 = arith.muli %scan3A_508, %mul3A_509 : i32
          %jit3A_511 = arith.constant 128 : i32
          %div3A_512 = arith.divsi %mul3A_510, %jit3A_511 : i32
          %sign3A_513 = arith.constant 0 : i32
          %sign3A_514 = arith.cmpi sgt, %mul3A_510, %sign3A_513 : i32
          %sign3A_515 = arith.extui %sign3A_514 : i1 to i32
          %sign3A_516 = arith.constant 0 : i32
          %sign3A_517 = arith.cmpi slt, %mul3A_510, %sign3A_516 : i32
          %sign3A_518 = arith.extui %sign3A_517 : i1 to i32
          %sign3A_519 = arith.subi %sign3A_515, %sign3A_518 : i32
          %sign3A_520 = arith.constant 0 : i32
          %sign3A_521 = arith.cmpi sgt, %jit3A_511, %sign3A_520 : i32
          %sign3A_522 = arith.extui %sign3A_521 : i1 to i32
          %sign3A_523 = arith.constant 0 : i32
          %sign3A_524 = arith.cmpi slt, %jit3A_511, %sign3A_523 : i32
          %sign3A_525 = arith.extui %sign3A_524 : i1 to i32
          %sign3A_526 = arith.subi %sign3A_522, %sign3A_525 : i32
          %ne3A_527 = arith.cmpi ne, %sign3A_519, %sign3A_526 : i32
          %rem3A_528 = arith.remsi %mul3A_510, %jit3A_511 : i32
          %ne3A_529 = arith.constant 0 : i32
          %ne3A_530 = arith.cmpi ne, %rem3A_528, %ne3A_529 : i32
          %and3A_531 = arith.andi %ne3A_527, %ne3A_530 : i1
          %sub3A_532 = arith.constant 1 : i32
          %sub3A_533 = arith.subi %div3A_512, %sub3A_532 : i32
          %select_n3A_534 = arith.select %and3A_531, %sub3A_533, %div3A_512 : i32
          %mul3A_535 = arith.constant 8 : i32
          %mul3A_536 = arith.muli %scan3A_508, %mul3A_535 : i32
          %rem3A_537 = arith.constant 128 : i32
          %rem3A_538 = arith.remsi %mul3A_536, %rem3A_537 : i32
          %mul3A_539 = arith.constant 8 : i32
          %mul3A_540 = arith.muli %scan3A_508, %mul3A_539 : i32
          %add3A_541 = arith.constant 0 : i32
          %add3A_542 = arith.addi %mul3A_540, %add3A_541 : i32
          %add3A_543 = arith.constant 1024 : i32
          %add3A_544 = arith.addi %add3A_543, %add3A_542 : i32
          %get3A = arith.index_cast %add3A_544 : i32 to index
          %get3A_545 = arith.constant 0 : index
          %get3A_546 = tpu.vector_load %arg9[%get3A, %get3A_545] {strides = array<i32>} : memref<2048x32xbf16, #tpu.memory_space<vmem>>, vector<32xbf16>,
          %bitcast3A = vector.bitcast %get3A_546 : vector<32xbf16> to vector<16xi32>
          %mul3A_547 = arith.constant 0 : i32
          %mul3A_548 = vector.broadcast %mul3A_547 : i32 to vector<16xi32>
          %mul3A_549 = arith.muli %iota3A, %mul3A_548 : vector<16xi32>
          %add3A_550 = vector.broadcast %select_n3A_534 : i32 to vector<16xi32>
          %add3A_551 = arith.addi %mul3A_549, %add3A_550 : vector<16xi32>
          %mul3A_552 = arith.constant 0 : i32
          %mul3A_553 = vector.broadcast %mul3A_552 : i32 to vector<16xi32>
          %mul3A_554 = arith.muli %iota3A, %mul3A_553 : vector<16xi32>
          %add3A_555 = arith.constant 0 : i32
          %add3A_556 = arith.addi %rem3A_538, %add3A_555 : i32
          %add3A_557 = vector.broadcast %add3A_556 : i32 to vector<16xi32>
          %add3A_558 = arith.addi %mul3A_554, %add3A_557 : vector<16xi32>
          tpu.vector_store_idx %arg10[%select_n3A, %add3A_551, %rem3A_30, %add3A_558], %bitcast3A : memref<2x5x8x129xi32, #tpu.memory_space<vmem>>[vector<16xi32>, vector<16xi32>, vector<16xi32>, vector<16xi32>], vector<16xi32>,
          %mul3A_559 = arith.constant 8 : i32
          %mul3A_560 = arith.muli %scan3A_508, %mul3A_559 : i32
          %add3A_561 = arith.constant 1 : i32
          %add3A_562 = arith.addi %mul3A_560, %add3A_561 : i32
          %add3A_563 = arith.constant 1024 : i32
          %add3A_564 = arith.addi %add3A_563, %add3A_562 : i32
          %get3A_565 = arith.index_cast %add3A_564 : i32 to index
          %get3A_566 = arith.constant 0 : index
          %get3A_567 = tpu.vector_load %arg9[%get3A_565, %get3A_566] {strides = array<i32>} : memref<2048x32xbf16, #tpu.memory_space<vmem>>, vector<32xbf16>,
          %bitcast3A_568 = vector.bitcast %get3A_567 : vector<32xbf16> to vector<16xi32>
          %mul3A_569 = arith.constant 0 : i32
          %mul3A_570 = vector.broadcast %mul3A_569 : i32 to vector<16xi32>
          %mul3A_571 = arith.muli %iota3A, %mul3A_570 : vector<16xi32>
          %add3A_572 = vector.broadcast %select_n3A_534 : i32 to vector<16xi32>
          %add3A_573 = arith.addi %mul3A_571, %add3A_572 : vector<16xi32>
          %mul3A_574 = arith.constant 0 : i32
          %mul3A_575 = vector.broadcast %mul3A_574 : i32 to vector<16xi32>
          %mul3A_576 = arith.muli %iota3A, %mul3A_575 : vector<16xi32>
          %add3A_577 = arith.constant 1 : i32
          %add3A_578 = arith.addi %rem3A_538, %add3A_577 : i32
          %add3A_579 = vector.broadcast %add3A_578 : i32 to vector<16xi32>
          %add3A_580 = arith.addi %mul3A_576, %add3A_579 : vector<16xi32>
          tpu.vector_store_idx %arg10[%select_n3A, %add3A_573, %rem3A_30, %add3A_580], %bitcast3A_568 : memref<2x5x8x129xi32, #tpu.memory_space<vmem>>[vector<16xi32>, vector<16xi32>, vector<16xi32>, vector<16xi32>], vector<16xi32>,
          %mul3A_581 = arith.constant 8 : i32
          %mul3A_582 = arith.muli %scan3A_508, %mul3A_581 : i32
          %add3A_583 = arith.constant 2 : i32
          %add3A_584 = arith.addi %mul3A_582, %add3A_583 : i32
          %add3A_585 = arith.constant 1024 : i32
          %add3A_586 = arith.addi %add3A_585, %add3A_584 : i32
          %get3A_587 = arith.index_cast %add3A_586 : i32 to index
          %get3A_588 = arith.constant 0 : index
          %get3A_589 = tpu.vector_load %arg9[%get3A_587, %get3A_588] {strides = array<i32>} : memref<2048x32xbf16, #tpu.memory_space<vmem>>, vector<32xbf16>,
          %bitcast3A_590 = vector.bitcast %get3A_589 : vector<32xbf16> to vector<16xi32>
          %mul3A_591 = arith.constant 0 : i32
          %mul3A_592 = vector.broadcast %mul3A_591 : i32 to vector<16xi32>
          %mul3A_593 = arith.muli %iota3A, %mul3A_592 : vector<16xi32>
          %add3A_594 = vector.broadcast %select_n3A_534 : i32 to vector<16xi32>
          %add3A_595 = arith.addi %mul3A_593, %add3A_594 : vector<16xi32>
          %mul3A_596 = arith.constant 0 : i32
          %mul3A_597 = vector.broadcast %mul3A_596 : i32 to vector<16xi32>
          %mul3A_598 = arith.muli %iota3A, %mul3A_597 : vector<16xi32>
          %add3A_599 = arith.constant 2 : i32
          %add3A_600 = arith.addi %rem3A_538, %add3A_599 : i32
          %add3A_601 = vector.broadcast %add3A_600 : i32 to vector<16xi32>
          %add3A_602 = arith.addi %mul3A_598, %add3A_601 : vector<16xi32>
          tpu.vector_store_idx %arg10[%select_n3A, %add3A_595, %rem3A_30, %add3A_602], %bitcast3A_590 : memref<2x5x8x129xi32, #tpu.memory_space<vmem>>[vector<16xi32>, vector<16xi32>, vector<16xi32>, vector<16xi32>], vector<16xi32>,
          %mul3A_603 = arith.constant 8 : i32
          %mul3A_604 = arith.muli %scan3A_508, %mul3A_603 : i32
          %add3A_605 = arith.constant 3 : i32
          %add3A_606 = arith.addi %mul3A_604, %add3A_605 : i32
          %add3A_607 = arith.constant 1024 : i32
          %add3A_608 = arith.addi %add3A_607, %add3A_606 : i32
          %get3A_609 = arith.index_cast %add3A_608 : i32 to index
          %get3A_610 = arith.constant 0 : index
          %get3A_611 = tpu.vector_load %arg9[%get3A_609, %get3A_610] {strides = array<i32>} : memref<2048x32xbf16, #tpu.memory_space<vmem>>, vector<32xbf16>,
          %bitcast3A_612 = vector.bitcast %get3A_611 : vector<32xbf16> to vector<16xi32>
          %mul3A_613 = arith.constant 0 : i32
          %mul3A_614 = vector.broadcast %mul3A_613 : i32 to vector<16xi32>
          %mul3A_615 = arith.muli %iota3A, %mul3A_614 : vector<16xi32>
          %add3A_616 = vector.broadcast %select_n3A_534 : i32 to vector<16xi32>
          %add3A_617 = arith.addi %mul3A_615, %add3A_616 : vector<16xi32>
          %mul3A_618 = arith.constant 0 : i32
          %mul3A_619 = vector.broadcast %mul3A_618 : i32 to vector<16xi32>
          %mul3A_620 = arith.muli %iota3A, %mul3A_619 : vector<16xi32>
          %add3A_621 = arith.constant 3 : i32
          %add3A_622 = arith.addi %rem3A_538, %add3A_621 : i32
          %add3A_623 = vector.broadcast %add3A_622 : i32 to vector<16xi32>
          %add3A_624 = arith.addi %mul3A_620, %add3A_623 : vector<16xi32>
          tpu.vector_store_idx %arg10[%select_n3A, %add3A_617, %rem3A_30, %add3A_624], %bitcast3A_612 : memref<2x5x8x129xi32, #tpu.memory_space<vmem>>[vector<16xi32>, vector<16xi32>, vector<16xi32>, vector<16xi32>], vector<16xi32>,
          %mul3A_625 = arith.constant 8 : i32
          %mul3A_626 = arith.muli %scan3A_508, %mul3A_625 : i32
          %add3A_627 = arith.constant 4 : i32
          %add3A_628 = arith.addi %mul3A_626, %add3A_627 : i32
          %add3A_629 = arith.constant 1024 : i32
          %add3A_630 = arith.addi %add3A_629, %add3A_628 : i32
          %get3A_631 = arith.index_cast %add3A_630 : i32 to index
          %get3A_632 = arith.constant 0 : index
          %get3A_633 = tpu.vector_load %arg9[%get3A_631, %get3A_632] {strides = array<i32>} : memref<2048x32xbf16, #tpu.memory_space<vmem>>, vector<32xbf16>,
          %bitcast3A_634 = vector.bitcast %get3A_633 : vector<32xbf16> to vector<16xi32>
          %mul3A_635 = arith.constant 0 : i32
          %mul3A_636 = vector.broadcast %mul3A_635 : i32 to vector<16xi32>
          %mul3A_637 = arith.muli %iota3A, %mul3A_636 : vector<16xi32>
          %add3A_638 = vector.broadcast %select_n3A_534 : i32 to vector<16xi32>
          %add3A_639 = arith.addi %mul3A_637, %add3A_638 : vector<16xi32>
          %mul3A_640 = arith.constant 0 : i32
          %mul3A_641 = vector.broadcast %mul3A_640 : i32 to vector<16xi32>
          %mul3A_642 = arith.muli %iota3A, %mul3A_641 : vector<16xi32>
          %add3A_643 = arith.constant 4 : i32
          %add3A_644 = arith.addi %rem3A_538, %add3A_643 : i32
          %add3A_645 = vector.broadcast %add3A_644 : i32 to vector<16xi32>
          %add3A_646 = arith.addi %mul3A_642, %add3A_645 : vector<16xi32>
          tpu.vector_store_idx %arg10[%select_n3A, %add3A_639, %rem3A_30, %add3A_646], %bitcast3A_634 : memref<2x5x8x129xi32, #tpu.memory_space<vmem>>[vector<16xi32>, vector<16xi32>, vector<16xi32>, vector<16xi32>], vector<16xi32>,
          %mul3A_647 = arith.constant 8 : i32
          %mul3A_648 = arith.muli %scan3A_508, %mul3A_647 : i32
          %add3A_649 = arith.constant 5 : i32
          %add3A_650 = arith.addi %mul3A_648, %add3A_649 : i32
          %add3A_651 = arith.constant 1024 : i32
          %add3A_652 = arith.addi %add3A_651, %add3A_650 : i32
          %get3A_653 = arith.index_cast %add3A_652 : i32 to index
          %get3A_654 = arith.constant 0 : index
          %get3A_655 = tpu.vector_load %arg9[%get3A_653, %get3A_654] {strides = array<i32>} : memref<2048x32xbf16, #tpu.memory_space<vmem>>, vector<32xbf16>,
          %bitcast3A_656 = vector.bitcast %get3A_655 : vector<32xbf16> to vector<16xi32>
          %mul3A_657 = arith.constant 0 : i32
          %mul3A_658 = vector.broadcast %mul3A_657 : i32 to vector<16xi32>
          %mul3A_659 = arith.muli %iota3A, %mul3A_658 : vector<16xi32>
          %add3A_660 = vector.broadcast %select_n3A_534 : i32 to vector<16xi32>
          %add3A_661 = arith.addi %mul3A_659, %add3A_660 : vector<16xi32>
          %mul3A_662 = arith.constant 0 : i32
          %mul3A_663 = vector.broadcast %mul3A_662 : i32 to vector<16xi32>
          %mul3A_664 = arith.muli %iota3A, %mul3A_663 : vector<16xi32>
          %add3A_665 = arith.constant 5 : i32
          %add3A_666 = arith.addi %rem3A_538, %add3A_665 : i32
          %add3A_667 = vector.broadcast %add3A_666 : i32 to vector<16xi32>
          %add3A_668 = arith.addi %mul3A_664, %add3A_667 : vector<16xi32>
          tpu.vector_store_idx %arg10[%select_n3A, %add3A_661, %rem3A_30, %add3A_668], %bitcast3A_656 : memref<2x5x8x129xi32, #tpu.memory_space<vmem>>[vector<16xi32>, vector<16xi32>, vector<16xi32>, vector<16xi32>], vector<16xi32>,
          %mul3A_669 = arith.constant 8 : i32
          %mul3A_670 = arith.muli %scan3A_508, %mul3A_669 : i32
          %add3A_671 = arith.constant 6 : i32
          %add3A_672 = arith.addi %mul3A_670, %add3A_671 : i32
          %add3A_673 = arith.constant 1024 : i32
          %add3A_674 = arith.addi %add3A_673, %add3A_672 : i32
          %get3A_675 = arith.index_cast %add3A_674 : i32 to index
          %get3A_676 = arith.constant 0 : index
          %get3A_677 = tpu.vector_load %arg9[%get3A_675, %get3A_676] {strides = array<i32>} : memref<2048x32xbf16, #tpu.memory_space<vmem>>, vector<32xbf16>,
          %bitcast3A_678 = vector.bitcast %get3A_677 : vector<32xbf16> to vector<16xi32>
          %mul3A_679 = arith.constant 0 : i32
          %mul3A_680 = vector.broadcast %mul3A_679 : i32 to vector<16xi32>
          %mul3A_681 = arith.muli %iota3A, %mul3A_680 : vector<16xi32>
          %add3A_682 = vector.broadcast %select_n3A_534 : i32 to vector<16xi32>
          %add3A_683 = arith.addi %mul3A_681, %add3A_682 : vector<16xi32>
          %mul3A_684 = arith.constant 0 : i32
          %mul3A_685 = vector.broadcast %mul3A_684 : i32 to vector<16xi32>
          %mul3A_686 = arith.muli %iota3A, %mul3A_685 : vector<16xi32>
          %add3A_687 = arith.constant 6 : i32
          %add3A_688 = arith.addi %rem3A_538, %add3A_687 : i32
          %add3A_689 = vector.broadcast %add3A_688 : i32 to vector<16xi32>
          %add3A_690 = arith.addi %mul3A_686, %add3A_689 : vector<16xi32>
          tpu.vector_store_idx %arg10[%select_n3A, %add3A_683, %rem3A_30, %add3A_690], %bitcast3A_678 : memref<2x5x8x129xi32, #tpu.memory_space<vmem>>[vector<16xi32>, vector<16xi32>, vector<16xi32>, vector<16xi32>], vector<16xi32>,
          %mul3A_691 = arith.constant 8 : i32
          %mul3A_692 = arith.muli %scan3A_508, %mul3A_691 : i32
          %add3A_693 = arith.constant 7 : i32
          %add3A_694 = arith.addi %mul3A_692, %add3A_693 : i32
          %add3A_695 = arith.constant 1024 : i32
          %add3A_696 = arith.addi %add3A_695, %add3A_694 : i32
          %get3A_697 = arith.index_cast %add3A_696 : i32 to index
          %get3A_698 = arith.constant 0 : index
          %get3A_699 = tpu.vector_load %arg9[%get3A_697, %get3A_698] {strides = array<i32>} : memref<2048x32xbf16, #tpu.memory_space<vmem>>, vector<32xbf16>,
          %bitcast3A_700 = vector.bitcast %get3A_699 : vector<32xbf16> to vector<16xi32>
          %mul3A_701 = arith.constant 0 : i32
          %mul3A_702 = vector.broadcast %mul3A_701 : i32 to vector<16xi32>
          %mul3A_703 = arith.muli %iota3A, %mul3A_702 : vector<16xi32>
          %add3A_704 = vector.broadcast %select_n3A_534 : i32 to vector<16xi32>
          %add3A_705 = arith.addi %mul3A_703, %add3A_704 : vector<16xi32>
          %mul3A_706 = arith.constant 0 : i32
          %mul3A_707 = vector.broadcast %mul3A_706 : i32 to vector<16xi32>
          %mul3A_708 = arith.muli %iota3A, %mul3A_707 : vector<16xi32>
          %add3A_709 = arith.constant 7 : i32
          %add3A_710 = arith.addi %rem3A_538, %add3A_709 : i32
          %add3A_711 = vector.broadcast %add3A_710 : i32 to vector<16xi32>
          %add3A_712 = arith.addi %mul3A_708, %add3A_711 : vector<16xi32>
          tpu.vector_store_idx %arg10[%select_n3A, %add3A_705, %rem3A_30, %add3A_712], %bitcast3A_700 : memref<2x5x8x129xi32, #tpu.memory_space<vmem>>[vector<16xi32>, vector<16xi32>, vector<16xi32>, vector<16xi32>], vector<16xi32>,
        }
        %scan3A_387 = arith.constant 64 : i32
        %dma_start3A_388 = arith.constant 0 : i32
        %dma_start3A_389 = arith.constant 0 : i32
        %dma_start3A_390 = arith.constant 0 : i32
        %dma_start3A_391 = arith.constant 0 : i32
        %dma_start3A_392 = tpu.memref_slice %arg10[%dma_start3A_388, %dma_start3A_389, %dma_start3A_390, %dma_start3A_391] : memref<2x5x8x129xi32, #tpu.memory_space<vmem>> -> memref<2x4x8x128xi32, #tpu.memory_space<vmem>>
        %dma_start3A_393 = arith.constant 0 : i32
        %dma_start3A_394 = arith.constant 0 : i32
        %dma_start3A_395 = arith.constant 0 : i32
        %dma_start3A_396 = tpu.memref_slice %arg4[%add3A_359, %dma_start3A_393, %mul3A_4, %dma_start3A_394, %dma_start3A_395] : memref<200x2x128x8x128xi32, #tpu.memory_space<hbm>> -> memref<1x2x4x8x128xi32, #tpu.memory_space<hbm>>
        %dma_start3A_397 = tpu.memref_squeeze %dma_start3A_396 : memref<1x2x4x8x128xi32, #tpu.memory_space<hbm>> -> memref<2x4x8x128xi32, #tpu.memory_space<hbm>>
        %dma_start3A_398 = arith.constant 0 : i32
        %dma_start3A_399 = arith.constant 0 : i32
        %dma_start3A_400 = arith.constant 0 : i32
        %dma_start3A_401 = tpu.memref_slice %arg4[%add3A_359, %dma_start3A_398, %mul3A_4, %dma_start3A_399, %dma_start3A_400] : memref<200x2x128x8x128xi32, #tpu.memory_space<hbm>> -> memref<1x2x4x8x128xi32, #tpu.memory_space<hbm>>
        %dma_start3A_402 = tpu.memref_squeeze %dma_start3A_401 : memref<1x2x4x8x128xi32, #tpu.memory_space<hbm>> -> memref<2x4x8x128xi32, #tpu.memory_space<hbm>>
        %dma_start3A_403 = arith.constant 0 : i32
        %dma_start3A_404 = arith.constant 0 : i32
        %dma_start3A_405 = arith.constant 0 : i32
        %dma_start3A_406 = arith.constant 0 : i32
        %dma_start3A_407 = tpu.memref_slice %arg10[%dma_start3A_403, %dma_start3A_404, %dma_start3A_405, %dma_start3A_406] : memref<2x5x8x129xi32, #tpu.memory_space<vmem>> -> memref<2x4x8x128xi32, #tpu.memory_space<vmem>>
        tpu.enqueue_dma source(%dma_start3A_407 : memref<2x4x8x128xi32, #tpu.memory_space<vmem>>) target(%dma_start3A_402 : memref<2x4x8x128xi32, #tpu.memory_space<hbm>>) target_semaphore(%arg14 : memref<!tpu.dma_semaphore, #tpu.memory_space<semaphore_mem>>)
        %mul3A_408 = arith.constant 4 : i32
        %mul3A_409 = arith.muli %add3A_295, %mul3A_408 : i32
        %add3A_410 = arith.constant 3 : i32
        %add3A_411 = arith.addi %mul3A_409, %add3A_410 : i32
        %sub3A_412 = arith.constant 2 : i32
        %sub3A_413 = arith.subi %add3A_411, %sub3A_412 : i32
        %dma_wait3A_414 = arith.constant 0 : i32
        %dma_wait3A_415 = arith.constant 0 : i32
        %dma_wait3A_416 = arith.constant 0 : i32
        %dma_wait3A_417 = arith.constant 0 : i32
        %dma_wait3A_418 = tpu.memref_slice %arg11[%dma_wait3A_414, %dma_wait3A_415, %dma_wait3A_416, %dma_wait3A_417] : memref<2x5x8x129xi32, #tpu.memory_space<vmem>> -> memref<2x4x8x128xi32, #tpu.memory_space<vmem>>
        %dma_wait3A_419 = arith.constant 0 : i32
        %dma_wait3A_420 = arith.constant 0 : i32
        %dma_wait3A_421 = arith.constant 0 : i32
        %dma_wait3A_422 = tpu.memref_slice %arg4[%sub3A_413, %dma_wait3A_419, %mul3A_4, %dma_wait3A_420, %dma_wait3A_421] : memref<200x2x128x8x128xi32, #tpu.memory_space<hbm>> -> memref<1x2x4x8x128xi32, #tpu.memory_space<hbm>>
        %dma_wait3A_423 = tpu.memref_squeeze %dma_wait3A_422 : memref<1x2x4x8x128xi32, #tpu.memory_space<hbm>> -> memref<2x4x8x128xi32, #tpu.memory_space<hbm>>
        %dma_wait3A_424 = arith.constant 0 : i32
        %dma_wait3A_425 = arith.constant 0 : i32
        %dma_wait3A_426 = arith.constant 0 : i32
        %dma_wait3A_427 = tpu.memref_slice %arg4[%sub3A_413, %dma_wait3A_424, %mul3A_4, %dma_wait3A_425, %dma_wait3A_426] : memref<200x2x128x8x128xi32, #tpu.memory_space<hbm>> -> memref<1x2x4x8x128xi32, #tpu.memory_space<hbm>>
        %dma_wait3A_428 = tpu.memref_squeeze %dma_wait3A_427 : memref<1x2x4x8x128xi32, #tpu.memory_space<hbm>> -> memref<2x4x8x128xi32, #tpu.memory_space<hbm>>
        %dma_wait3A_429 = arith.constant 0 : i32
        %dma_wait3A_430 = arith.constant 0 : i32
        %dma_wait3A_431 = arith.constant 0 : i32
        %dma_wait3A_432 = arith.constant 0 : i32
        %dma_wait3A_433 = tpu.memref_slice %arg11[%dma_wait3A_429, %dma_wait3A_430, %dma_wait3A_431, %dma_wait3A_432] : memref<2x5x8x129xi32, #tpu.memory_space<vmem>> -> memref<2x4x8x128xi32, #tpu.memory_space<vmem>>
        tpu.wait_dma2 semaphore(%arg15 : memref<!tpu.dma_semaphore, #tpu.memory_space<semaphore_mem>>) src(%dma_wait3A_433 : memref<2x4x8x128xi32, #tpu.memory_space<vmem>>) dst(%dma_wait3A_428 : memref<2x4x8x128xi32, #tpu.memory_space<hbm>>)
        %scan3A_434 = arith.constant 0 : i32
        %scan3A_435 = arith.constant 0 : i32
        %scan3A_436 = arith.constant 64 : i32
        %scan3A_437 = arith.addi %scan3A_435, %scan3A_436 : i32
        %scan3A_438 = arith.constant 1 : i32
        scf.for %scan3A_508 = %scan3A_435 to %scan3A_437 step %scan3A_438  : i32 {
          %mul3A_509 = arith.constant 8 : i32
          %mul3A_510 = arith.muli %scan3A_508, %mul3A_509 : i32
          %jit3A_511 = arith.constant 128 : i32
          %div3A_512 = arith.divsi %mul3A_510, %jit3A_511 : i32
          %sign3A_513 = arith.constant 0 : i32
          %sign3A_514 = arith.cmpi sgt, %mul3A_510, %sign3A_513 : i32
          %sign3A_515 = arith.extui %sign3A_514 : i1 to i32
          %sign3A_516 = arith.constant 0 : i32
          %sign3A_517 = arith.cmpi slt, %mul3A_510, %sign3A_516 : i32
          %sign3A_518 = arith.extui %sign3A_517 : i1 to i32
          %sign3A_519 = arith.subi %sign3A_515, %sign3A_518 : i32
          %sign3A_520 = arith.constant 0 : i32
          %sign3A_521 = arith.cmpi sgt, %jit3A_511, %sign3A_520 : i32
          %sign3A_522 = arith.extui %sign3A_521 : i1 to i32
          %sign3A_523 = arith.constant 0 : i32
          %sign3A_524 = arith.cmpi slt, %jit3A_511, %sign3A_523 : i32
          %sign3A_525 = arith.extui %sign3A_524 : i1 to i32
          %sign3A_526 = arith.subi %sign3A_522, %sign3A_525 : i32
          %ne3A_527 = arith.cmpi ne, %sign3A_519, %sign3A_526 : i32
          %rem3A_528 = arith.remsi %mul3A_510, %jit3A_511 : i32
          %ne3A_529 = arith.constant 0 : i32
          %ne3A_530 = arith.cmpi ne, %rem3A_528, %ne3A_529 : i32
          %and3A_531 = arith.andi %ne3A_527, %ne3A_530 : i1
          %sub3A_532 = arith.constant 1 : i32
          %sub3A_533 = arith.subi %div3A_512, %sub3A_532 : i32
          %select_n3A_534 = arith.select %and3A_531, %sub3A_533, %div3A_512 : i32
          %mul3A_535 = arith.constant 8 : i32
          %mul3A_536 = arith.muli %scan3A_508, %mul3A_535 : i32
          %rem3A_537 = arith.constant 128 : i32
          %rem3A_538 = arith.remsi %mul3A_536, %rem3A_537 : i32
          %mul3A_539 = arith.constant 8 : i32
          %mul3A_540 = arith.muli %scan3A_508, %mul3A_539 : i32
          %add3A_541 = arith.constant 0 : i32
          %add3A_542 = arith.addi %mul3A_540, %add3A_541 : i32
          %add3A_543 = arith.constant 1536 : i32
          %add3A_544 = arith.addi %add3A_543, %add3A_542 : i32
          %get3A = arith.index_cast %add3A_544 : i32 to index
          %get3A_545 = arith.constant 0 : index
          %get3A_546 = tpu.vector_load %arg9[%get3A, %get3A_545] {strides = array<i32>} : memref<2048x32xbf16, #tpu.memory_space<vmem>>, vector<32xbf16>,
          %bitcast3A = vector.bitcast %get3A_546 : vector<32xbf16> to vector<16xi32>
          %mul3A_547 = arith.constant 0 : i32
          %mul3A_548 = vector.broadcast %mul3A_547 : i32 to vector<16xi32>
          %mul3A_549 = arith.muli %iota3A, %mul3A_548 : vector<16xi32>
          %add3A_550 = vector.broadcast %select_n3A_534 : i32 to vector<16xi32>
          %add3A_551 = arith.addi %mul3A_549, %add3A_550 : vector<16xi32>
          %mul3A_552 = arith.constant 0 : i32
          %mul3A_553 = vector.broadcast %mul3A_552 : i32 to vector<16xi32>
          %mul3A_554 = arith.muli %iota3A, %mul3A_553 : vector<16xi32>
          %add3A_555 = arith.constant 0 : i32
          %add3A_556 = arith.addi %rem3A_538, %add3A_555 : i32
          %add3A_557 = vector.broadcast %add3A_556 : i32 to vector<16xi32>
          %add3A_558 = arith.addi %mul3A_554, %add3A_557 : vector<16xi32>
          tpu.vector_store_idx %arg11[%select_n3A, %add3A_551, %rem3A_30, %add3A_558], %bitcast3A : memref<2x5x8x129xi32, #tpu.memory_space<vmem>>[vector<16xi32>, vector<16xi32>, vector<16xi32>, vector<16xi32>], vector<16xi32>,
          %mul3A_559 = arith.constant 8 : i32
          %mul3A_560 = arith.muli %scan3A_508, %mul3A_559 : i32
          %add3A_561 = arith.constant 1 : i32
          %add3A_562 = arith.addi %mul3A_560, %add3A_561 : i32
          %add3A_563 = arith.constant 1536 : i32
          %add3A_564 = arith.addi %add3A_563, %add3A_562 : i32
          %get3A_565 = arith.index_cast %add3A_564 : i32 to index
          %get3A_566 = arith.constant 0 : index
          %get3A_567 = tpu.vector_load %arg9[%get3A_565, %get3A_566] {strides = array<i32>} : memref<2048x32xbf16, #tpu.memory_space<vmem>>, vector<32xbf16>,
          %bitcast3A_568 = vector.bitcast %get3A_567 : vector<32xbf16> to vector<16xi32>
          %mul3A_569 = arith.constant 0 : i32
          %mul3A_570 = vector.broadcast %mul3A_569 : i32 to vector<16xi32>
          %mul3A_571 = arith.muli %iota3A, %mul3A_570 : vector<16xi32>
          %add3A_572 = vector.broadcast %select_n3A_534 : i32 to vector<16xi32>
          %add3A_573 = arith.addi %mul3A_571, %add3A_572 : vector<16xi32>
          %mul3A_574 = arith.constant 0 : i32
          %mul3A_575 = vector.broadcast %mul3A_574 : i32 to vector<16xi32>
          %mul3A_576 = arith.muli %iota3A, %mul3A_575 : vector<16xi32>
          %add3A_577 = arith.constant 1 : i32
          %add3A_578 = arith.addi %rem3A_538, %add3A_577 : i32
          %add3A_579 = vector.broadcast %add3A_578 : i32 to vector<16xi32>
          %add3A_580 = arith.addi %mul3A_576, %add3A_579 : vector<16xi32>
          tpu.vector_store_idx %arg11[%select_n3A, %add3A_573, %rem3A_30, %add3A_580], %bitcast3A_568 : memref<2x5x8x129xi32, #tpu.memory_space<vmem>>[vector<16xi32>, vector<16xi32>, vector<16xi32>, vector<16xi32>], vector<16xi32>,
          %mul3A_581 = arith.constant 8 : i32
          %mul3A_582 = arith.muli %scan3A_508, %mul3A_581 : i32
          %add3A_583 = arith.constant 2 : i32
          %add3A_584 = arith.addi %mul3A_582, %add3A_583 : i32
          %add3A_585 = arith.constant 1536 : i32
          %add3A_586 = arith.addi %add3A_585, %add3A_584 : i32
          %get3A_587 = arith.index_cast %add3A_586 : i32 to index
          %get3A_588 = arith.constant 0 : index
          %get3A_589 = tpu.vector_load %arg9[%get3A_587, %get3A_588] {strides = array<i32>} : memref<2048x32xbf16, #tpu.memory_space<vmem>>, vector<32xbf16>,
          %bitcast3A_590 = vector.bitcast %get3A_589 : vector<32xbf16> to vector<16xi32>
          %mul3A_591 = arith.constant 0 : i32
          %mul3A_592 = vector.broadcast %mul3A_591 : i32 to vector<16xi32>
          %mul3A_593 = arith.muli %iota3A, %mul3A_592 : vector<16xi32>
          %add3A_594 = vector.broadcast %select_n3A_534 : i32 to vector<16xi32>
          %add3A_595 = arith.addi %mul3A_593, %add3A_594 : vector<16xi32>
          %mul3A_596 = arith.constant 0 : i32
          %mul3A_597 = vector.broadcast %mul3A_596 : i32 to vector<16xi32>
          %mul3A_598 = arith.muli %iota3A, %mul3A_597 : vector<16xi32>
          %add3A_599 = arith.constant 2 : i32
          %add3A_600 = arith.addi %rem3A_538, %add3A_599 : i32
          %add3A_601 = vector.broadcast %add3A_600 : i32 to vector<16xi32>
          %add3A_602 = arith.addi %mul3A_598, %add3A_601 : vector<16xi32>
          tpu.vector_store_idx %arg11[%select_n3A, %add3A_595, %rem3A_30, %add3A_602], %bitcast3A_590 : memref<2x5x8x129xi32, #tpu.memory_space<vmem>>[vector<16xi32>, vector<16xi32>, vector<16xi32>, vector<16xi32>], vector<16xi32>,
          %mul3A_603 = arith.constant 8 : i32
          %mul3A_604 = arith.muli %scan3A_508, %mul3A_603 : i32
          %add3A_605 = arith.constant 3 : i32
          %add3A_606 = arith.addi %mul3A_604, %add3A_605 : i32
          %add3A_607 = arith.constant 1536 : i32
          %add3A_608 = arith.addi %add3A_607, %add3A_606 : i32
          %get3A_609 = arith.index_cast %add3A_608 : i32 to index
          %get3A_610 = arith.constant 0 : index
          %get3A_611 = tpu.vector_load %arg9[%get3A_609, %get3A_610] {strides = array<i32>} : memref<2048x32xbf16, #tpu.memory_space<vmem>>, vector<32xbf16>,
          %bitcast3A_612 = vector.bitcast %get3A_611 : vector<32xbf16> to vector<16xi32>
          %mul3A_613 = arith.constant 0 : i32
          %mul3A_614 = vector.broadcast %mul3A_613 : i32 to vector<16xi32>
          %mul3A_615 = arith.muli %iota3A, %mul3A_614 : vector<16xi32>
          %add3A_616 = vector.broadcast %select_n3A_534 : i32 to vector<16xi32>
          %add3A_617 = arith.addi %mul3A_615, %add3A_616 : vector<16xi32>
          %mul3A_618 = arith.constant 0 : i32
          %mul3A_619 = vector.broadcast %mul3A_618 : i32 to vector<16xi32>
          %mul3A_620 = arith.muli %iota3A, %mul3A_619 : vector<16xi32>
          %add3A_621 = arith.constant 3 : i32
          %add3A_622 = arith.addi %rem3A_538, %add3A_621 : i32
          %add3A_623 = vector.broadcast %add3A_622 : i32 to vector<16xi32>
          %add3A_624 = arith.addi %mul3A_620, %add3A_623 : vector<16xi32>
          tpu.vector_store_idx %arg11[%select_n3A, %add3A_617, %rem3A_30, %add3A_624], %bitcast3A_612 : memref<2x5x8x129xi32, #tpu.memory_space<vmem>>[vector<16xi32>, vector<16xi32>, vector<16xi32>, vector<16xi32>], vector<16xi32>,
          %mul3A_625 = arith.constant 8 : i32
          %mul3A_626 = arith.muli %scan3A_508, %mul3A_625 : i32
          %add3A_627 = arith.constant 4 : i32
          %add3A_628 = arith.addi %mul3A_626, %add3A_627 : i32
          %add3A_629 = arith.constant 1536 : i32
          %add3A_630 = arith.addi %add3A_629, %add3A_628 : i32
          %get3A_631 = arith.index_cast %add3A_630 : i32 to index
          %get3A_632 = arith.constant 0 : index
          %get3A_633 = tpu.vector_load %arg9[%get3A_631, %get3A_632] {strides = array<i32>} : memref<2048x32xbf16, #tpu.memory_space<vmem>>, vector<32xbf16>,
          %bitcast3A_634 = vector.bitcast %get3A_633 : vector<32xbf16> to vector<16xi32>
          %mul3A_635 = arith.constant 0 : i32
          %mul3A_636 = vector.broadcast %mul3A_635 : i32 to vector<16xi32>
          %mul3A_637 = arith.muli %iota3A, %mul3A_636 : vector<16xi32>
          %add3A_638 = vector.broadcast %select_n3A_534 : i32 to vector<16xi32>
          %add3A_639 = arith.addi %mul3A_637, %add3A_638 : vector<16xi32>
          %mul3A_640 = arith.constant 0 : i32
          %mul3A_641 = vector.broadcast %mul3A_640 : i32 to vector<16xi32>
          %mul3A_642 = arith.muli %iota3A, %mul3A_641 : vector<16xi32>
          %add3A_643 = arith.constant 4 : i32
          %add3A_644 = arith.addi %rem3A_538, %add3A_643 : i32
          %add3A_645 = vector.broadcast %add3A_644 : i32 to vector<16xi32>
          %add3A_646 = arith.addi %mul3A_642, %add3A_645 : vector<16xi32>
          tpu.vector_store_idx %arg11[%select_n3A, %add3A_639, %rem3A_30, %add3A_646], %bitcast3A_634 : memref<2x5x8x129xi32, #tpu.memory_space<vmem>>[vector<16xi32>, vector<16xi32>, vector<16xi32>, vector<16xi32>], vector<16xi32>,
          %mul3A_647 = arith.constant 8 : i32
          %mul3A_648 = arith.muli %scan3A_508, %mul3A_647 : i32
          %add3A_649 = arith.constant 5 : i32
          %add3A_650 = arith.addi %mul3A_648, %add3A_649 : i32
          %add3A_651 = arith.constant 1536 : i32
          %add3A_652 = arith.addi %add3A_651, %add3A_650 : i32
          %get3A_653 = arith.index_cast %add3A_652 : i32 to index
          %get3A_654 = arith.constant 0 : index
          %get3A_655 = tpu.vector_load %arg9[%get3A_653, %get3A_654] {strides = array<i32>} : memref<2048x32xbf16, #tpu.memory_space<vmem>>, vector<32xbf16>,
          %bitcast3A_656 = vector.bitcast %get3A_655 : vector<32xbf16> to vector<16xi32>
          %mul3A_657 = arith.constant 0 : i32
          %mul3A_658 = vector.broadcast %mul3A_657 : i32 to vector<16xi32>
          %mul3A_659 = arith.muli %iota3A, %mul3A_658 : vector<16xi32>
          %add3A_660 = vector.broadcast %select_n3A_534 : i32 to vector<16xi32>
          %add3A_661 = arith.addi %mul3A_659, %add3A_660 : vector<16xi32>
          %mul3A_662 = arith.constant 0 : i32
          %mul3A_663 = vector.broadcast %mul3A_662 : i32 to vector<16xi32>
          %mul3A_664 = arith.muli %iota3A, %mul3A_663 : vector<16xi32>
          %add3A_665 = arith.constant 5 : i32
          %add3A_666 = arith.addi %rem3A_538, %add3A_665 : i32
          %add3A_667 = vector.broadcast %add3A_666 : i32 to vector<16xi32>
          %add3A_668 = arith.addi %mul3A_664, %add3A_667 : vector<16xi32>
          tpu.vector_store_idx %arg11[%select_n3A, %add3A_661, %rem3A_30, %add3A_668], %bitcast3A_656 : memref<2x5x8x129xi32, #tpu.memory_space<vmem>>[vector<16xi32>, vector<16xi32>, vector<16xi32>, vector<16xi32>], vector<16xi32>,
          %mul3A_669 = arith.constant 8 : i32
          %mul3A_670 = arith.muli %scan3A_508, %mul3A_669 : i32
          %add3A_671 = arith.constant 6 : i32
          %add3A_672 = arith.addi %mul3A_670, %add3A_671 : i32
          %add3A_673 = arith.constant 1536 : i32
          %add3A_674 = arith.addi %add3A_673, %add3A_672 : i32
          %get3A_675 = arith.index_cast %add3A_674 : i32 to index
          %get3A_676 = arith.constant 0 : index
          %get3A_677 = tpu.vector_load %arg9[%get3A_675, %get3A_676] {strides = array<i32>} : memref<2048x32xbf16, #tpu.memory_space<vmem>>, vector<32xbf16>,
          %bitcast3A_678 = vector.bitcast %get3A_677 : vector<32xbf16> to vector<16xi32>
          %mul3A_679 = arith.constant 0 : i32
          %mul3A_680 = vector.broadcast %mul3A_679 : i32 to vector<16xi32>
          %mul3A_681 = arith.muli %iota3A, %mul3A_680 : vector<16xi32>
          %add3A_682 = vector.broadcast %select_n3A_534 : i32 to vector<16xi32>
          %add3A_683 = arith.addi %mul3A_681, %add3A_682 : vector<16xi32>
          %mul3A_684 = arith.constant 0 : i32
          %mul3A_685 = vector.broadcast %mul3A_684 : i32 to vector<16xi32>
          %mul3A_686 = arith.muli %iota3A, %mul3A_685 : vector<16xi32>
          %add3A_687 = arith.constant 6 : i32
          %add3A_688 = arith.addi %rem3A_538, %add3A_687 : i32
          %add3A_689 = vector.broadcast %add3A_688 : i32 to vector<16xi32>
          %add3A_690 = arith.addi %mul3A_686, %add3A_689 : vector<16xi32>
          tpu.vector_store_idx %arg11[%select_n3A, %add3A_683, %rem3A_30, %add3A_690], %bitcast3A_678 : memref<2x5x8x129xi32, #tpu.memory_space<vmem>>[vector<16xi32>, vector<16xi32>, vector<16xi32>, vector<16xi32>], vector<16xi32>,
          %mul3A_691 = arith.constant 8 : i32
          %mul3A_692 = arith.muli %scan3A_508, %mul3A_691 : i32
          %add3A_693 = arith.constant 7 : i32
          %add3A_694 = arith.addi %mul3A_692, %add3A_693 : i32
          %add3A_695 = arith.constant 1536 : i32
          %add3A_696 = arith.addi %add3A_695, %add3A_694 : i32
          %get3A_697 = arith.index_cast %add3A_696 : i32 to index
          %get3A_698 = arith.constant 0 : index
          %get3A_699 = tpu.vector_load %arg9[%get3A_697, %get3A_698] {strides = array<i32>} : memref<2048x32xbf16, #tpu.memory_space<vmem>>, vector<32xbf16>,
          %bitcast3A_700 = vector.bitcast %get3A_699 : vector<32xbf16> to vector<16xi32>
          %mul3A_701 = arith.constant 0 : i32
          %mul3A_702 = vector.broadcast %mul3A_701 : i32 to vector<16xi32>
          %mul3A_703 = arith.muli %iota3A, %mul3A_702 : vector<16xi32>
          %add3A_704 = vector.broadcast %select_n3A_534 : i32 to vector<16xi32>
          %add3A_705 = arith.addi %mul3A_703, %add3A_704 : vector<16xi32>
          %mul3A_706 = arith.constant 0 : i32
          %mul3A_707 = vector.broadcast %mul3A_706 : i32 to vector<16xi32>
          %mul3A_708 = arith.muli %iota3A, %mul3A_707 : vector<16xi32>
          %add3A_709 = arith.constant 7 : i32
          %add3A_710 = arith.addi %rem3A_538, %add3A_709 : i32
          %add3A_711 = vector.broadcast %add3A_710 : i32 to vector<16xi32>
          %add3A_712 = arith.addi %mul3A_708, %add3A_711 : vector<16xi32>
          tpu.vector_store_idx %arg11[%select_n3A, %add3A_705, %rem3A_30, %add3A_712], %bitcast3A_700 : memref<2x5x8x129xi32, #tpu.memory_space<vmem>>[vector<16xi32>, vector<16xi32>, vector<16xi32>, vector<16xi32>], vector<16xi32>,
        }
        %scan3A_439 = arith.constant 64 : i32
        %dma_start3A_440 = arith.constant 0 : i32
        %dma_start3A_441 = arith.constant 0 : i32
        %dma_start3A_442 = arith.constant 0 : i32
        %dma_start3A_443 = arith.constant 0 : i32
        %dma_start3A_444 = tpu.memref_slice %arg11[%dma_start3A_440, %dma_start3A_441, %dma_start3A_442, %dma_start3A_443] : memref<2x5x8x129xi32, #tpu.memory_space<vmem>> -> memref<2x4x8x128xi32, #tpu.memory_space<vmem>>
        %dma_start3A_445 = arith.constant 0 : i32
        %dma_start3A_446 = arith.constant 0 : i32
        %dma_start3A_447 = arith.constant 0 : i32
        %dma_start3A_448 = tpu.memref_slice %arg4[%add3A_411, %dma_start3A_445, %mul3A_4, %dma_start3A_446, %dma_start3A_447] : memref<200x2x128x8x128xi32, #tpu.memory_space<hbm>> -> memref<1x2x4x8x128xi32, #tpu.memory_space<hbm>>
        %dma_start3A_449 = tpu.memref_squeeze %dma_start3A_448 : memref<1x2x4x8x128xi32, #tpu.memory_space<hbm>> -> memref<2x4x8x128xi32, #tpu.memory_space<hbm>>
        %dma_start3A_450 = arith.constant 0 : i32
        %dma_start3A_451 = arith.constant 0 : i32
        %dma_start3A_452 = arith.constant 0 : i32
        %dma_start3A_453 = tpu.memref_slice %arg4[%add3A_411, %dma_start3A_450, %mul3A_4, %dma_start3A_451, %dma_start3A_452] : memref<200x2x128x8x128xi32, #tpu.memory_space<hbm>> -> memref<1x2x4x8x128xi32, #tpu.memory_space<hbm>>
        %dma_start3A_454 = tpu.memref_squeeze %dma_start3A_453 : memref<1x2x4x8x128xi32, #tpu.memory_space<hbm>> -> memref<2x4x8x128xi32, #tpu.memory_space<hbm>>
        %dma_start3A_455 = arith.constant 0 : i32
        %dma_start3A_456 = arith.constant 0 : i32
        %dma_start3A_457 = arith.constant 0 : i32
        %dma_start3A_458 = arith.constant 0 : i32
        %dma_start3A_459 = tpu.memref_slice %arg11[%dma_start3A_455, %dma_start3A_456, %dma_start3A_457, %dma_start3A_458] : memref<2x5x8x129xi32, #tpu.memory_space<vmem>> -> memref<2x4x8x128xi32, #tpu.memory_space<vmem>>
        tpu.enqueue_dma source(%dma_start3A_459 : memref<2x4x8x128xi32, #tpu.memory_space<vmem>>) target(%dma_start3A_454 : memref<2x4x8x128xi32, #tpu.memory_space<hbm>>) target_semaphore(%arg15 : memref<!tpu.dma_semaphore, #tpu.memory_space<semaphore_mem>>)
        %mul3A_460 = arith.constant 4 : i32
        %mul3A_461 = arith.muli %add3A_295, %mul3A_460 : i32
        %add3A_462 = arith.constant 2 : i32
        %add3A_463 = arith.addi %mul3A_461, %add3A_462 : i32
        %dma_wait3A_464 = arith.constant 0 : i32
        %dma_wait3A_465 = arith.constant 0 : i32
        %dma_wait3A_466 = arith.constant 0 : i32
        %dma_wait3A_467 = arith.constant 0 : i32
        %dma_wait3A_468 = tpu.memref_slice %arg10[%dma_wait3A_464, %dma_wait3A_465, %dma_wait3A_466, %dma_wait3A_467] : memref<2x5x8x129xi32, #tpu.memory_space<vmem>> -> memref<2x4x8x128xi32, #tpu.memory_space<vmem>>
        %dma_wait3A_469 = arith.constant 0 : i32
        %dma_wait3A_470 = arith.constant 0 : i32
        %dma_wait3A_471 = arith.constant 0 : i32
        %dma_wait3A_472 = tpu.memref_slice %arg4[%add3A_463, %dma_wait3A_469, %mul3A_4, %dma_wait3A_470, %dma_wait3A_471] : memref<200x2x128x8x128xi32, #tpu.memory_space<hbm>> -> memref<1x2x4x8x128xi32, #tpu.memory_space<hbm>>
        %dma_wait3A_473 = tpu.memref_squeeze %dma_wait3A_472 : memref<1x2x4x8x128xi32, #tpu.memory_space<hbm>> -> memref<2x4x8x128xi32, #tpu.memory_space<hbm>>
        %dma_wait3A_474 = arith.constant 0 : i32
        %dma_wait3A_475 = arith.constant 0 : i32
        %dma_wait3A_476 = arith.constant 0 : i32
        %dma_wait3A_477 = tpu.memref_slice %arg4[%add3A_463, %dma_wait3A_474, %mul3A_4, %dma_wait3A_475, %dma_wait3A_476] : memref<200x2x128x8x128xi32, #tpu.memory_space<hbm>> -> memref<1x2x4x8x128xi32, #tpu.memory_space<hbm>>
        %dma_wait3A_478 = tpu.memref_squeeze %dma_wait3A_477 : memref<1x2x4x8x128xi32, #tpu.memory_space<hbm>> -> memref<2x4x8x128xi32, #tpu.memory_space<hbm>>
        %dma_wait3A_479 = arith.constant 0 : i32
        %dma_wait3A_480 = arith.constant 0 : i32
        %dma_wait3A_481 = arith.constant 0 : i32
        %dma_wait3A_482 = arith.constant 0 : i32
        %dma_wait3A_483 = tpu.memref_slice %arg10[%dma_wait3A_479, %dma_wait3A_480, %dma_wait3A_481, %dma_wait3A_482] : memref<2x5x8x129xi32, #tpu.memory_space<vmem>> -> memref<2x4x8x128xi32, #tpu.memory_space<vmem>>
        tpu.wait_dma2 semaphore(%arg14 : memref<!tpu.dma_semaphore, #tpu.memory_space<semaphore_mem>>) src(%dma_wait3A_483 : memref<2x4x8x128xi32, #tpu.memory_space<vmem>>) dst(%dma_wait3A_478 : memref<2x4x8x128xi32, #tpu.memory_space<hbm>>)
        %mul3A_484 = arith.constant 4 : i32
        %mul3A_485 = arith.muli %add3A_295, %mul3A_484 : i32
        %add3A_486 = arith.constant 3 : i32
        %add3A_487 = arith.addi %mul3A_485, %add3A_486 : i32
        %dma_wait3A_488 = arith.constant 0 : i32
        %dma_wait3A_489 = arith.constant 0 : i32
        %dma_wait3A_490 = arith.constant 0 : i32
        %dma_wait3A_491 = arith.constant 0 : i32
        %dma_wait3A_492 = tpu.memref_slice %arg11[%dma_wait3A_488, %dma_wait3A_489, %dma_wait3A_490, %dma_wait3A_491] : memref<2x5x8x129xi32, #tpu.memory_space<vmem>> -> memref<2x4x8x128xi32, #tpu.memory_space<vmem>>
        %dma_wait3A_493 = arith.constant 0 : i32
        %dma_wait3A_494 = arith.constant 0 : i32
        %dma_wait3A_495 = arith.constant 0 : i32
        %dma_wait3A_496 = tpu.memref_slice %arg4[%add3A_487, %dma_wait3A_493, %mul3A_4, %dma_wait3A_494, %dma_wait3A_495] : memref<200x2x128x8x128xi32, #tpu.memory_space<hbm>> -> memref<1x2x4x8x128xi32, #tpu.memory_space<hbm>>
        %dma_wait3A_497 = tpu.memref_squeeze %dma_wait3A_496 : memref<1x2x4x8x128xi32, #tpu.memory_space<hbm>> -> memref<2x4x8x128xi32, #tpu.memory_space<hbm>>
        %dma_wait3A_498 = arith.constant 0 : i32
        %dma_wait3A_499 = arith.constant 0 : i32
        %dma_wait3A_500 = arith.constant 0 : i32
        %dma_wait3A_501 = tpu.memref_slice %arg4[%add3A_487, %dma_wait3A_498, %mul3A_4, %dma_wait3A_499, %dma_wait3A_500] : memref<200x2x128x8x128xi32, #tpu.memory_space<hbm>> -> memref<1x2x4x8x128xi32, #tpu.memory_space<hbm>>
        %dma_wait3A_502 = tpu.memref_squeeze %dma_wait3A_501 : memref<1x2x4x8x128xi32, #tpu.memory_space<hbm>> -> memref<2x4x8x128xi32, #tpu.memory_space<hbm>>
        %dma_wait3A_503 = arith.constant 0 : i32
        %dma_wait3A_504 = arith.constant 0 : i32
        %dma_wait3A_505 = arith.constant 0 : i32
        %dma_wait3A_506 = arith.constant 0 : i32
        %dma_wait3A_507 = tpu.memref_slice %arg11[%dma_wait3A_503, %dma_wait3A_504, %dma_wait3A_505, %dma_wait3A_506] : memref<2x5x8x129xi32, #tpu.memory_space<vmem>> -> memref<2x4x8x128xi32, #tpu.memory_space<vmem>>
        tpu.wait_dma2 semaphore(%arg15 : memref<!tpu.dma_semaphore, #tpu.memory_space<semaphore_mem>>) src(%dma_wait3A_507 : memref<2x4x8x128xi32, #tpu.memory_space<vmem>>) dst(%dma_wait3A_502 : memref<2x4x8x128xi32, #tpu.memory_space<hbm>>)
      }
      %scan3A_46 = arith.constant 5 : i32
    }
    %scan3A_35 = arith.constant 5 : i32
    return
  }
}

module attributes {stable_mosaic.version = 14 : i64} {
  func.func @body(%arg0: i32, %arg1: memref<2x16x16384xi32, #tpu.memory_space<vmem>>, %arg2: memref<2x32x16384xbf16, #tpu.memory_space<vmem>>) attributes {dimension_semantics = [#tpu.dimension_semantics<arbitrary>], iteration_bounds = array<i64: 100>, scalar_prefetch = 0 : i64, scratch_operands = 0 : i64, tpu.core_type = #tpu.core_type<tc>, window_params = [{transform_indices = @transform_0, window_bounds = array<i64: 2, 16, 16384>}, {transform_indices = @transform_1, window_bounds = array<i64: 2, 32, 16384>}]} {
    %get3A = arith.constant 0 : index
    %get3A_0 = arith.constant 0 : index
    %get3A_1 = arith.constant 0 : index
    %get3A_2 = vector.load %arg1[%get3A, %get3A_0, %get3A_1] : memref<2x16x16384xi32, #tpu.memory_space<vmem>>, vector<2x16x16384xi32>
    %bitcast_convert_type3A = tpu.bitcast %get3A_2 : vector<2x16x16384xi32> -> vector<2x16x16384xi32>
    %and3A = arith.constant 65535 : i32
    %and3A_3 = vector.broadcast %and3A : i32 to vector<2x16x16384xi32>
    %and3A_4 = arith.andi %bitcast_convert_type3A, %and3A_3 : vector<2x16x16384xi32>
    %convert_element_type3A = arith.trunci %and3A_4 : vector<2x16x16384xi32> to vector<2x16x16384xi16>
    %shift_right_logical3A = arith.constant 16 : i32
    %shift_right_logical3A_5 = vector.broadcast %shift_right_logical3A : i32 to vector<2x16x16384xi32>
    %shift_right_logical3A_6 = arith.shrui %bitcast_convert_type3A, %shift_right_logical3A_5 : vector<2x16x16384xi32>
    %convert_element_type3A_7 = arith.trunci %shift_right_logical3A_6 : vector<2x16x16384xi32> to vector<2x16x16384xi16>
    %broadcast_in_dim3A = vector.shape_cast %convert_element_type3A : vector<2x16x16384xi16> to vector<2x16x1x16384xi16>
    %broadcast_in_dim3A_8 = vector.shape_cast %convert_element_type3A_7 : vector<2x16x16384xi16> to vector<2x16x1x16384xi16>
    %concatenate3A = tpu.concatenate %broadcast_in_dim3A, %broadcast_in_dim3A_8 in 2 : vector<2x16x1x16384xi16>, vector<2x16x1x16384xi16> -> vector<2x16x2x16384xi16>
    %reshape3A = vector.shape_cast %concatenate3A : vector<2x16x2x16384xi16> to vector<2x32x16384xi16>
    %bitcast_convert_type3A_9 = tpu.bitcast %reshape3A : vector<2x32x16384xi16> -> vector<2x32x16384xbf16>
    %swap3A = arith.constant 0 : index
    %swap3A_10 = arith.constant 0 : index
    %swap3A_11 = arith.constant 0 : index
    %swap3A_12 = vector.load %arg2[%swap3A, %swap3A_10, %swap3A_11] : memref<2x32x16384xbf16, #tpu.memory_space<vmem>>, vector<2x32x16384xbf16>
    tpu.vector_store %arg2[%swap3A, %swap3A_10, %swap3A_11], %bitcast_convert_type3A_9 {strides = array<i32>} : memref<2x32x16384xbf16, #tpu.memory_space<vmem>>, vector<2x32x16384xbf16>,
    return
  }
  func.func @transform_0(%arg0: i32) -> (i32, i32, i32) {
    %c0_i32 = arith.constant 0 : i32
    %c0_i32_0 = arith.constant 0 : i32
    %c0_i32_1 = arith.constant 0 : i32
    return %arg0, %c0_i32, %c0_i32_0 : i32, i32, i32
  }
  func.func @transform_1(%arg0: i32) -> (i32, i32, i32) {
    %c0_i32 = arith.constant 0 : i32
    %c0_i32_0 = arith.constant 0 : i32
    %c0_i32_1 = arith.constant 0 : i32
    return %arg0, %c0_i32, %c0_i32_0 : i32, i32, i32
  }
}

</mosaic_0001>

<sc_bundles>
// kernel: kernel.4.cloned.1.call-start
scs
__scs_entry_jumppad:
0x0: {  	(pc) =	sbr.rel $0x88, $3  }
0x1: {  	(tag) =	ssettag $0x0;
	lr =	simm.s32 $0x1  }
0x2: {  	[smem:$0x3F9F] =	sst lr;
	_ =	strace $0xD0000000  }
0x3: {  	_ = 	snop  }
0x4: {  	_ = 	snop  }
0x5: {  	_ = 	snop  }
0x6: {  	_ = 	snop  }
0x7: {  	_ = 	snop  }
__scs_overlays_trampoline_lowered:
0x8: {  	[smem:$0x3FAE] =	sst s0  }
0x9: {  	[smem:$0x3FAF] =	sst s1  }
0xa: {  	[smem:$0x3FB0] =	sst s2  }
0xb: {  	[smem:$0x3FB1] =	sst s3  }
0xc: {  	[smem:$0x3FB2] =	sst s4  }
0xd: {  	[smem:$0x3FB3] =	sst s5  }
0xe: {  	[smem:$0x3FB4] =	sst s6  }
0xf: {  	[smem:$0x3FB5] =	sst s7  }
0x10: {  	[smem:$0x3FB6] =	sst s8  }
0x11: {  	[smem:$0x3FB7] =	sst s9;
	s0 =	simm.s32 @!p0 $0x0  }
0x12: {  	s1 =	sld [smem:$0x3F9D];
	s0 =	simm.s32 @p0 $0x1  }
0x13: {  	[smem:$0x3FB8] =	sst s0;
	s0 =	simm.s32 @!p1 $0x0  }
0x14: {  	s2 =	sld [smem:$0x3F9C];
	s0 =	simm.s32 @p1 $0x1  }
0x15: {  	[smem:$0x3FB9] =	sst s0;
	s0 =	simm.s32 @!p2 $0x0  }
0x16: {  	s3 =	sld [smem:$0x3FDB];
	s0 =	simm.s32 @p2 $0x1  }
0x17: {  	s4 =	simm.s32 $0x1BF5;
	[smem:$0x3FBB] =	sst s0  }
0x18: {  	s0 =	sld [smem:$0x3F9E];
	_ =	swait.ge [sflag:s4], $0x0  }
0x19: {  	s7 =	sld [smem:$0x3F9F]  }
0x1a: {  	s8 =	sadd.s32 $0xFFFFE003, lr  }
0x1b: {  	s9 =	sadd.s32 $0xFFFFFEF7, lr;
	s5 =	simm.s32 $0xFFFFFFFF;
	p2 =	slt.u32 s8, $0xFFFFF086  }
0x1c: {  	p1 =	slt.u32 s9, $0xF7A;
	s5 =	simm.s32 @!p2 $0x0  }
0x1d: {  	s5 =	simm.s32 @p1 $0x1;
	p0 =	seq.s32 s7, s2  }
0x1e: {  	s7 =	smul.u32 @!p0 $0xF7A, s2;
	p2 =	seq.s32 @!p0 s5, $0x0  }
0x1f: {  	s9 =	smul.u32 $0xF7A, s1;
	s8 =	simm.s32 @!p0 $0x1BF5;
	p2 =	por !p2, p0  }
0x20: {  	[sflag:s8] =	ssyncset.s32 @!p0 $0xFFFFF086;
	s6 =	sadd.s32 @!p0 s3, s7;
	s7 =	simm.s32 @!p0 $0x108  }
0x21: {  	s3 =	sadd.s32 s3, s9;
	s6 =	sadd.s32 @!p0 $0x88, s6;
	s7 =	simm.s32 @p2 $0x1082  }
0x22: {  	[simem:s7], [sflag:s8] =	dma.local @!p0 [hbm:s6], $0xF7A  }
0x23: {  	s9 =	sor.u32 $0xD0000000, s2;
	s6 =	simm.s32 $0x108;
	_ =	swait.ge @!p0 [sflag:s8], $0x0  }
0x24: {  	s3 =	sadd.s32 $0x88, s3;
	s6 =	simm.s32 @!p1 $0x1082;
	[sflag:s4] =	ssyncset.s32 $0xFFFFF086  }
0x25: {  	[simem:s6], [sflag:s4] =	dma.local [hbm:s3], $0xF7A  }
0x26: {  	[smem:$0x3F9F] =	sst s1;
	(tag) =	ssettag s2;
	_ =	strace s9  }
0x27: {  	s1 =	sld [smem:$0x3FAF]  }
0x28: {  	s2 =	sld [smem:$0x3FB0]  }
0x29: {  	s4 =	sld [smem:$0x3FB2]  }
0x2a: {  	p0 =	seq.s32 s5, $0x0;
	s5 =	sld [smem:$0x3FB3]  }
0x2b: {  	s6 =	sld [smem:$0x3FB4]  }
0x2c: {  	s7 =	sld [smem:$0x3FB5]  }
0x2d: {  	s3 =	simm.s32 $0x108;
	s8 =	sld [smem:$0x3FB6]  }
0x2e: {  	s3 =	simm.s32 @!p0 $0x1082;
	s9 =	sld [smem:$0x3FB7]  }
0x2f: {  	lr =	sadd.s32 s0, s3;
	s0 =	sld [smem:$0x3FAE]  }
0x30: {  	s3 =	sld [smem:$0x3FB1]  }
0x31: {  	[smem:$0x3FBA] =	sst s10  }
0x32: {  	s10 =	sld [smem:$0x3FB8];
	_ =	sdelay $0x3  }
0x33: {  	p0 =	seq.s32 s10, $0x1;
	s10 =	sld [smem:$0x3FBA];
	_ =	sdelay $0x3  }
0x34: {  	[smem:$0x3FBA] =	sst s10  }
0x35: {  	s10 =	sld [smem:$0x3FB9];
	_ =	sdelay $0x3  }
0x36: {  	p1 =	seq.s32 s10, $0x1;
	s10 =	sld [smem:$0x3FBA];
	_ =	sdelay $0x3  }
0x37: {  	[smem:$0x3FBA] =	sst s10  }
0x38: {  	s10 =	sld [smem:$0x3FBB]  }
0x39: {  	_ = 	snop;
	(pc) =	sbr.ind lr, $3  }
0x3a: {  	_ = 	snop  }
0x3b: {  	_ = 	snop  }
0x3c: {  	p2 =	seq.s32 s10, $0x1;
	s10 =	sld [smem:$0x3FBA]  }
0x3d: {  	_ =	shalt  }
0x3e: {  	_ =	shalt  }
0x3f: {  	_ =	shalt  }
0x40: {  	_ =	shalt  }
0x41: {  	_ =	shalt  }
0x42: {  	_ =	shalt  }
0x43: {  	_ =	shalt  }
0x44: {  	_ =	shalt  }
0x45: {  	_ =	shalt  }
0x46: {  	_ =	shalt  }
0x47: {  	_ =	shalt  }
0x48: {  	_ =	shalt  }
0x49: {  	_ =	shalt  }
0x4a: {  	_ =	shalt  }
0x4b: {  	_ =	shalt  }
0x4c: {  	_ =	shalt  }
0x4d: {  	_ =	shalt  }
0x4e: {  	_ =	shalt  }
0x4f: {  	_ =	shalt  }
0x50: {  	_ =	shalt  }
0x51: {  	_ =	shalt  }
0x52: {  	_ =	shalt  }
0x53: {  	_ =	shalt  }
0x54: {  	_ =	shalt  }
0x55: {  	_ =	shalt  }
0x56: {  	_ =	shalt  }
0x57: {  	_ =	shalt  }
0x58: {  	_ =	shalt  }
0x59: {  	_ =	shalt  }
0x5a: {  	_ =	shalt  }
0x5b: {  	_ =	shalt  }
0x5c: {  	_ =	shalt  }
0x5d: {  	_ =	shalt  }
0x5e: {  	_ =	shalt  }
0x5f: {  	_ =	shalt  }
0x60: {  	_ =	shalt  }
0x61: {  	_ =	shalt  }
0x62: {  	_ =	shalt  }
0x63: {  	_ =	shalt  }
0x64: {  	_ =	shalt  }
0x65: {  	_ =	shalt  }
0x66: {  	_ =	shalt  }
0x67: {  	_ =	shalt  }
0x68: {  	_ =	shalt  }
0x69: {  	_ =	shalt  }
0x6a: {  	_ =	shalt  }
0x6b: {  	_ =	shalt  }
0x6c: {  	_ =	shalt  }
0x6d: {  	_ =	shalt  }
0x6e: {  	_ =	shalt  }
0x6f: {  	_ =	shalt  }
0x70: {  	_ =	shalt  }
0x71: {  	_ =	shalt  }
0x72: {  	_ =	shalt  }
0x73: {  	_ =	shalt  }
0x74: {  	_ =	shalt  }
0x75: {  	_ =	shalt  }
0x76: {  	_ =	shalt  }
0x77: {  	_ =	shalt  }
0x78: {  	_ =	shalt  }
0x79: {  	_ =	shalt  }
0x7a: {  	_ =	shalt  }
0x7b: {  	_ =	shalt  }
0x7c: {  	_ =	shalt  }
0x7d: {  	_ =	shalt  }
0x7e: {  	_ =	shalt  }
0x7f: {  	_ =	shalt  }
0x80: {  	_ =	shalt  }
0x81: {  	_ =	shalt  }
0x82: {  	_ =	shalt  }
0x83: {  	_ =	shalt  }
0x84: {  	_ =	shalt  }
0x85: {  	_ =	shalt  }
0x86: {  	_ =	shalt  }
0x87: {  	_ =	shalt  }
.Lfunc_end0:
.L_simem_size_0:
called_computation.1_lowered:
.L_overlay_start_0:
0x88: {  	s2 =	sld [smem:$0x3FD9]  }
0x89: {  	s3 =	sld [smem:$0x3FFE];
	_ =	sdelay $0x1  }
0x8a: {  	s1 =	srdreg.scid  }
0x8b: {  	s0 =	sand.u32 $0x1, s1  }
0x8c: {  	s17 =	sshll.u32 s0, $0xA;
	s2 =	sadd.s32 s3, s2  }
0x8d: {  	s2 =	sadd.s32 s2, s17  }
0x8e: {  	[smem:$0x3FC6] =	sst s2  }
0x8f: {  	_ = 	snop  }
0x90: {  	s2 =	sld [smem:$0x3FD0];
	(tm) =	ssettm $0x1  }
0x91: {  	s18 =	sld [smem:$0x3FFB];
	_ =	sdelay $0x3  }
0x92: {  	_ =	strace s18  }
0x93: {  	s3 =	sld [smem:$0x3FFC];
	_ =	sdelay $0x3  }
0x94: {  	_ =	strace s3  }
0x95: {  	s3 =	sld [smem:$0x3FFD];
	_ =	sdelay $0x3  }
0x96: {  	_ =	strace s3  }
0x97: {  	_ =	strace $0x8FFFFFFF  }
0x98: {  	s19 =	sld [smem:$0x3FDB];
	_ =	sdelay $0x1  }
0x99: {  	s4 =	simm.s32 $_scs_section_size  }
0x9a: {  	s5 =	simm.s32 $_size__tile_overlayer_lowered;
	s6 =	simm.s32 $_tile_overlayer_lowered  }
0x9b: {  	s22 =	simm.s32 $0x1BFF;
	s21 =	sshll.u32 s6, $0x1;
	s3 =	sadd.s32 s4, s19  }
0x9c: {  	s7 =	simm.s32 $0x0;
	s20 =	sshll.u32 s5, $0x1;
	s5 =	sadd.s32 s21, s3  }
0x9d: {  	[timem:s7], [sflag:s22] =	dma.local [hbm:s5], s20  }
0x9e: {  	_ =	swait.ge [sflag:s22], s20  }
0x9f: {  	s4 =	ssub.s32 $0x0, s20;
	[sflag:s22] =	ssyncset.done $0x0  }
0xa0: {  	[sflag:s22] =	ssyncadd.s32 s4;
	_ =	sdelay $0x1  }
0xa1: {  	s23 =	simm.s32 $0x1B8B  }
0xa2: {  	_ =	swait.ge [sflag:s23], $0x1  }
0xa3: {  	[sflag:s23] =	ssyncset.done $0x0  }
0xa4: {  	s25 =	simm.s32 $0x1B8E;
	s24 =	sld [smem:$0x3FFE];
	[sflag:s23] =	ssyncadd.s32 $0xFFFFFFFF  }
0xa5: {  	s26 =	simm.s32 $execute0_lowered;
	[smem:$0x3FD2] =	sst s25  }
0xa6: {  	s5 =	sshll.u32 s26, $0x1;
	_ =	strace $0x80000049;
	[dreg:$0x1] =	wrdreg $0xFFFFFFFF  }
0xa7: {  	s28 =	simm.s32 $_size_execute0_lowered;
	s3 =	sadd.s32 s3, s5;
	[dreg:$0x0] =	wrdreg $0x0  }
0xa8: {  	s5 =	sshll.u32 s28, $0x1;
	[dreg:$0x2] =	wrdreg s3  }
0xa9: {  	[dreg:$0x3] =	wrdreg s5  }
0xaa: {  	[dreg:$0x4] =	wrdreg $0xC0  }
0xab: {  	_ =	task [dreg:s7], $0x5FFFF  }
0xac: {  	[dreg:$0x1] =	wrdreg $0xFFFFFFFF  }
0xad: {  	[dreg:$0x0] =	wrdreg $0x60  }
0xae: {  	[dreg:$0x2] =	wrdreg s24  }
0xaf: {  	[dreg:$0x3] =	wrdreg s2  }
0xb0: {  	[dreg:$0x4] =	wrdreg $0x9  }
0xb1: {  	_ =	task.clear_ibuf [dreg:s7], $0x5FFFF;
	_ =	strace $0x90000049  }
0xb2: {  	s29 =	simm.s32 $0x9;
	_ =	strace $0x8000004B  }
0xb3: {  	_ =	swait.ge [sflag:s29], $0x1  }
0xb4: {  	[sflag:s29] =	ssyncadd.s32 $0xFFFFFFFF  }
0xb5: {  	_ =	strace $0x9000004B  }
0xb6: {  	_ =	sfence  }
0xb7: {  	s30 =	sld [smem:$0x0];
	_ =	sdelay $0x2  }
0xb8: {  	s31 =	sshll.u32 s1, $0xD;
	s1 =	sshrl.u32 s1, $0x2  }
0xb9: {  	s3 =	sand.u32 $0x4000, s31;
	s1 =	sadd.s32 s1, s30  }
0xba: {  	s0 =	sor.u32 s3, s0;
	s1 =	sshll.u32 s1, $0x11  }
0xbb: {  	s0 =	sor.u32 s1, s0  }
0xbc: {  	s0 =	sadd.s32 $0x8F2B, s0  }
0xbd: {  	[sflag:s0] =	ssyncadd.remote.s32 $0x1  }
0xbe: {  	_ =	sfence.sel $0xFFFF  }
0xbf: {  	[dreg:$0x0] =	wrdreg $0xFFFFFFFF;
	(pc) =	sbr.abs _section_cstart, $3  }
0xc0: {  	[dreg:$0x1] =	wrdreg $0xFFFFFFFF  }
0xc1: {  	_ =	task.clear_ibuf [dreg:s7], $0x2FFFF;
	_ =	strace $0x9FFFFFFF  }
0xc2: {  	(tm) =	ssettm $0x7FFFFFFF  }
0xc3: {  	_ =	shalt  }
tec
execute0_lowered:
.L_overlay_start_1:
0x0: {  	(tag) =	ssettag $0x1  }
0x1: {  	v0 =	vlaneseq.u32  }
0x2: {  	v1 =	vimm.s32 $0x18F8;
	vm14 =	vcmask $0x300;
	v2 =	vimm.s32 $0x18F9  }
0x3: {  	vm13 =	vcmask $0x704;
	vm12 =	vcmask $0xB08;
	vm11 =	vcmask $0xF0C  }
0x4: {  	vm10 =	vcmask $0x1310;
	vm9 =	vcmask $0x1714;
	vm8 =	vcmask $0x1B18  }
0x5: {  	vm7 =	vcmask $0x1F1C;
	vm6 =	vcmask $0x2320;
	vm5 =	vcmask $0x2724  }
0x6: {  	vm4 =	vcmask $0x2B28;
	vm3 =	vcmask $0x2F2C;
	vm2 =	vcmask $0x3330  }
0x7: {  	vm1 =	vcmask $0x3734;
	vm0 =	vcmask $0x3B38;
	v3 =	vimm.s32 $0x18FA  }
0x8: {  	v4 =	vimm.s32 $0x18FB;
	v5 =	vimm.s32 $0x18FC;
	v6 =	vimm.s32 $0x18FD  }
0x9: {  	v7 =	vimm.s32 $0x18FE;
	v8 =	vimm.s32 $0x18FF;
	v1 =	vsel vm14, $0x0, v1  }
0xa: {  	v2 =	vsel vm14, $0x1, v2;
	v0 =	vmul.u32 $0x28, v0;
	v3 =	vsel vm14, $0x2, v3  }
0xb: {  	v4 =	vsel vm14, $0x3, v4;
	v5 =	vsel vm14, $0x4, v5;
	v6 =	vsel vm14, $0x5, v6  }
0xc: {  	v7 =	vsel vm14, $0x6, v7;
	v8 =	vsel vm14, $0x7, v8;
	v1 =	vsel vm13, $0x88, v1  }
0xd: {  	v2 =	vsel vm13, $0x89, v2;
	v3 =	vsel vm13, $0x8A, v3;
	v4 =	vsel vm13, $0x8B, v4  }
0xe: {  	v5 =	vsel vm13, $0x8C, v5;
	v6 =	vsel vm13, $0x8D, v6;
	v7 =	vsel vm13, $0x8E, v7  }
0xf: {  	v8 =	vsel vm13, $0x8F, v8;
	v1 =	vsel vm12, $0x110, v1;
	v2 =	vsel vm12, $0x111, v2  }
0x10: {  	v3 =	vsel vm12, $0x112, v3;
	v4 =	vsel vm12, $0x113, v4;
	v5 =	vsel vm12, $0x114, v5  }
0x11: {  	v6 =	vsel vm12, $0x115, v6;
	v7 =	vsel vm12, $0x116, v7;
	v8 =	vsel vm12, $0x117, v8  }
0x12: {  	v1 =	vsel vm11, $0x198, v1;
	v2 =	vsel vm11, $0x199, v2;
	v3 =	vsel vm11, $0x19A, v3  }
0x13: {  	v4 =	vsel vm11, $0x19B, v4;
	v5 =	vsel vm11, $0x19C, v5;
	v6 =	vsel vm11, $0x19D, v6  }
0x14: {  	v7 =	vsel vm11, $0x19E, v7;
	v8 =	vsel vm11, $0x19F, v8;
	v1 =	vsel vm10, $0x220, v1  }
0x15: {  	v2 =	vsel vm10, $0x221, v2;
	v3 =	vsel vm10, $0x222, v3;
	v4 =	vsel vm10, $0x223, v4  }
0x16: {  	v5 =	vsel vm10, $0x224, v5;
	v6 =	vsel vm10, $0x225, v6;
	v7 =	vsel vm10, $0x226, v7  }
0x17: {  	v8 =	vsel vm10, $0x227, v8;
	v1 =	vsel vm9, $0x2A8, v1;
	v2 =	vsel vm9, $0x2A9, v2  }
0x18: {  	v3 =	vsel vm9, $0x2AA, v3;
	v4 =	vsel vm9, $0x2AB, v4;
	v5 =	vsel vm9, $0x2AC, v5  }
0x19: {  	v6 =	vsel vm9, $0x2AD, v6;
	v7 =	vsel vm9, $0x2AE, v7;
	v8 =	vsel vm9, $0x2AF, v8  }
0x1a: {  	v1 =	vsel vm8, $0x330, v1;
	v2 =	vsel vm8, $0x331, v2;
	v3 =	vsel vm8, $0x332, v3  }
0x1b: {  	v4 =	vsel vm8, $0x333, v4;
	v5 =	vsel vm8, $0x334, v5;
	v6 =	vsel vm8, $0x335, v6  }
0x1c: {  	v7 =	vsel vm8, $0x336, v7;
	v8 =	vsel vm8, $0x337, v8;
	v1 =	vsel vm7, $0x3B8, v1  }
0x1d: {  	v2 =	vsel vm7, $0x3B9, v2;
	v3 =	vsel vm7, $0x3BA, v3;
	v4 =	vsel vm7, $0x3BB, v4  }
0x1e: {  	v5 =	vsel vm7, $0x3BC, v5;
	v6 =	vsel vm7, $0x3BD, v6;
	v7 =	vsel vm7, $0x3BE, v7  }
0x1f: {  	v8 =	vsel vm7, $0x3BF, v8;
	v1 =	vsel vm6, $0x1540, v1;
	v2 =	vsel vm6, $0x1541, v2  }
0x20: {  	v3 =	vsel vm6, $0x1542, v3;
	v4 =	vsel vm6, $0x1543, v4;
	v5 =	vsel vm6, $0x1544, v5  }
0x21: {  	v6 =	vsel vm6, $0x1545, v6;
	v7 =	vsel vm6, $0x1546, v7;
	v8 =	vsel vm6, $0x1547, v8  }
0x22: {  	v1 =	vsel vm5, $0x15C8, v1;
	v2 =	vsel vm5, $0x15C9, v2;
	v3 =	vsel vm5, $0x15CA, v3  }
0x23: {  	v4 =	vsel vm5, $0x15CB, v4;
	v5 =	vsel vm5, $0x15CC, v5;
	v6 =	vsel vm5, $0x15CD, v6  }
0x24: {  	s0 =	rddreg [dreg:$0x0];
	v7 =	vsel vm5, $0x15CE, v7;
	v8 =	vsel vm5, $0x15CF, v8;
	v1 =	vsel vm4, $0x1650, v1  }
0x25: {  	s1 =	rddreg [dreg:$0x1];
	s2 =	simm.s32 $0x0;
	s3 =	srdreg.scid;
	v2 =	vsel vm4, $0x1651, v2;
	v3 =	vsel vm4, $0x1652, v3;
	v4 =	vsel vm4, $0x1653, v4  }
0x26: {  	s5 =	stileid.u32;
	s19 =	simm.s32 $0x800;
	s21 =	simm.s32 $0x6000;
	v5 =	vsel vm4, $0x1654, v5;
	v6 =	vsel vm4, $0x1655, v6;
	v7 =	vsel vm4, $0x1656, v7  }
0x27: {  	s22 =	simm.s32 $0x5800;
	s23 =	simm.s32 $0xE000;
	s24 =	simm.s32 $0x1;
	v8 =	vsel vm4, $0x1657, v8;
	v1 =	vsel vm3, $0x16D8, v1;
	v2 =	vsel vm3, $0x16D9, v2  }
0x28: {  	s28 =	simm.s32 $0x3;
	s29 =	simm.s32 $0x4;
	s30 =	simm.s32 $0x2;
	v3 =	vsel vm3, $0x16DA, v3;
	v4 =	vsel vm3, $0x16DB, v4;
	v5 =	vsel vm3, $0x16DC, v5  }
0x29: {  	[smem:$0x7FF] =	sst s2;
	s3 =	sand.u32 $0x1, s3;
	s6 =	sadd.s32 $0x1E9000, s0;
	v6 =	vsel vm3, $0x16DD, v6;
	v7 =	vsel vm3, $0x16DE, v7;
	v8 =	vsel vm3, $0x16DF, v8  }
0x2a: {  	s8 =	sadd.s32 $0x255000, s0;
	s9 =	sadd.s32 $0x25D000, s0;
	s10 =	sadd.s32 $0x265000, s0;
	v1 =	vsel vm2, $0x1760, v1;
	v2 =	vsel vm2, $0x1761, v2;
	v3 =	vsel vm2, $0x1762, v3  }
0x2b: {  	s11 =	sadd.s32 $0x26D000, s0;
	s12 =	sadd.s32 $0x275000, s0;
	s13 =	sadd.s32 $0x27D000, s0;
	v4 =	vsel vm2, $0x1763, v4;
	v5 =	vsel vm2, $0x1764, v5;
	v6 =	vsel vm2, $0x1765, v6  }
0x2c: {  	s5 =	sshll.u32 s5, $0x1;
	s14 =	sadd.s32 $0x285000, s0;
	_ =	strace $0x8000004A;
	v7 =	vsel vm2, $0x1766, v7;
	v8 =	vsel vm2, $0x1767, v8;
	v1 =	vsel vm1, $0x17E8, v1  }
0x2d: {  	s4 =	ssub.s32 $0x2, s3;
	[dreg:$0x3] =	wrdreg s6;
	s3 =	sor.u32 s3, s5;
	v2 =	vsel vm1, $0x17E9, v2;
	v3 =	vsel vm1, $0x17EA, v3;
	v4 =	vsel vm1, $0x17EB, v4  }
0x2e: {  	s25 =	sshrl.u32 s4, $0x1;
	s26 =	smul.u32 $0x19000, s3;
	s3 =	sshll.u32 s3, $0xC;
	v5 =	vsel vm1, $0x17EC, v5;
	v6 =	vsel vm1, $0x17ED, v6;
	v7 =	vsel vm1, $0x17EE, v7  }
0x2f: {  	s5 =	sadd.s32 $0x24D000, s0;
	s4 =	ssub.s32 s4, s25;
	[dreg:$0x5] =	wrdreg s3;
	v8 =	vsel vm1, $0x17EF, v8;
	v1 =	vsel vm0, $0x1870, v1;
	v2 =	vsel vm0, $0x1871, v2  }
0x30: {  	s25 =	simm.s32 $0x16000;
	[dreg:$0x4] =	wrdreg s26;
	s31 =	smax.u32 s4, $0x1;
	v3 =	vsel vm0, $0x1872, v3;
	v4 =	vsel vm0, $0x1873, v4;
	v5 =	vsel vm0, $0x1874, v5  }
0x31: {  	s3 =	simm.s32 $0x0;
	s26 =	simm.s32 $0x18A80;
	[dreg:$0x6] =	wrdreg s31;
	v6 =	vsel vm0, $0x1875, v6;
	v7 =	vsel vm0, $0x1876, v7;
	v8 =	vsel vm0, $0x1877, v8  }
.LBB2_1:
0x32: {  	[dreg:$0x7] =	wrdreg s3;
	s7 =	simm.s32 $0x0  }
.LBB2_2:
0x33: {  	s0 =	smul.u32 $0x28, s7  }
0x34: {  	s3 =	rddreg [dreg:$0x4]  }
0x35: {  	s16 =	rddreg [dreg:$0x3];
	s0 =	sadd.s32 s3, s0  }
0x36: {  	s4 =	simm.s32 $0x28;
	s6 =	simm.s32 $0xC8;
	s0 =	sshrl.u32 s0, $0x3  }
0x37: {  	s17 =	simm.s32 $0x5;
	s3 =	simm.s32 $0x0;
	s0 =	sadd.s32 s16, s0  }
0x38: {  	[tilespmem:s3], [sflag:$0x5] =	stream.strided.gather [hbm4b:s0+s4], $0x5000, s6, s4, $0x38;
	[tilespmem:$0x1B500] =	vst v63  }
0x39: {  	s18 =	smul.u32 $0xA00000, s7;
	_ =	swait.ge [sflag:s17], $0x5000  }
0x3a: {  	s31 =	simm.s32 $0x0;
	[sflag:s17] =	ssyncset.done $0x0;
	s20 =	rddreg [dreg:$0x5]  }
0x3b: {  	[dreg:$0x8] =	wrdreg s7;
	[sflag:s17] =	ssyncadd.s32 $0xFFFFB000;
	s15 =	sor.u32 s20, s18  }
.LBB2_3:
0x3c: {  	s16 =	sshll.u32 s31, $0x3;
	s0 =	sand.u32 $0x1C0, s3  }
0x3d: {  	s4 =	sadd.s32 $0x0, s16;
	v9 =	vmov s0  }
0x3e: {  	v10 =	vmov s4;
	v9 =	vmul.u32 $0x28, v9  }
0x3f: {  	v11 =	vand.u32 $0x38, v10  }
0x40: {  	v9 =	vor.u32 v11, v9  }
0x41: {  	v9 =	vbroadcast v9, $0x0  }
0x42: {  	v10 =	vand.u32 $0x3, v10  }
0x43: {  	s17 =	simm.s32 $0x10;
	v9 =	vor.u32 v10, v9  }
0x44: {  	s0 =	sand.u32 $0x1D0, s17;
	v9 =	vadd.s32 v0, v9  }
0x45: {  	v12 =	vmov s0  }
0x46: {  	v12 =	vmul.u32 $0x28, v12;
	_ =	sdelay $0x1  }
0x47: {  	v12 =	vbroadcast v12, $0x0;
	v10 =	vor.u32 v10, v11  }
0x48: {  	s18 =	simm.s32 $0x20;
	v11 =	vld.idx.msk [tilespmem:v9+s2+$0x0], $0xffff;
	v9 =	vadd.s32 v0, v10  }
0x49: {  	s0 =	sand.u32 $0x1E0, s18;
	v10 =	vadd.s32 v12, v9  }
0x4a: {  	v62 =	vmov s0  }
0x4b: {  	v12 =	vmul.u32 $0x28, v62  }
0x4c: {  	s17 =	simm.s32 $0x5020  }
0x4d: {  	[tilespmem:s17+$0xFFFFFFE0] =	vst v11;
	v11 =	vbroadcast v12, $0x0  }
0x4e: {  	v10 =	vld.idx.msk [tilespmem:v10+s2+$0x0], $0xffff  }
0x4f: {  	s20 =	simm.s32 $0x30;
	v11 =	vadd.s32 v11, v9  }
0x50: {  	s0 =	sand.u32 $0x1F0, s20  }
0x51: {  	v63 =	vmov s0  }
0x52: {  	v12 =	vmul.u32 $0x28, v63  }
0x53: {  	[tilespmem:s17+$0xFFFFFFF0] =	vst v10  }
0x54: {  	s4 =	simm.s32 $0x40;
	v10 =	vld.idx.msk [tilespmem:v11+s2+$0x0], $0xffff;
	v11 =	vbroadcast v12, $0x0  }
0x55: {  	s6 =	simm.s32 $0x2;
	s7 =	sand.u32 $0x1C0, s4;
	s0 =	simm.s32 $0x0  }
.LBB2_4:
0x56: {  	p0 =	sne.s32 s6, $0x1F;
	s0 =	sadd.s32 s16, s0;
	v12 =	vmov s7;
	v9 =	vadd.s32 v11, v9  }
0x57: {  	v11 =	vmov s0;
	v12 =	vmul.u32 $0x28, v12  }
0x58: {  	v13 =	vand.u32 $0x38, v11  }
0x59: {  	v12 =	vor.u32 v13, v12  }
0x5a: {  	v12 =	vbroadcast v12, $0x0;
	[tilespmem:s17+$0x0] =	vst v10  }
0x5b: {  	v10 =	vand.u32 $0x3, v11;
	v9 =	vld.idx.msk [tilespmem:v9+s2+$0x0], $0xffff  }
0x5c: {  	v11 =	vor.u32 v10, v12  }
0x5d: {  	s0 =	sadd.s32 $0x10, s4;
	v11 =	vadd.s32 v0, v11  }
0x5e: {  	s0 =	sand.u32 $0x1D0, s0  }
0x5f: {  	v12 =	vmov s0  }
0x60: {  	v12 =	vmul.u32 $0x28, v12  }
0x61: {  	[tilespmem:s17+$0x10] =	vst v9  }
0x62: {  	v12 =	vbroadcast v12, $0x0;
	v9 =	vor.u32 v10, v13;
	v11 =	vld.idx.msk [tilespmem:v11+s2+$0x0], $0xffff  }
0x63: {  	v9 =	vadd.s32 v0, v9  }
0x64: {  	s0 =	sadd.s32 $0x20, s4;
	v10 =	vadd.s32 v12, v9  }
0x65: {  	s0 =	sand.u32 $0x1E0, s0  }
0x66: {  	v12 =	vmov s0  }
0x67: {  	s17 =	sadd.s32 $0x40, s17;
	v12 =	vmul.u32 $0x28, v12  }
0x68: {  	[tilespmem:s17+$0xFFFFFFE0] =	vst v11  }
0x69: {  	v11 =	vbroadcast v12, $0x0;
	v10 =	vld.idx.msk [tilespmem:v10+s2+$0x0], $0xffff;
	_ =	sdelay $0x1  }
0x6a: {  	s0 =	sadd.s32 $0x30, s4;
	v11 =	vadd.s32 v11, v9  }
0x6b: {  	s0 =	sand.u32 $0x1F0, s0  }
.Ltmp0:
0x6c: {  	v12 =	vmov s0;
	(pc) =	sbr.rel @p0 .LBB2_4-.Ltmp0, $4  }
0x6d: {  	v12 =	vmul.u32 $0x28, v12  }
0x6e: {  	[tilespmem:s17+$0xFFFFFFF0] =	vst v10  }
0x6f: {  	s4 =	sadd.s32 $0x40, s4;
	v10 =	vld.idx.msk [tilespmem:v11+s2+$0x0], $0xffff;
	v11 =	vbroadcast v12, $0x0  }
0x70: {  	s7 =	sand.u32 $0x1C0, s4;
	s0 =	sshrl.u32 s6, $0x3;
	s6 =	sadd.s32 $0x1, s6  }
0x71: {  	s0 =	sadd.s32 s16, s0;
	v12 =	vmov s7  }
0x72: {  	v9 =	vadd.s32 v11, v9;
	v11 =	vmov s0;
	v12 =	vmul.u32 $0x28, v12  }
0x73: {  	v13 =	vand.u32 $0x38, v11  }
0x74: {  	v12 =	vor.u32 v13, v12  }
0x75: {  	v12 =	vbroadcast v12, $0x0  }
0x76: {  	[tilespmem:s17+$0x0] =	vst v10;
	v10 =	vand.u32 $0x3, v11  }
0x77: {  	s6 =	sadd.s32 $0x10, s4;
	v9 =	vld.idx.msk [tilespmem:v9+s2+$0x0], $0xffff;
	v11 =	vor.u32 v10, v12  }
0x78: {  	s0 =	sand.u32 $0x1D0, s6;
	v11 =	vadd.s32 v0, v11  }
0x79: {  	v56 =	vmov s0  }
0x7a: {  	v12 =	vmul.u32 $0x28, v56;
	_ =	sdelay $0x1  }
0x7b: {  	v10 =	vor.u32 v10, v13;
	[tilespmem:s17+$0x10] =	vst v9;
	v9 =	vbroadcast v12, $0x0  }
0x7c: {  	s7 =	sadd.s32 $0x20, s4;
	v10 =	vadd.s32 v0, v10;
	v11 =	vld.idx.msk [tilespmem:v11+s2+$0x0], $0xffff  }
0x7d: {  	s0 =	sand.u32 $0x1E0, s7;
	v9 =	vadd.s32 v9, v10  }
0x7e: {  	v57 =	vmov s0  }
0x7f: {  	v12 =	vmul.u32 $0x28, v57  }
0x80: {  	s18 =	sadd.s32 $0x40, s17  }
0x81: {  	[tilespmem:s18+$0xFFFFFFE0] =	vst v11;
	v11 =	vbroadcast v12, $0x0  }
0x82: {  	s20 =	sadd.s32 $0x30, s4;
	v9 =	vld.idx.msk [tilespmem:v9+s2+$0x0], $0xffff  }
0x83: {  	s4 =	sand.u32 $0x1F0, s20;
	v11 =	vadd.s32 v11, v10  }
0x84: {  	v58 =	vmov s4  }
0x85: {  	v12 =	vmul.u32 $0x28, v58;
	_ =	sdelay $0x1  }
0x86: {  	s6 =	simm.s32 $0x0;
	[tilespmem:s18+$0xFFFFFFF0] =	vst v9;
	v9 =	vbroadcast v12, $0x0  }
0x87: {  	s16 =	sor.u32 $0x4, s16;
	s4 =	sand.u32 $0x1C0, s6;
	v11 =	vld.idx.msk [tilespmem:v11+s2+$0x0], $0xffff  }
0x88: {  	s6 =	sadd.s32 $0x0, s16;
	v9 =	vadd.s32 v9, v10;
	v10 =	vmov s4  }
0x89: {  	v59 =	vmov s6;
	v10 =	vmul.u32 $0x28, v10  }
0x8a: {  	v60 =	vand.u32 $0x38, v59  }
0x8b: {  	v10 =	vor.u32 v60, v10  }
0x8c: {  	[tilespmem:s18+$0x0] =	vst v11;
	v10 =	vbroadcast v10, $0x0  }
0x8d: {  	v11 =	vand.u32 $0x7, v59;
	v9 =	vld.idx.msk [tilespmem:v9+s2+$0x0], $0xffff  }
0x8e: {  	s7 =	simm.s32 $0x10;
	v10 =	vor.u32 v11, v10  }
0x8f: {  	s4 =	sand.u32 $0x1D0, s7;
	v10 =	vadd.s32 v0, v10  }
0x90: {  	v61 =	vmov s4  }
0x91: {  	v12 =	vmul.u32 $0x28, v61  }
0x92: {  	s17 =	simm.s32 $0x5000;
	[tilespmem:s18+$0x10] =	vst v9  }
0x93: {  	v12 =	vbroadcast v12, $0x0;
	v9 =	vor.u32 v11, v60;
	[tilespmem:s21], [sflag:$0x1] =	stream.indirect.gather [hbm4b:s1+s19], $0x10, s17, s19, $0xb8;
	[tilespmem:$0x1B500] =	vst v63  }
0x94: {  	s18 =	simm.s32 $0x20;
	v9 =	vadd.s32 v0, v9;
	v10 =	vld.idx.msk [tilespmem:v10+s2+$0x0], $0xffff  }
0x95: {  	s0 =	sand.u32 $0x1E0, s18;
	v11 =	vadd.s32 v12, v9  }
0x96: {  	v62 =	vmov s0  }
0x97: {  	v12 =	vmul.u32 $0x28, v62  }
0x98: {  	s17 =	simm.s32 $0x5820  }
0x99: {  	[tilespmem:s17+$0xFFFFFFE0] =	vst v10;
	v10 =	vbroadcast v12, $0x0  }
0x9a: {  	s20 =	simm.s32 $0x30;
	v11 =	vld.idx.msk [tilespmem:v11+s2+$0x0], $0xffff  }
0x9b: {  	s0 =	sand.u32 $0x1F0, s20;
	v10 =	vadd.s32 v10, v9  }
0x9c: {  	v63 =	vmov s0  }
0x9d: {  	v12 =	vmul.u32 $0x28, v63;
	_ =	sdelay $0x1  }
0x9e: {  	s4 =	simm.s32 $0x40;
	[tilespmem:s17+$0xFFFFFFF0] =	vst v11;
	v11 =	vbroadcast v12, $0x0  }
0x9f: {  	s6 =	simm.s32 $0x2;
	s7 =	sand.u32 $0x1C0, s4;
	s0 =	simm.s32 $0x0;
	v10 =	vld.idx.msk [tilespmem:v10+s2+$0x0], $0xffff  }
.LBB2_6:
0xa0: {  	p0 =	sne.s32 s6, $0x1F;
	s0 =	sadd.s32 s16, s0;
	v12 =	vmov s7;
	v9 =	vadd.s32 v11, v9  }
0xa1: {  	v11 =	vmov s0;
	v12 =	vmul.u32 $0x28, v12  }
0xa2: {  	v13 =	vand.u32 $0x38, v11  }
0xa3: {  	v12 =	vor.u32 v13, v12  }
0xa4: {  	v12 =	vbroadcast v12, $0x0;
	[tilespmem:s17+$0x0] =	vst v10  }
0xa5: {  	v10 =	vand.u32 $0x7, v11;
	v9 =	vld.idx.msk [tilespmem:v9+s2+$0x0], $0xffff  }
0xa6: {  	v11 =	vor.u32 v10, v12  }
0xa7: {  	s0 =	sadd.s32 $0x10, s4;
	v11 =	vadd.s32 v0, v11  }
0xa8: {  	s0 =	sand.u32 $0x1D0, s0  }
0xa9: {  	v12 =	vmov s0  }
0xaa: {  	v12 =	vmul.u32 $0x28, v12  }
0xab: {  	[tilespmem:s17+$0x10] =	vst v9  }
0xac: {  	v12 =	vbroadcast v12, $0x0;
	v9 =	vor.u32 v10, v13;
	v11 =	vld.idx.msk [tilespmem:v11+s2+$0x0], $0xffff  }
0xad: {  	v9 =	vadd.s32 v0, v9  }
0xae: {  	s0 =	sadd.s32 $0x20, s4;
	v10 =	vadd.s32 v12, v9  }
0xaf: {  	s0 =	sand.u32 $0x1E0, s0  }
0xb0: {  	v12 =	vmov s0  }
0xb1: {  	s17 =	sadd.s32 $0x40, s17;
	v12 =	vmul.u32 $0x28, v12  }
0xb2: {  	[tilespmem:s17+$0xFFFFFFE0] =	vst v11  }
0xb3: {  	v11 =	vbroadcast v12, $0x0;
	v10 =	vld.idx.msk [tilespmem:v10+s2+$0x0], $0xffff;
	_ =	sdelay $0x1  }
0xb4: {  	s0 =	sadd.s32 $0x30, s4;
	v11 =	vadd.s32 v11, v9  }
0xb5: {  	s0 =	sand.u32 $0x1F0, s0  }
.Ltmp1:
0xb6: {  	v12 =	vmov s0;
	(pc) =	sbr.rel @p0 .LBB2_6-.Ltmp1, $4  }
0xb7: {  	v12 =	vmul.u32 $0x28, v12  }
0xb8: {  	[tilespmem:s17+$0xFFFFFFF0] =	vst v10  }
0xb9: {  	s4 =	sadd.s32 $0x40, s4;
	v10 =	vld.idx.msk [tilespmem:v11+s2+$0x0], $0xffff;
	v11 =	vbroadcast v12, $0x0  }
0xba: {  	s7 =	sand.u32 $0x1C0, s4;
	s0 =	sshrl.u32 s6, $0x3;
	s6 =	sadd.s32 $0x1, s6  }
0xbb: {  	s0 =	sadd.s32 s16, s0;
	v12 =	vmov s7  }
0xbc: {  	v9 =	vadd.s32 v11, v9;
	v11 =	vmov s0;
	v12 =	vmul.u32 $0x28, v12  }
0xbd: {  	v13 =	vand.u32 $0x38, v11  }
0xbe: {  	v12 =	vor.u32 v13, v12  }
0xbf: {  	v12 =	vbroadcast v12, $0x0  }
0xc0: {  	[tilespmem:s17+$0x0] =	vst v10;
	v10 =	vand.u32 $0x7, v11  }
0xc1: {  	s7 =	sadd.s32 $0x10, s4;
	v9 =	vld.idx.msk [tilespmem:v9+s2+$0x0], $0xffff;
	v11 =	vor.u32 v10, v12  }
0xc2: {  	s0 =	sand.u32 $0x1D0, s7;
	v11 =	vadd.s32 v0, v11  }
0xc3: {  	v61 =	vmov s0  }
0xc4: {  	v12 =	vmul.u32 $0x28, v61;
	_ =	sdelay $0x1  }
0xc5: {  	v10 =	vor.u32 v10, v13;
	[tilespmem:s17+$0x10] =	vst v9;
	v9 =	vbroadcast v12, $0x0  }
0xc6: {  	s16 =	sadd.s32 $0x20, s4;
	v10 =	vadd.s32 v0, v10;
	v11 =	vld.idx.msk [tilespmem:v11+s2+$0x0], $0xffff  }
0xc7: {  	s0 =	sand.u32 $0x1E0, s16;
	v9 =	vadd.s32 v9, v10  }
0xc8: {  	v62 =	vmov s0  }
0xc9: {  	v12 =	vmul.u32 $0x28, v62  }
0xca: {  	s17 =	sadd.s32 $0x40, s17  }
0xcb: {  	[tilespmem:s17+$0xFFFFFFE0] =	vst v11;
	v11 =	vbroadcast v12, $0x0  }
0xcc: {  	s18 =	sadd.s32 $0x30, s4;
	v9 =	vld.idx.msk [tilespmem:v9+s2+$0x0], $0xffff  }
0xcd: {  	s4 =	sand.u32 $0x1F0, s18;
	v11 =	vadd.s32 v11, v10  }
0xce: {  	v63 =	vmov s4  }
0xcf: {  	v12 =	vmul.u32 $0x28, v63;
	_ =	sdelay $0x1  }
0xd0: {  	[tilespmem:s17+$0xFFFFFFF0] =	vst v9;
	v9 =	vbroadcast v12, $0x0  }
0xd1: {  	v11 =	vld.idx.msk [tilespmem:v11+s2+$0x0], $0xffff  }
0xd2: {  	v9 =	vadd.s32 v9, v10;
	_ =	sdelay $0x3  }
0xd3: {  	[tilespmem:s17+$0x0] =	vst v11  }
0xd4: {  	v9 =	vld.idx.msk [tilespmem:v9+s2+$0x0], $0xffff;
	_ =	sdelay $0x1  }
0xd5: {  	s20 =	simm.s32 $0x0  }
0xd6: {  	s6 =	simm.s32 $0x0;
	s4 =	sand.u32 $0x78, s20  }
0xd7: {  	v10 =	vmov s6;
	v11 =	vmov s4  }
0xd8: {  	v10 =	vmul.u32 $0x440, v10;
	[tilespmem:s17+$0x10] =	vst v9;
	v9 =	vshrl.u32 v11, $0x3  }
0xd9: {  	[tilespmem:s23], [sflag:$0x2] =	stream.indirect.gather [hbm4b:s1+s19], $0x10, s22, s19, $0xb8;
	v9 =	vshll.u32 v9, $0x3;
	[tilespmem:$0x1B500] =	vst v63  }
0xda: {  	_ =	swait.ge [sflag:s24], $0x8000;
	v9 =	vadd.s32 v10, v9  }
0xdb: {  	[sflag:s24] =	ssyncset.done $0x0;
	v9 =	vbroadcast v9, $0x0  }
0xdc: {  	s16 =	simm.s32 $0x6040;
	[sflag:s24] =	ssyncadd.s32 $0xFFFF8000  }
0xdd: {  	v10 =	vld [tilespmem:s16+$0xFFFFFFC0];
	v11 =	vadd.s32 v1, v9;
	_ =	sdelay $0x4  }
0xde: {  	[tilespmem:v11+s25+$0x0] =	vst.idx.msk $0xffff, v10  }
0xdf: {  	v11 =	vadd.s32 v2, v9;
	v10 =	vld [tilespmem:s16+$0xFFFFFFD0];
	_ =	sdelay $0x4  }
0xe0: {  	[tilespmem:v11+s25+$0x0] =	vst.idx.msk $0xffff, v10  }
0xe1: {  	v11 =	vadd.s32 v3, v9;
	v10 =	vld [tilespmem:s16+$0xFFFFFFE0];
	_ =	sdelay $0x4  }
0xe2: {  	[tilespmem:v11+s25+$0x0] =	vst.idx.msk $0xffff, v10  }
0xe3: {  	v11 =	vadd.s32 v4, v9;
	v10 =	vld [tilespmem:s16+$0xFFFFFFF0];
	_ =	sdelay $0x4  }
0xe4: {  	[tilespmem:v11+s25+$0x0] =	vst.idx.msk $0xffff, v10  }
0xe5: {  	v11 =	vadd.s32 v5, v9;
	v10 =	vld [tilespmem:s16+$0x0];
	_ =	sdelay $0x4  }
0xe6: {  	[tilespmem:v11+s25+$0x0] =	vst.idx.msk $0xffff, v10  }
0xe7: {  	v11 =	vadd.s32 v6, v9;
	v10 =	vld [tilespmem:s16+$0x10];
	_ =	sdelay $0x4  }
0xe8: {  	[tilespmem:v11+s25+$0x0] =	vst.idx.msk $0xffff, v10  }
0xe9: {  	v11 =	vadd.s32 v7, v9;
	v10 =	vld [tilespmem:s16+$0x20];
	_ =	sdelay $0x3  }
0xea: {  	s4 =	simm.s32 $0x8  }
0xeb: {  	s7 =	simm.s32 $0x0;
	s6 =	simm.s32 $0x2;
	s17 =	sand.u32 $0x78, s4;
	[tilespmem:v11+s25+$0x0] =	vst.idx.msk $0xffff, v10  }
.LBB2_8:
0xec: {  	p0 =	sne.s32 s6, $0x3F;
	v10 =	vmov s7;
	v11 =	vmov s17;
	v12 =	vld [tilespmem:s16+$0x30];
	v13 =	vadd.s32 v8, v9  }
0xed: {  	v9 =	vshrl.u32 v11, $0x3;
	v10 =	vmul.u32 $0x440, v10  }
0xee: {  	v9 =	vshll.u32 v9, $0x3  }
0xef: {  	v9 =	vadd.s32 v10, v9  }
0xf0: {  	v9 =	vbroadcast v9, $0x0  }
0xf1: {  	s16 =	sadd.s32 $0x80, s16;
	[tilespmem:v13+s25+$0x0] =	vst.idx.msk $0xffff, v12  }
0xf2: {  	v10 =	vld [tilespmem:s16+$0xFFFFFFC0];
	v11 =	vadd.s32 v1, v9;
	_ =	sdelay $0x4  }
0xf3: {  	[tilespmem:v11+s25+$0x0] =	vst.idx.msk $0xffff, v10  }
0xf4: {  	v11 =	vadd.s32 v2, v9;
	v10 =	vld [tilespmem:s16+$0xFFFFFFD0];
	_ =	sdelay $0x4  }
0xf5: {  	[tilespmem:v11+s25+$0x0] =	vst.idx.msk $0xffff, v10  }
0xf6: {  	v11 =	vadd.s32 v3, v9;
	v10 =	vld [tilespmem:s16+$0xFFFFFFE0];
	_ =	sdelay $0x4  }
0xf7: {  	[tilespmem:v11+s25+$0x0] =	vst.idx.msk $0xffff, v10  }
0xf8: {  	v11 =	vadd.s32 v4, v9;
	v10 =	vld [tilespmem:s16+$0xFFFFFFF0];
	_ =	sdelay $0x4  }
0xf9: {  	[tilespmem:v11+s25+$0x0] =	vst.idx.msk $0xffff, v10  }
0xfa: {  	v11 =	vadd.s32 v5, v9;
	v10 =	vld [tilespmem:s16+$0x0];
	_ =	sdelay $0x4  }
0xfb: {  	[tilespmem:v11+s25+$0x0] =	vst.idx.msk $0xffff, v10  }
0xfc: {  	v11 =	vadd.s32 v6, v9;
	v10 =	vld [tilespmem:s16+$0x10];
	_ =	sdelay $0x4  }
0xfd: {  	[tilespmem:v11+s25+$0x0] =	vst.idx.msk $0xffff, v10  }
0xfe: {  	v11 =	vadd.s32 v7, v9;
	v10 =	vld [tilespmem:s16+$0x20]  }
.Ltmp2:
0xff: {  	(pc) =	sbr.rel @p0 .LBB2_8-.Ltmp2, $3  }
0x100: {  	_ =	sdelay $0x1  }
0x101: {  	s4 =	sadd.s32 $0x8, s4  }
0x102: {  	s7 =	sshrl.u32 s6, $0x4;
	s6 =	sadd.s32 $0x1, s6;
	s17 =	sand.u32 $0x78, s4;
	[tilespmem:v11+s25+$0x0] =	vst.idx.msk $0xffff, v10  }
0x103: {  	v10 =	vmov s7;
	v11 =	vmov s17;
	v12 =	vld [tilespmem:s16+$0x30];
	v9 =	vadd.s32 v8, v9  }
0x104: {  	v11 =	vshrl.u32 v11, $0x3;
	v10 =	vmul.u32 $0x440, v10  }
0x105: {  	v11 =	vshll.u32 v11, $0x3  }
0x106: {  	v10 =	vadd.s32 v10, v11  }
0x107: {  	v10 =	vbroadcast v10, $0x0  }
0x108: {  	s0 =	sadd.s32 $0x80, s16;
	[tilespmem:v9+s25+$0x0] =	vst.idx.msk $0xffff, v12  }
0x109: {  	v9 =	vld [tilespmem:s0+$0xFFFFFFC0];
	v11 =	vadd.s32 v1, v10;
	_ =	sdelay $0x4  }
0x10a: {  	[tilespmem:v11+s25+$0x0] =	vst.idx.msk $0xffff, v9  }
0x10b: {  	v11 =	vadd.s32 v2, v10;
	v9 =	vld [tilespmem:s0+$0xFFFFFFD0];
	_ =	sdelay $0x4  }
0x10c: {  	[tilespmem:v11+s25+$0x0] =	vst.idx.msk $0xffff, v9  }
0x10d: {  	v11 =	vadd.s32 v3, v10;
	v9 =	vld [tilespmem:s0+$0xFFFFFFE0];
	_ =	sdelay $0x4  }
0x10e: {  	[tilespmem:v11+s25+$0x0] =	vst.idx.msk $0xffff, v9  }
0x10f: {  	v11 =	vadd.s32 v4, v10;
	v9 =	vld [tilespmem:s0+$0xFFFFFFF0];
	_ =	sdelay $0x4  }
0x110: {  	[tilespmem:v11+s25+$0x0] =	vst.idx.msk $0xffff, v9  }
0x111: {  	v11 =	vadd.s32 v5, v10;
	v9 =	vld [tilespmem:s0+$0x0];
	_ =	sdelay $0x4  }
0x112: {  	[tilespmem:v11+s25+$0x0] =	vst.idx.msk $0xffff, v9  }
0x113: {  	v11 =	vadd.s32 v6, v10;
	v9 =	vld [tilespmem:s0+$0x10];
	_ =	sdelay $0x4  }
0x114: {  	[tilespmem:v11+s25+$0x0] =	vst.idx.msk $0xffff, v9  }
0x115: {  	v11 =	vadd.s32 v7, v10;
	v9 =	vld [tilespmem:s0+$0x20];
	_ =	sdelay $0x4  }
0x116: {  	[tilespmem:v11+s25+$0x0] =	vst.idx.msk $0xffff, v9  }
0x117: {  	v10 =	vadd.s32 v8, v10;
	v9 =	vld [tilespmem:s0+$0x30]  }
0x118: {  	s20 =	sshll.u32 s31, $0x15  }
0x119: {  	s0 =	sadd.s32 s15, s20  }
0x11a: {  	s16 =	sshrl.u32 s0, $0x3  }
0x11b: {  	s6 =	simm.s32 $0x16000;
	s4 =	sadd.s32 s5, s16  }
0x11c: {  	s7 =	simm.s32 $0x10;
	s17 =	simm.s32 $0x16088;
	s0 =	sadd.s32 $0x0, s4;
	[tilespmem:v10+s25+$0x0] =	vst.idx.msk $0xffff, v9  }
.LBB2_10:
0x11d: {  	[hbm4b:s0+s2] =	stream.linear.scatter [tilespmem:s6], [sflag:$0x3], $0x80, $0x38;
	[tilespmem:$0x1B500] =	vst v63  }
0x11e: {  	s0 =	smov.u32 s7;
	s6 =	smov.u32 s17;
	p0 =	sne.s32 s7, $0x1F0  }
.Ltmp3:
0x11f: {  	s7 =	sadd.s32 $0x10, s7;
	(pc) =	sbr.rel @p0 .LBB2_10-.Ltmp3, $2  }
0x120: {  	_ =	sdelay $0x2  }
0x121: {  	s17 =	sadd.s32 $0x88, s17;
	s0 =	sadd.s32 s0, s4  }
0x122: {  	[hbm4b:s0+s2] =	stream.linear.scatter [tilespmem:s6], [sflag:$0x3], $0x80, $0x38;
	[tilespmem:$0x1B500] =	vst v63  }
0x123: {  	s4 =	sadd.s32 $0x4000, s4  }
0x124: {  	s0 =	simm.s32 $0x0;
	s6 =	simm.s32 $0x17540;
	s7 =	simm.s32 $0x0  }
.LBB2_12:
0x125: {  	p0 =	sne.s32 s7, $0x1F0  }
.Ltmp4:
0x126: {  	_ = 	snop;
	(pc) =	sbr.rel @p0 .LBB2_12-.Ltmp4, $4  }
0x127: {  	_ = 	snop  }
0x128: {  	s17 =	sadd.s32 s7, s4  }
0x129: {  	[hbm4b:s17+s0] =	stream.linear.scatter [tilespmem:s6], [sflag:$0x3], $0x80, $0x38;
	[tilespmem:$0x1B500] =	vst v63  }
0x12a: {  	s7 =	sadd.s32 $0x10, s7;
	s6 =	sadd.s32 $0x88, s6  }
0x12b: {  	s4 =	simm.s32 $0x0;
	s0 =	sand.u32 $0x78, s0  }
0x12c: {  	v9 =	vmov s4;
	v10 =	vmov s0  }
0x12d: {  	v10 =	vshrl.u32 v10, $0x3;
	v9 =	vmul.u32 $0x440, v9  }
0x12e: {  	v10 =	vshll.u32 v10, $0x3  }
0x12f: {  	v9 =	vadd.s32 v9, v10  }
0x130: {  	v9 =	vbroadcast v9, $0x0  }
0x131: {  	s17 =	simm.s32 $0x8070  }
0x132: {  	v10 =	vld [tilespmem:s17+$0xFFFFFF90];
	v11 =	vadd.s32 v1, v9;
	_ =	sdelay $0x4  }
0x133: {  	[tilespmem:v11+s26+$0x0] =	vst.idx.msk $0xffff, v10  }
0x134: {  	v11 =	vadd.s32 v2, v9;
	v10 =	vld [tilespmem:s17+$0xFFFFFFA0];
	_ =	sdelay $0x4  }
0x135: {  	[tilespmem:v11+s26+$0x0] =	vst.idx.msk $0xffff, v10  }
0x136: {  	v11 =	vadd.s32 v3, v9;
	v10 =	vld [tilespmem:s17+$0xFFFFFFB0];
	_ =	sdelay $0x4  }
0x137: {  	[tilespmem:v11+s26+$0x0] =	vst.idx.msk $0xffff, v10  }
0x138: {  	v11 =	vadd.s32 v4, v9;
	v10 =	vld [tilespmem:s17+$0xFFFFFFC0];
	_ =	sdelay $0x4  }
0x139: {  	[tilespmem:v11+s26+$0x0] =	vst.idx.msk $0xffff, v10  }
0x13a: {  	v11 =	vadd.s32 v5, v9;
	v10 =	vld [tilespmem:s17+$0xFFFFFFD0];
	_ =	sdelay $0x4  }
0x13b: {  	[tilespmem:v11+s26+$0x0] =	vst.idx.msk $0xffff, v10  }
0x13c: {  	v11 =	vadd.s32 v6, v9;
	v10 =	vld [tilespmem:s17+$0xFFFFFFE0];
	_ =	sdelay $0x4  }
0x13d: {  	[tilespmem:v11+s26+$0x0] =	vst.idx.msk $0xffff, v10  }
0x13e: {  	v11 =	vadd.s32 v7, v9;
	v10 =	vld [tilespmem:s17+$0xFFFFFFF0];
	_ =	sdelay $0x3  }
0x13f: {  	s4 =	simm.s32 $0x8  }
0x140: {  	s7 =	simm.s32 $0x0;
	s6 =	simm.s32 $0x2;
	s18 =	sand.u32 $0x78, s4;
	[tilespmem:v11+s26+$0x0] =	vst.idx.msk $0xffff, v10  }
.LBB2_14:
0x141: {  	p0 =	sne.s32 s6, $0x3F;
	v10 =	vmov s7;
	v11 =	vmov s18;
	v12 =	vld [tilespmem:s17+$0x0];
	v13 =	vadd.s32 v8, v9  }
0x142: {  	v9 =	vshrl.u32 v11, $0x3;
	v10 =	vmul.u32 $0x440, v10  }
0x143: {  	v9 =	vshll.u32 v9, $0x3  }
0x144: {  	v9 =	vadd.s32 v10, v9  }
0x145: {  	v9 =	vbroadcast v9, $0x0  }
0x146: {  	s17 =	sadd.s32 $0x80, s17;
	[tilespmem:v13+s26+$0x0] =	vst.idx.msk $0xffff, v12  }
0x147: {  	v10 =	vld [tilespmem:s17+$0xFFFFFF90];
	v11 =	vadd.s32 v1, v9;
	_ =	sdelay $0x4  }
0x148: {  	[tilespmem:v11+s26+$0x0] =	vst.idx.msk $0xffff, v10  }
0x149: {  	v11 =	vadd.s32 v2, v9;
	v10 =	vld [tilespmem:s17+$0xFFFFFFA0];
	_ =	sdelay $0x4  }
0x14a: {  	[tilespmem:v11+s26+$0x0] =	vst.idx.msk $0xffff, v10  }
0x14b: {  	v11 =	vadd.s32 v3, v9;
	v10 =	vld [tilespmem:s17+$0xFFFFFFB0];
	_ =	sdelay $0x4  }
0x14c: {  	[tilespmem:v11+s26+$0x0] =	vst.idx.msk $0xffff, v10  }
0x14d: {  	v11 =	vadd.s32 v4, v9;
	v10 =	vld [tilespmem:s17+$0xFFFFFFC0];
	_ =	sdelay $0x4  }
0x14e: {  	[tilespmem:v11+s26+$0x0] =	vst.idx.msk $0xffff, v10  }
0x14f: {  	v11 =	vadd.s32 v5, v9;
	v10 =	vld [tilespmem:s17+$0xFFFFFFD0];
	_ =	sdelay $0x4  }
0x150: {  	[tilespmem:v11+s26+$0x0] =	vst.idx.msk $0xffff, v10  }
0x151: {  	v11 =	vadd.s32 v6, v9;
	v10 =	vld [tilespmem:s17+$0xFFFFFFE0];
	_ =	sdelay $0x4  }
0x152: {  	[tilespmem:v11+s26+$0x0] =	vst.idx.msk $0xffff, v10  }
0x153: {  	v11 =	vadd.s32 v7, v9;
	v10 =	vld [tilespmem:s17+$0xFFFFFFF0]  }
.Ltmp5:
0x154: {  	(pc) =	sbr.rel @p0 .LBB2_14-.Ltmp5, $3  }
0x155: {  	_ =	sdelay $0x1  }
0x156: {  	s4 =	sadd.s32 $0x8, s4  }
0x157: {  	s7 =	sshrl.u32 s6, $0x4;
	s6 =	sadd.s32 $0x1, s6;
	s18 =	sand.u32 $0x78, s4;
	[tilespmem:v11+s26+$0x0] =	vst.idx.msk $0xffff, v10  }
0x158: {  	v10 =	vmov s7;
	v11 =	vmov s18;
	v12 =	vld [tilespmem:s17+$0x0];
	v9 =	vadd.s32 v8, v9  }
0x159: {  	v11 =	vshrl.u32 v11, $0x3;
	v10 =	vmul.u32 $0x440, v10  }
0x15a: {  	v11 =	vshll.u32 v11, $0x3  }
0x15b: {  	v10 =	vadd.s32 v10, v11  }
0x15c: {  	v10 =	vbroadcast v10, $0x0  }
0x15d: {  	s0 =	sadd.s32 $0x80, s17;
	[tilespmem:v9+s26+$0x0] =	vst.idx.msk $0xffff, v12  }
0x15e: {  	v9 =	vld [tilespmem:s0+$0xFFFFFF90];
	v11 =	vadd.s32 v1, v10;
	_ =	sdelay $0x4  }
0x15f: {  	[tilespmem:v11+s26+$0x0] =	vst.idx.msk $0xffff, v9  }
0x160: {  	v11 =	vadd.s32 v2, v10;
	v9 =	vld [tilespmem:s0+$0xFFFFFFA0];
	_ =	sdelay $0x4  }
0x161: {  	[tilespmem:v11+s26+$0x0] =	vst.idx.msk $0xffff, v9  }
0x162: {  	v11 =	vadd.s32 v3, v10;
	v9 =	vld [tilespmem:s0+$0xFFFFFFB0];
	_ =	sdelay $0x4  }
0x163: {  	[tilespmem:v11+s26+$0x0] =	vst.idx.msk $0xffff, v9  }
0x164: {  	v11 =	vadd.s32 v4, v10;
	v9 =	vld [tilespmem:s0+$0xFFFFFFC0];
	_ =	sdelay $0x4  }
0x165: {  	[tilespmem:v11+s26+$0x0] =	vst.idx.msk $0xffff, v9  }
0x166: {  	v11 =	vadd.s32 v5, v10;
	v9 =	vld [tilespmem:s0+$0xFFFFFFD0];
	_ =	sdelay $0x4  }
0x167: {  	[tilespmem:v11+s26+$0x0] =	vst.idx.msk $0xffff, v9  }
0x168: {  	v11 =	vadd.s32 v6, v10;
	v9 =	vld [tilespmem:s0+$0xFFFFFFE0];
	_ =	sdelay $0x4  }
0x169: {  	[tilespmem:v11+s26+$0x0] =	vst.idx.msk $0xffff, v9  }
0x16a: {  	v11 =	vadd.s32 v7, v10;
	v9 =	vld [tilespmem:s0+$0xFFFFFFF0];
	_ =	sdelay $0x4  }
0x16b: {  	[tilespmem:v11+s26+$0x0] =	vst.idx.msk $0xffff, v9  }
0x16c: {  	v10 =	vadd.s32 v8, v10;
	v9 =	vld [tilespmem:s0+$0x0];
	_ =	sdelay $0x3  }
0x16d: {  	s4 =	sadd.s32 s16, s8;
	s6 =	simm.s32 $0x18A80  }
0x16e: {  	s7 =	simm.s32 $0x10;
	s17 =	simm.s32 $0x18B08;
	s0 =	sadd.s32 $0x0, s4;
	[tilespmem:v10+s26+$0x0] =	vst.idx.msk $0xffff, v9  }
.LBB2_16:
0x16f: {  	[hbm4b:s0+s2] =	stream.linear.scatter [tilespmem:s6], [sflag:$0x4], $0x80, $0x38;
	[tilespmem:$0x1B500] =	vst v63  }
0x170: {  	s0 =	smov.u32 s7;
	s6 =	smov.u32 s17;
	p0 =	sne.s32 s7, $0x1F0  }
.Ltmp6:
0x171: {  	s7 =	sadd.s32 $0x10, s7;
	(pc) =	sbr.rel @p0 .LBB2_16-.Ltmp6, $2  }
0x172: {  	_ =	sdelay $0x2  }
0x173: {  	s17 =	sadd.s32 $0x88, s17;
	s0 =	sadd.s32 s0, s4  }
0x174: {  	[hbm4b:s0+s2] =	stream.linear.scatter [tilespmem:s6], [sflag:$0x4], $0x80, $0x38;
	[tilespmem:$0x1B500] =	vst v63  }
0x175: {  	s6 =	sadd.s32 $0x4000, s4;
	s4 =	simm.s32 $0x19FC0  }
0x176: {  	s7 =	simm.s32 $0x10;
	s17 =	simm.s32 $0x1A048;
	s18 =	sadd.s32 $0x0, s6  }
.LBB2_18:
0x177: {  	[hbm4b:s18+s2] =	stream.linear.scatter [tilespmem:s4], [sflag:$0x4], $0x80, $0x38;
	[tilespmem:$0x1B500] =	vst v63  }
0x178: {  	s0 =	smov.u32 s7;
	s4 =	smov.u32 s17;
	p0 =	sne.s32 s7, $0x1F0  }
.Ltmp7:
0x179: {  	s7 =	sadd.s32 $0x10, s7;
	(pc) =	sbr.rel @p0 .LBB2_18-.Ltmp7, $2  }
0x17a: {  	_ =	sdelay $0x2  }
0x17b: {  	s17 =	sadd.s32 $0x88, s17;
	s18 =	sadd.s32 s0, s6  }
0x17c: {  	s0 =	simm.s32 $0x0  }
0x17d: {  	s6 =	simm.s32 $0x0;
	s0 =	sand.u32 $0x78, s0  }
0x17e: {  	v9 =	vmov s6;
	v10 =	vmov s0  }
0x17f: {  	v9 =	vmul.u32 $0x440, v9;
	v10 =	vshrl.u32 v10, $0x3  }
0x180: {  	[hbm4b:s18+s2] =	stream.linear.scatter [tilespmem:s4], [sflag:$0x4], $0x80, $0x38;
	v10 =	vshll.u32 v10, $0x3;
	[tilespmem:$0x1B500] =	vst v63  }
0x181: {  	_ =	swait.ge [sflag:s28], $0x2000;
	v9 =	vadd.s32 v9, v10  }
0x182: {  	[sflag:s28] =	ssyncset.done $0x0;
	v9 =	vbroadcast v9, $0x0  }
0x183: {  	s4 =	simm.s32 $0x0;
	[sflag:s28] =	ssyncadd.s32 $0xFFFFE000  }
0x184: {  	v10 =	vld [tilespmem:s4+$0xA000];
	v11 =	vadd.s32 v1, v9;
	_ =	sdelay $0x4  }
0x185: {  	[tilespmem:v11+s25+$0x0] =	vst.idx.msk $0xffff, v10  }
0x186: {  	v11 =	vadd.s32 v2, v9;
	v10 =	vld [tilespmem:s4+$0xA010];
	_ =	sdelay $0x4  }
0x187: {  	[tilespmem:v11+s25+$0x0] =	vst.idx.msk $0xffff, v10  }
0x188: {  	v11 =	vadd.s32 v3, v9;
	v10 =	vld [tilespmem:s4+$0xA020];
	_ =	sdelay $0x4  }
0x189: {  	[tilespmem:v11+s25+$0x0] =	vst.idx.msk $0xffff, v10  }
0x18a: {  	v11 =	vadd.s32 v4, v9;
	v10 =	vld [tilespmem:s4+$0xA030];
	_ =	sdelay $0x4  }
0x18b: {  	[tilespmem:v11+s25+$0x0] =	vst.idx.msk $0xffff, v10  }
0x18c: {  	v11 =	vadd.s32 v5, v9;
	v10 =	vld [tilespmem:s4+$0xA040];
	_ =	sdelay $0x4  }
0x18d: {  	[tilespmem:v11+s25+$0x0] =	vst.idx.msk $0xffff, v10  }
0x18e: {  	v11 =	vadd.s32 v6, v9;
	v10 =	vld [tilespmem:s4+$0xA050];
	_ =	sdelay $0x4  }
0x18f: {  	[tilespmem:v11+s25+$0x0] =	vst.idx.msk $0xffff, v10  }
0x190: {  	v11 =	vadd.s32 v7, v9;
	v10 =	vld [tilespmem:s4+$0xA060];
	_ =	sdelay $0x3  }
0x191: {  	s17 =	simm.s32 $0x200;
	s7 =	simm.s32 $0x8;
	s18 =	simm.s32 $0x400  }
0x192: {  	s6 =	simm.s32 $0x1;
	s20 =	sand.u32 $0x78, s7;
	s0 =	simm.s32 $0x0;
	[tilespmem:v11+s25+$0x0] =	vst.idx.msk $0xffff, v10  }
.LBB2_20:
0x193: {  	p0 =	sne.s32 s18, $0x7E00;
	v10 =	vmov s0;
	v11 =	vmov s20;
	v12 =	vld [tilespmem:s4+$0xA070];
	v13 =	vadd.s32 v8, v9  }
0x194: {  	v9 =	vshrl.u32 v11, $0x3;
	v10 =	vmul.u32 $0x440, v10  }
0x195: {  	v9 =	vshll.u32 v9, $0x3  }
0x196: {  	v9 =	vadd.s32 v10, v9  }
0x197: {  	v9 =	vbroadcast v9, $0x0  }
0x198: {  	s4 =	sshra.s32 s17, $0x2;
	s17 =	smov.u32 s18;
	[tilespmem:v13+s25+$0x0] =	vst.idx.msk $0xffff, v12  }
0x199: {  	v10 =	vld [tilespmem:s4+$0xA000];
	v11 =	vadd.s32 v1, v9;
	_ =	sdelay $0x4  }
0x19a: {  	[tilespmem:v11+s25+$0x0] =	vst.idx.msk $0xffff, v10  }
0x19b: {  	v11 =	vadd.s32 v2, v9;
	v10 =	vld [tilespmem:s4+$0xA010];
	_ =	sdelay $0x4  }
0x19c: {  	[tilespmem:v11+s25+$0x0] =	vst.idx.msk $0xffff, v10  }
0x19d: {  	v11 =	vadd.s32 v3, v9;
	v10 =	vld [tilespmem:s4+$0xA020];
	_ =	sdelay $0x4  }
0x19e: {  	[tilespmem:v11+s25+$0x0] =	vst.idx.msk $0xffff, v10  }
0x19f: {  	v11 =	vadd.s32 v4, v9;
	v10 =	vld [tilespmem:s4+$0xA030];
	_ =	sdelay $0x4  }
0x1a0: {  	[tilespmem:v11+s25+$0x0] =	vst.idx.msk $0xffff, v10  }
0x1a1: {  	v11 =	vadd.s32 v5, v9;
	v10 =	vld [tilespmem:s4+$0xA040];
	_ =	sdelay $0x4  }
0x1a2: {  	[tilespmem:v11+s25+$0x0] =	vst.idx.msk $0xffff, v10  }
0x1a3: {  	v11 =	vadd.s32 v6, v9;
	v10 =	vld [tilespmem:s4+$0xA050];
	_ =	sdelay $0x4  }
0x1a4: {  	[tilespmem:v11+s25+$0x0] =	vst.idx.msk $0xffff, v10  }
0x1a5: {  	v11 =	vadd.s32 v7, v9;
	v10 =	vld [tilespmem:s4+$0xA060]  }
.Ltmp8:
0x1a6: {  	(pc) =	sbr.rel @p0 .LBB2_20-.Ltmp8, $3  }
0x1a7: {  	_ =	sdelay $0x1  }
0x1a8: {  	s6 =	sadd.s32 $0x1, s6;
	s7 =	sadd.s32 $0x8, s7  }
0x1a9: {  	s18 =	sadd.s32 $0x200, s18;
	s0 =	sshrl.u32 s6, $0x4;
	s20 =	sand.u32 $0x78, s7;
	[tilespmem:v11+s25+$0x0] =	vst.idx.msk $0xffff, v10  }
0x1aa: {  	v10 =	vmov s0;
	v11 =	vmov s20;
	v12 =	vld [tilespmem:s4+$0xA070];
	v9 =	vadd.s32 v8, v9  }
0x1ab: {  	v11 =	vshrl.u32 v11, $0x3;
	v10 =	vmul.u32 $0x440, v10  }
0x1ac: {  	v11 =	vshll.u32 v11, $0x3  }
0x1ad: {  	v10 =	vadd.s32 v10, v11  }
0x1ae: {  	v10 =	vbroadcast v10, $0x0  }
0x1af: {  	s20 =	sshra.s32 s17, $0x2;
	[tilespmem:v9+s25+$0x0] =	vst.idx.msk $0xffff, v12  }
0x1b0: {  	v9 =	vld [tilespmem:s20+$0xA000];
	v11 =	vadd.s32 v1, v10;
	_ =	sdelay $0x4  }
0x1b1: {  	[tilespmem:v11+s25+$0x0] =	vst.idx.msk $0xffff, v9  }
0x1b2: {  	v11 =	vadd.s32 v2, v10;
	v9 =	vld [tilespmem:s20+$0xA010];
	_ =	sdelay $0x4  }
0x1b3: {  	[tilespmem:v11+s25+$0x0] =	vst.idx.msk $0xffff, v9  }
0x1b4: {  	v11 =	vadd.s32 v3, v10;
	v9 =	vld [tilespmem:s20+$0xA020];
	_ =	sdelay $0x4  }
0x1b5: {  	[tilespmem:v11+s25+$0x0] =	vst.idx.msk $0xffff, v9  }
0x1b6: {  	v11 =	vadd.s32 v4, v10;
	v9 =	vld [tilespmem:s20+$0xA030];
	_ =	sdelay $0x4  }
0x1b7: {  	[tilespmem:v11+s25+$0x0] =	vst.idx.msk $0xffff, v9  }
0x1b8: {  	v11 =	vadd.s32 v5, v10;
	v9 =	vld [tilespmem:s20+$0xA040];
	_ =	sdelay $0x4  }
0x1b9: {  	[tilespmem:v11+s25+$0x0] =	vst.idx.msk $0xffff, v9  }
0x1ba: {  	v11 =	vadd.s32 v6, v10;
	v9 =	vld [tilespmem:s20+$0xA050];
	_ =	sdelay $0x4  }
0x1bb: {  	[tilespmem:v11+s25+$0x0] =	vst.idx.msk $0xffff, v9  }
0x1bc: {  	v11 =	vadd.s32 v7, v10;
	v9 =	vld [tilespmem:s20+$0xA060];
	_ =	sdelay $0x4  }
0x1bd: {  	[tilespmem:v11+s25+$0x0] =	vst.idx.msk $0xffff, v9  }
0x1be: {  	v10 =	vadd.s32 v8, v10;
	v9 =	vld [tilespmem:s20+$0xA070];
	_ =	sdelay $0x3  }
0x1bf: {  	s4 =	sadd.s32 s16, s9;
	s6 =	simm.s32 $0x16000  }
0x1c0: {  	s7 =	simm.s32 $0x10;
	s17 =	simm.s32 $0x16088;
	s0 =	sadd.s32 $0x0, s4;
	[tilespmem:v10+s25+$0x0] =	vst.idx.msk $0xffff, v9  }
.LBB2_22:
0x1c1: {  	[hbm4b:s0+s2] =	stream.linear.scatter [tilespmem:s6], [sflag:$0x3], $0x80, $0x38;
	[tilespmem:$0x1B500] =	vst v63  }
0x1c2: {  	s0 =	smov.u32 s7;
	s6 =	smov.u32 s17;
	p0 =	sne.s32 s7, $0x1F0  }
.Ltmp9:
0x1c3: {  	s7 =	sadd.s32 $0x10, s7;
	(pc) =	sbr.rel @p0 .LBB2_22-.Ltmp9, $2  }
0x1c4: {  	_ =	sdelay $0x2  }
0x1c5: {  	s17 =	sadd.s32 $0x88, s17;
	s0 =	sadd.s32 s0, s4  }
0x1c6: {  	[hbm4b:s0+s2] =	stream.linear.scatter [tilespmem:s6], [sflag:$0x3], $0x80, $0x38;
	[tilespmem:$0x1B500] =	vst v63  }
0x1c7: {  	s6 =	sadd.s32 $0x4000, s4;
	s4 =	simm.s32 $0x17540  }
0x1c8: {  	s7 =	simm.s32 $0x10;
	s17 =	simm.s32 $0x175C8;
	s18 =	sadd.s32 $0x0, s6  }
.LBB2_24:
0x1c9: {  	[hbm4b:s18+s2] =	stream.linear.scatter [tilespmem:s4], [sflag:$0x3], $0x80, $0x38;
	[tilespmem:$0x1B500] =	vst v63  }
0x1ca: {  	s0 =	smov.u32 s7;
	s4 =	smov.u32 s17;
	p0 =	sne.s32 s7, $0x1F0  }
.Ltmp10:
0x1cb: {  	s7 =	sadd.s32 $0x10, s7;
	(pc) =	sbr.rel @p0 .LBB2_24-.Ltmp10, $2  }
0x1cc: {  	_ =	sdelay $0x2  }
0x1cd: {  	s17 =	sadd.s32 $0x88, s17;
	s18 =	sadd.s32 s0, s6  }
0x1ce: {  	s0 =	simm.s32 $0x0  }
0x1cf: {  	s6 =	simm.s32 $0x0;
	s0 =	sand.u32 $0x78, s0  }
0x1d0: {  	v9 =	vmov s6;
	v10 =	vmov s0  }
0x1d1: {  	v9 =	vmul.u32 $0x440, v9;
	v10 =	vshrl.u32 v10, $0x3  }
0x1d2: {  	[hbm4b:s18+s2] =	stream.linear.scatter [tilespmem:s4], [sflag:$0x3], $0x80, $0x38;
	v10 =	vshll.u32 v10, $0x3;
	[tilespmem:$0x1B500] =	vst v63  }
0x1d3: {  	_ =	swait.ge [sflag:s29], $0x2000;
	v9 =	vadd.s32 v9, v10  }
0x1d4: {  	[sflag:s29] =	ssyncset.done $0x0;
	v9 =	vbroadcast v9, $0x0  }
0x1d5: {  	s4 =	simm.s32 $0x0;
	[sflag:s29] =	ssyncadd.s32 $0xFFFFE000  }
0x1d6: {  	v10 =	vld [tilespmem:s4+$0xC000];
	v11 =	vadd.s32 v1, v9;
	_ =	sdelay $0x4  }
0x1d7: {  	[tilespmem:v11+s26+$0x0] =	vst.idx.msk $0xffff, v10  }
0x1d8: {  	v11 =	vadd.s32 v2, v9;
	v10 =	vld [tilespmem:s4+$0xC010];
	_ =	sdelay $0x4  }
0x1d9: {  	[tilespmem:v11+s26+$0x0] =	vst.idx.msk $0xffff, v10  }
0x1da: {  	v11 =	vadd.s32 v3, v9;
	v10 =	vld [tilespmem:s4+$0xC020];
	_ =	sdelay $0x4  }
0x1db: {  	[tilespmem:v11+s26+$0x0] =	vst.idx.msk $0xffff, v10  }
0x1dc: {  	v11 =	vadd.s32 v4, v9;
	v10 =	vld [tilespmem:s4+$0xC030];
	_ =	sdelay $0x4  }
0x1dd: {  	[tilespmem:v11+s26+$0x0] =	vst.idx.msk $0xffff, v10  }
0x1de: {  	v11 =	vadd.s32 v5, v9;
	v10 =	vld [tilespmem:s4+$0xC040];
	_ =	sdelay $0x4  }
0x1df: {  	[tilespmem:v11+s26+$0x0] =	vst.idx.msk $0xffff, v10  }
0x1e0: {  	v11 =	vadd.s32 v6, v9;
	v10 =	vld [tilespmem:s4+$0xC050];
	_ =	sdelay $0x4  }
0x1e1: {  	[tilespmem:v11+s26+$0x0] =	vst.idx.msk $0xffff, v10  }
0x1e2: {  	v11 =	vadd.s32 v7, v9;
	v10 =	vld [tilespmem:s4+$0xC060];
	_ =	sdelay $0x3  }
0x1e3: {  	s17 =	simm.s32 $0x200;
	s7 =	simm.s32 $0x8;
	s18 =	simm.s32 $0x400  }
0x1e4: {  	s6 =	simm.s32 $0x1;
	s20 =	sand.u32 $0x78, s7;
	s0 =	simm.s32 $0x0;
	[tilespmem:v11+s26+$0x0] =	vst.idx.msk $0xffff, v10  }
.LBB2_26:
0x1e5: {  	p0 =	sne.s32 s18, $0x7E00;
	v10 =	vmov s0;
	v11 =	vmov s20;
	v12 =	vld [tilespmem:s4+$0xC070];
	v13 =	vadd.s32 v8, v9  }
0x1e6: {  	v9 =	vshrl.u32 v11, $0x3;
	v10 =	vmul.u32 $0x440, v10  }
0x1e7: {  	v9 =	vshll.u32 v9, $0x3  }
0x1e8: {  	v9 =	vadd.s32 v10, v9  }
0x1e9: {  	v9 =	vbroadcast v9, $0x0  }
0x1ea: {  	s4 =	sshra.s32 s17, $0x2;
	s17 =	smov.u32 s18;
	[tilespmem:v13+s26+$0x0] =	vst.idx.msk $0xffff, v12  }
0x1eb: {  	v10 =	vld [tilespmem:s4+$0xC000];
	v11 =	vadd.s32 v1, v9;
	_ =	sdelay $0x4  }
0x1ec: {  	[tilespmem:v11+s26+$0x0] =	vst.idx.msk $0xffff, v10  }
0x1ed: {  	v11 =	vadd.s32 v2, v9;
	v10 =	vld [tilespmem:s4+$0xC010];
	_ =	sdelay $0x4  }
0x1ee: {  	[tilespmem:v11+s26+$0x0] =	vst.idx.msk $0xffff, v10  }
0x1ef: {  	v11 =	vadd.s32 v3, v9;
	v10 =	vld [tilespmem:s4+$0xC020];
	_ =	sdelay $0x4  }
0x1f0: {  	[tilespmem:v11+s26+$0x0] =	vst.idx.msk $0xffff, v10  }
0x1f1: {  	v11 =	vadd.s32 v4, v9;
	v10 =	vld [tilespmem:s4+$0xC030];
	_ =	sdelay $0x4  }
0x1f2: {  	[tilespmem:v11+s26+$0x0] =	vst.idx.msk $0xffff, v10  }
0x1f3: {  	v11 =	vadd.s32 v5, v9;
	v10 =	vld [tilespmem:s4+$0xC040];
	_ =	sdelay $0x4  }
0x1f4: {  	[tilespmem:v11+s26+$0x0] =	vst.idx.msk $0xffff, v10  }
0x1f5: {  	v11 =	vadd.s32 v6, v9;
	v10 =	vld [tilespmem:s4+$0xC050];
	_ =	sdelay $0x4  }
0x1f6: {  	[tilespmem:v11+s26+$0x0] =	vst.idx.msk $0xffff, v10  }
0x1f7: {  	v11 =	vadd.s32 v7, v9;
	v10 =	vld [tilespmem:s4+$0xC060]  }
.Ltmp11:
0x1f8: {  	(pc) =	sbr.rel @p0 .LBB2_26-.Ltmp11, $3  }
0x1f9: {  	_ =	sdelay $0x1  }
0x1fa: {  	s6 =	sadd.s32 $0x1, s6;
	s7 =	sadd.s32 $0x8, s7  }
0x1fb: {  	s18 =	sadd.s32 $0x200, s18;
	s0 =	sshrl.u32 s6, $0x4;
	s20 =	sand.u32 $0x78, s7;
	[tilespmem:v11+s26+$0x0] =	vst.idx.msk $0xffff, v10  }
0x1fc: {  	v10 =	vmov s0;
	v11 =	vmov s20;
	v12 =	vld [tilespmem:s4+$0xC070];
	v9 =	vadd.s32 v8, v9  }
0x1fd: {  	v11 =	vshrl.u32 v11, $0x3;
	v10 =	vmul.u32 $0x440, v10  }
0x1fe: {  	v11 =	vshll.u32 v11, $0x3  }
0x1ff: {  	v10 =	vadd.s32 v10, v11  }
0x200: {  	v10 =	vbroadcast v10, $0x0  }
0x201: {  	s20 =	sshra.s32 s17, $0x2;
	[tilespmem:v9+s26+$0x0] =	vst.idx.msk $0xffff, v12  }
0x202: {  	v9 =	vld [tilespmem:s20+$0xC000];
	v11 =	vadd.s32 v1, v10;
	_ =	sdelay $0x4  }
0x203: {  	[tilespmem:v11+s26+$0x0] =	vst.idx.msk $0xffff, v9  }
0x204: {  	v11 =	vadd.s32 v2, v10;
	v9 =	vld [tilespmem:s20+$0xC010];
	_ =	sdelay $0x4  }
0x205: {  	[tilespmem:v11+s26+$0x0] =	vst.idx.msk $0xffff, v9  }
0x206: {  	v11 =	vadd.s32 v3, v10;
	v9 =	vld [tilespmem:s20+$0xC020];
	_ =	sdelay $0x4  }
0x207: {  	[tilespmem:v11+s26+$0x0] =	vst.idx.msk $0xffff, v9  }
0x208: {  	v11 =	vadd.s32 v4, v10;
	v9 =	vld [tilespmem:s20+$0xC030];
	_ =	sdelay $0x4  }
0x209: {  	[tilespmem:v11+s26+$0x0] =	vst.idx.msk $0xffff, v9  }
0x20a: {  	v11 =	vadd.s32 v5, v10;
	v9 =	vld [tilespmem:s20+$0xC040];
	_ =	sdelay $0x4  }
0x20b: {  	[tilespmem:v11+s26+$0x0] =	vst.idx.msk $0xffff, v9  }
0x20c: {  	v11 =	vadd.s32 v6, v10;
	v9 =	vld [tilespmem:s20+$0xC050];
	_ =	sdelay $0x4  }
0x20d: {  	[tilespmem:v11+s26+$0x0] =	vst.idx.msk $0xffff, v9  }
0x20e: {  	v11 =	vadd.s32 v7, v10;
	v9 =	vld [tilespmem:s20+$0xC060];
	_ =	sdelay $0x4  }
0x20f: {  	[tilespmem:v11+s26+$0x0] =	vst.idx.msk $0xffff, v9  }
0x210: {  	v10 =	vadd.s32 v8, v10;
	v9 =	vld [tilespmem:s20+$0xC070];
	_ =	sdelay $0x3  }
0x211: {  	s4 =	sadd.s32 s16, s10;
	s6 =	simm.s32 $0x18A80  }
0x212: {  	s7 =	simm.s32 $0x10;
	s17 =	simm.s32 $0x18B08;
	s0 =	sadd.s32 $0x0, s4;
	[tilespmem:v10+s26+$0x0] =	vst.idx.msk $0xffff, v9  }
.LBB2_28:
0x213: {  	[hbm4b:s0+s2] =	stream.linear.scatter [tilespmem:s6], [sflag:$0x4], $0x80, $0x38;
	[tilespmem:$0x1B500] =	vst v63  }
0x214: {  	s0 =	smov.u32 s7;
	s6 =	smov.u32 s17;
	p0 =	sne.s32 s7, $0x1F0  }
.Ltmp12:
0x215: {  	s7 =	sadd.s32 $0x10, s7;
	(pc) =	sbr.rel @p0 .LBB2_28-.Ltmp12, $2  }
0x216: {  	_ =	sdelay $0x2  }
0x217: {  	s17 =	sadd.s32 $0x88, s17;
	s0 =	sadd.s32 s0, s4  }
0x218: {  	[hbm4b:s0+s2] =	stream.linear.scatter [tilespmem:s6], [sflag:$0x4], $0x80, $0x38;
	[tilespmem:$0x1B500] =	vst v63  }
0x219: {  	s4 =	sadd.s32 $0x4000, s4;
	s6 =	simm.s32 $0x19FC0  }
0x21a: {  	s7 =	simm.s32 $0x10;
	s17 =	simm.s32 $0x1A048;
	s0 =	sadd.s32 $0x0, s4  }
.LBB2_30:
0x21b: {  	[hbm4b:s0+s2] =	stream.linear.scatter [tilespmem:s6], [sflag:$0x4], $0x80, $0x38;
	[tilespmem:$0x1B500] =	vst v63  }
0x21c: {  	s0 =	smov.u32 s7;
	s6 =	smov.u32 s17;
	p0 =	sne.s32 s7, $0x1F0  }
.Ltmp13:
0x21d: {  	s7 =	sadd.s32 $0x10, s7;
	(pc) =	sbr.rel @p0 .LBB2_30-.Ltmp13, $2  }
0x21e: {  	_ =	sdelay $0x2  }
0x21f: {  	s17 =	sadd.s32 $0x88, s17;
	s0 =	sadd.s32 s0, s4  }
0x220: {  	[hbm4b:s0+s2] =	stream.linear.scatter [tilespmem:s6], [sflag:$0x4], $0x80, $0x38;
	[tilespmem:$0x1B500] =	vst v63  }
0x221: {  	_ =	swait.ge [sflag:s28], $0x2000  }
0x222: {  	s20 =	simm.s32 $0x0;
	[sflag:s28] =	ssyncset.done $0x0  }
0x223: {  	s4 =	simm.s32 $0x0;
	s0 =	sand.u32 $0x78, s20;
	[sflag:s28] =	ssyncadd.s32 $0xFFFFE000  }
0x224: {  	v9 =	vmov s4;
	v10 =	vmov s0;
	_ =	swait.ge [sflag:s29], $0x2000  }
0x225: {  	v9 =	vmul.u32 $0x440, v9;
	v10 =	vshrl.u32 v10, $0x3;
	[sflag:s29] =	ssyncset.done $0x0  }
0x226: {  	v10 =	vshll.u32 v10, $0x3;
	[sflag:s29] =	ssyncadd.s32 $0xFFFFE000  }
0x227: {  	v9 =	vadd.s32 v9, v10;
	_ =	swait.ge [sflag:s30], $0x8000  }
0x228: {  	v9 =	vbroadcast v9, $0x0;
	[sflag:s30] =	ssyncset.done $0x0  }
0x229: {  	s17 =	simm.s32 $0xE040;
	[sflag:s30] =	ssyncadd.s32 $0xFFFF8000  }
0x22a: {  	v11 =	vadd.s32 v1, v9;
	v10 =	vld [tilespmem:s17+$0xFFFFFFC0];
	_ =	sdelay $0x4  }
0x22b: {  	[tilespmem:v11+s25+$0x0] =	vst.idx.msk $0xffff, v10  }
0x22c: {  	v11 =	vadd.s32 v2, v9;
	v10 =	vld [tilespmem:s17+$0xFFFFFFD0];
	_ =	sdelay $0x4  }
0x22d: {  	[tilespmem:v11+s25+$0x0] =	vst.idx.msk $0xffff, v10  }
0x22e: {  	v11 =	vadd.s32 v3, v9;
	v10 =	vld [tilespmem:s17+$0xFFFFFFE0];
	_ =	sdelay $0x4  }
0x22f: {  	[tilespmem:v11+s25+$0x0] =	vst.idx.msk $0xffff, v10  }
0x230: {  	v11 =	vadd.s32 v4, v9;
	v10 =	vld [tilespmem:s17+$0xFFFFFFF0];
	_ =	sdelay $0x4  }
0x231: {  	[tilespmem:v11+s25+$0x0] =	vst.idx.msk $0xffff, v10  }
0x232: {  	v11 =	vadd.s32 v5, v9;
	v10 =	vld [tilespmem:s17+$0x0];
	_ =	sdelay $0x4  }
0x233: {  	[tilespmem:v11+s25+$0x0] =	vst.idx.msk $0xffff, v10  }
0x234: {  	v11 =	vadd.s32 v6, v9;
	v10 =	vld [tilespmem:s17+$0x10];
	_ =	sdelay $0x4  }
0x235: {  	[tilespmem:v11+s25+$0x0] =	vst.idx.msk $0xffff, v10  }
0x236: {  	v11 =	vadd.s32 v7, v9;
	v10 =	vld [tilespmem:s17+$0x20];
	_ =	sdelay $0x3  }
0x237: {  	s4 =	simm.s32 $0x8  }
0x238: {  	s6 =	simm.s32 $0x2;
	s0 =	simm.s32 $0x0;
	s7 =	sand.u32 $0x78, s4;
	[tilespmem:v11+s25+$0x0] =	vst.idx.msk $0xffff, v10  }
.LBB2_32:
0x239: {  	p0 =	sne.s32 s6, $0x3F;
	v10 =	vmov s0;
	v11 =	vmov s7;
	v12 =	vld [tilespmem:s17+$0x30];
	v13 =	vadd.s32 v8, v9  }
0x23a: {  	v9 =	vshrl.u32 v11, $0x3;
	v10 =	vmul.u32 $0x440, v10  }
0x23b: {  	v9 =	vshll.u32 v9, $0x3  }
0x23c: {  	v9 =	vadd.s32 v10, v9  }
0x23d: {  	v9 =	vbroadcast v9, $0x0  }
0x23e: {  	s17 =	sadd.s32 $0x80, s17;
	[tilespmem:v13+s25+$0x0] =	vst.idx.msk $0xffff, v12  }
0x23f: {  	v10 =	vld [tilespmem:s17+$0xFFFFFFC0];
	v11 =	vadd.s32 v1, v9;
	_ =	sdelay $0x4  }
0x240: {  	[tilespmem:v11+s25+$0x0] =	vst.idx.msk $0xffff, v10  }
0x241: {  	v11 =	vadd.s32 v2, v9;
	v10 =	vld [tilespmem:s17+$0xFFFFFFD0];
	_ =	sdelay $0x4  }
0x242: {  	[tilespmem:v11+s25+$0x0] =	vst.idx.msk $0xffff, v10  }
0x243: {  	v11 =	vadd.s32 v3, v9;
	v10 =	vld [tilespmem:s17+$0xFFFFFFE0];
	_ =	sdelay $0x4  }
0x244: {  	[tilespmem:v11+s25+$0x0] =	vst.idx.msk $0xffff, v10  }
0x245: {  	v11 =	vadd.s32 v4, v9;
	v10 =	vld [tilespmem:s17+$0xFFFFFFF0];
	_ =	sdelay $0x4  }
0x246: {  	[tilespmem:v11+s25+$0x0] =	vst.idx.msk $0xffff, v10  }
0x247: {  	v11 =	vadd.s32 v5, v9;
	v10 =	vld [tilespmem:s17+$0x0];
	_ =	sdelay $0x4  }
0x248: {  	[tilespmem:v11+s25+$0x0] =	vst.idx.msk $0xffff, v10  }
0x249: {  	v11 =	vadd.s32 v6, v9;
	v10 =	vld [tilespmem:s17+$0x10];
	_ =	sdelay $0x4  }
0x24a: {  	[tilespmem:v11+s25+$0x0] =	vst.idx.msk $0xffff, v10  }
0x24b: {  	v11 =	vadd.s32 v7, v9;
	v10 =	vld [tilespmem:s17+$0x20]  }
.Ltmp14:
0x24c: {  	(pc) =	sbr.rel @p0 .LBB2_32-.Ltmp14, $3  }
0x24d: {  	_ =	sdelay $0x1  }
0x24e: {  	s4 =	sadd.s32 $0x8, s4  }
0x24f: {  	s0 =	sshrl.u32 s6, $0x4;
	s6 =	sadd.s32 $0x1, s6;
	s7 =	sand.u32 $0x78, s4;
	[tilespmem:v11+s25+$0x0] =	vst.idx.msk $0xffff, v10  }
0x250: {  	v10 =	vmov s0;
	v11 =	vmov s7;
	v12 =	vld [tilespmem:s17+$0x30];
	v9 =	vadd.s32 v8, v9  }
0x251: {  	v11 =	vshrl.u32 v11, $0x3;
	v10 =	vmul.u32 $0x440, v10  }
0x252: {  	v11 =	vshll.u32 v11, $0x3  }
0x253: {  	v10 =	vadd.s32 v10, v11  }
0x254: {  	v10 =	vbroadcast v10, $0x0  }
0x255: {  	s20 =	sadd.s32 $0x80, s17;
	[tilespmem:v9+s25+$0x0] =	vst.idx.msk $0xffff, v12  }
0x256: {  	v9 =	vld [tilespmem:s20+$0xFFFFFFC0];
	v11 =	vadd.s32 v1, v10;
	_ =	sdelay $0x4  }
0x257: {  	[tilespmem:v11+s25+$0x0] =	vst.idx.msk $0xffff, v9  }
0x258: {  	v11 =	vadd.s32 v2, v10;
	v9 =	vld [tilespmem:s20+$0xFFFFFFD0];
	_ =	sdelay $0x4  }
0x259: {  	[tilespmem:v11+s25+$0x0] =	vst.idx.msk $0xffff, v9  }
0x25a: {  	v11 =	vadd.s32 v3, v10;
	v9 =	vld [tilespmem:s20+$0xFFFFFFE0];
	_ =	sdelay $0x4  }
0x25b: {  	[tilespmem:v11+s25+$0x0] =	vst.idx.msk $0xffff, v9  }
0x25c: {  	v11 =	vadd.s32 v4, v10;
	v9 =	vld [tilespmem:s20+$0xFFFFFFF0];
	_ =	sdelay $0x4  }
0x25d: {  	[tilespmem:v11+s25+$0x0] =	vst.idx.msk $0xffff, v9  }
0x25e: {  	v11 =	vadd.s32 v5, v10;
	v9 =	vld [tilespmem:s20+$0x0];
	_ =	sdelay $0x4  }
0x25f: {  	[tilespmem:v11+s25+$0x0] =	vst.idx.msk $0xffff, v9  }
0x260: {  	v11 =	vadd.s32 v6, v10;
	v9 =	vld [tilespmem:s20+$0x10];
	_ =	sdelay $0x4  }
0x261: {  	[tilespmem:v11+s25+$0x0] =	vst.idx.msk $0xffff, v9  }
0x262: {  	v11 =	vadd.s32 v7, v10;
	v9 =	vld [tilespmem:s20+$0x20];
	_ =	sdelay $0x4  }
0x263: {  	[tilespmem:v11+s25+$0x0] =	vst.idx.msk $0xffff, v9  }
0x264: {  	v10 =	vadd.s32 v8, v10;
	v9 =	vld [tilespmem:s20+$0x30];
	_ =	sdelay $0x3  }
0x265: {  	s4 =	sadd.s32 s16, s11;
	s6 =	simm.s32 $0x16000  }
0x266: {  	s7 =	simm.s32 $0x10;
	s17 =	simm.s32 $0x16088;
	s0 =	sadd.s32 $0x0, s4;
	[tilespmem:v10+s25+$0x0] =	vst.idx.msk $0xffff, v9  }
.LBB2_34:
0x267: {  	[hbm4b:s0+s2] =	stream.linear.scatter [tilespmem:s6], [sflag:$0x3], $0x80, $0x38;
	[tilespmem:$0x1B500] =	vst v63  }
0x268: {  	s0 =	smov.u32 s7;
	s6 =	smov.u32 s17;
	p0 =	sne.s32 s7, $0x1F0  }
.Ltmp15:
0x269: {  	s7 =	sadd.s32 $0x10, s7;
	(pc) =	sbr.rel @p0 .LBB2_34-.Ltmp15, $2  }
0x26a: {  	_ =	sdelay $0x2  }
0x26b: {  	s17 =	sadd.s32 $0x88, s17;
	s0 =	sadd.s32 s0, s4  }
0x26c: {  	[hbm4b:s0+s2] =	stream.linear.scatter [tilespmem:s6], [sflag:$0x3], $0x80, $0x38;
	[tilespmem:$0x1B500] =	vst v63  }
0x26d: {  	s4 =	sadd.s32 $0x4000, s4  }
0x26e: {  	s0 =	simm.s32 $0x0;
	s6 =	simm.s32 $0x17540;
	s7 =	simm.s32 $0x0  }
.LBB2_36:
0x26f: {  	p0 =	sne.s32 s7, $0x1F0  }
.Ltmp16:
0x270: {  	_ = 	snop;
	(pc) =	sbr.rel @p0 .LBB2_36-.Ltmp16, $4  }
0x271: {  	_ = 	snop  }
0x272: {  	s17 =	sadd.s32 s7, s4  }
0x273: {  	[hbm4b:s17+s0] =	stream.linear.scatter [tilespmem:s6], [sflag:$0x3], $0x80, $0x38;
	[tilespmem:$0x1B500] =	vst v63  }
0x274: {  	s7 =	sadd.s32 $0x10, s7;
	s6 =	sadd.s32 $0x88, s6  }
0x275: {  	s4 =	simm.s32 $0x0;
	s0 =	sand.u32 $0x78, s0  }
0x276: {  	v9 =	vmov s4;
	v10 =	vmov s0  }
0x277: {  	v10 =	vshrl.u32 v10, $0x3;
	v9 =	vmul.u32 $0x440, v9  }
0x278: {  	v10 =	vshll.u32 v10, $0x3  }
0x279: {  	v9 =	vadd.s32 v9, v10  }
0x27a: {  	v9 =	vbroadcast v9, $0x0  }
0x27b: {  	s17 =	simm.s32 $0x10070  }
0x27c: {  	v10 =	vld [tilespmem:s17+$0xFFFFFF90];
	v11 =	vadd.s32 v1, v9;
	_ =	sdelay $0x4  }
0x27d: {  	[tilespmem:v11+s26+$0x0] =	vst.idx.msk $0xffff, v10  }
0x27e: {  	v11 =	vadd.s32 v2, v9;
	v10 =	vld [tilespmem:s17+$0xFFFFFFA0];
	_ =	sdelay $0x4  }
0x27f: {  	[tilespmem:v11+s26+$0x0] =	vst.idx.msk $0xffff, v10  }
0x280: {  	v11 =	vadd.s32 v3, v9;
	v10 =	vld [tilespmem:s17+$0xFFFFFFB0];
	_ =	sdelay $0x4  }
0x281: {  	[tilespmem:v11+s26+$0x0] =	vst.idx.msk $0xffff, v10  }
0x282: {  	v11 =	vadd.s32 v4, v9;
	v10 =	vld [tilespmem:s17+$0xFFFFFFC0];
	_ =	sdelay $0x4  }
0x283: {  	[tilespmem:v11+s26+$0x0] =	vst.idx.msk $0xffff, v10  }
0x284: {  	v11 =	vadd.s32 v5, v9;
	v10 =	vld [tilespmem:s17+$0xFFFFFFD0];
	_ =	sdelay $0x4  }
0x285: {  	[tilespmem:v11+s26+$0x0] =	vst.idx.msk $0xffff, v10  }
0x286: {  	v11 =	vadd.s32 v6, v9;
	v10 =	vld [tilespmem:s17+$0xFFFFFFE0];
	_ =	sdelay $0x4  }
0x287: {  	[tilespmem:v11+s26+$0x0] =	vst.idx.msk $0xffff, v10  }
0x288: {  	v11 =	vadd.s32 v7, v9;
	v10 =	vld [tilespmem:s17+$0xFFFFFFF0];
	_ =	sdelay $0x3  }
0x289: {  	s4 =	simm.s32 $0x8  }
0x28a: {  	s6 =	simm.s32 $0x2;
	s0 =	simm.s32 $0x0;
	s7 =	sand.u32 $0x78, s4;
	[tilespmem:v11+s26+$0x0] =	vst.idx.msk $0xffff, v10  }
.LBB2_38:
0x28b: {  	p0 =	sne.s32 s6, $0x3F;
	v10 =	vmov s0;
	v11 =	vmov s7;
	v12 =	vld [tilespmem:s17+$0x0];
	v13 =	vadd.s32 v8, v9  }
0x28c: {  	v9 =	vshrl.u32 v11, $0x3;
	v10 =	vmul.u32 $0x440, v10  }
0x28d: {  	v9 =	vshll.u32 v9, $0x3  }
0x28e: {  	v9 =	vadd.s32 v10, v9  }
0x28f: {  	v9 =	vbroadcast v9, $0x0  }
0x290: {  	s17 =	sadd.s32 $0x80, s17;
	[tilespmem:v13+s26+$0x0] =	vst.idx.msk $0xffff, v12  }
0x291: {  	v10 =	vld [tilespmem:s17+$0xFFFFFF90];
	v11 =	vadd.s32 v1, v9;
	_ =	sdelay $0x4  }
0x292: {  	[tilespmem:v11+s26+$0x0] =	vst.idx.msk $0xffff, v10  }
0x293: {  	v11 =	vadd.s32 v2, v9;
	v10 =	vld [tilespmem:s17+$0xFFFFFFA0];
	_ =	sdelay $0x4  }
0x294: {  	[tilespmem:v11+s26+$0x0] =	vst.idx.msk $0xffff, v10  }
0x295: {  	v11 =	vadd.s32 v3, v9;
	v10 =	vld [tilespmem:s17+$0xFFFFFFB0];
	_ =	sdelay $0x4  }
0x296: {  	[tilespmem:v11+s26+$0x0] =	vst.idx.msk $0xffff, v10  }
0x297: {  	v11 =	vadd.s32 v4, v9;
	v10 =	vld [tilespmem:s17+$0xFFFFFFC0];
	_ =	sdelay $0x4  }
0x298: {  	[tilespmem:v11+s26+$0x0] =	vst.idx.msk $0xffff, v10  }
0x299: {  	v11 =	vadd.s32 v5, v9;
	v10 =	vld [tilespmem:s17+$0xFFFFFFD0];
	_ =	sdelay $0x4  }
0x29a: {  	[tilespmem:v11+s26+$0x0] =	vst.idx.msk $0xffff, v10  }
0x29b: {  	v11 =	vadd.s32 v6, v9;
	v10 =	vld [tilespmem:s17+$0xFFFFFFE0];
	_ =	sdelay $0x4  }
0x29c: {  	[tilespmem:v11+s26+$0x0] =	vst.idx.msk $0xffff, v10  }
0x29d: {  	v11 =	vadd.s32 v7, v9;
	v10 =	vld [tilespmem:s17+$0xFFFFFFF0]  }
.Ltmp17:
0x29e: {  	(pc) =	sbr.rel @p0 .LBB2_38-.Ltmp17, $3  }
0x29f: {  	_ =	sdelay $0x1  }
0x2a0: {  	s4 =	sadd.s32 $0x8, s4  }
0x2a1: {  	s0 =	sshrl.u32 s6, $0x4;
	s6 =	sadd.s32 $0x1, s6;
	s7 =	sand.u32 $0x78, s4;
	[tilespmem:v11+s26+$0x0] =	vst.idx.msk $0xffff, v10  }
0x2a2: {  	v10 =	vmov s0;
	v11 =	vmov s7;
	v12 =	vld [tilespmem:s17+$0x0];
	v9 =	vadd.s32 v8, v9  }
0x2a3: {  	v11 =	vshrl.u32 v11, $0x3;
	v10 =	vmul.u32 $0x440, v10  }
0x2a4: {  	v11 =	vshll.u32 v11, $0x3  }
0x2a5: {  	v10 =	vadd.s32 v10, v11  }
0x2a6: {  	v10 =	vbroadcast v10, $0x0  }
0x2a7: {  	s20 =	sadd.s32 $0x80, s17;
	[tilespmem:v9+s26+$0x0] =	vst.idx.msk $0xffff, v12  }
0x2a8: {  	v9 =	vld [tilespmem:s20+$0xFFFFFF90];
	v11 =	vadd.s32 v1, v10;
	_ =	sdelay $0x4  }
0x2a9: {  	[tilespmem:v11+s26+$0x0] =	vst.idx.msk $0xffff, v9  }
0x2aa: {  	v11 =	vadd.s32 v2, v10;
	v9 =	vld [tilespmem:s20+$0xFFFFFFA0];
	_ =	sdelay $0x4  }
0x2ab: {  	[tilespmem:v11+s26+$0x0] =	vst.idx.msk $0xffff, v9  }
0x2ac: {  	v11 =	vadd.s32 v3, v10;
	v9 =	vld [tilespmem:s20+$0xFFFFFFB0];
	_ =	sdelay $0x4  }
0x2ad: {  	[tilespmem:v11+s26+$0x0] =	vst.idx.msk $0xffff, v9  }
0x2ae: {  	v11 =	vadd.s32 v4, v10;
	v9 =	vld [tilespmem:s20+$0xFFFFFFC0];
	_ =	sdelay $0x4  }
0x2af: {  	[tilespmem:v11+s26+$0x0] =	vst.idx.msk $0xffff, v9  }
0x2b0: {  	v11 =	vadd.s32 v5, v10;
	v9 =	vld [tilespmem:s20+$0xFFFFFFD0];
	_ =	sdelay $0x4  }
0x2b1: {  	[tilespmem:v11+s26+$0x0] =	vst.idx.msk $0xffff, v9  }
0x2b2: {  	v11 =	vadd.s32 v6, v10;
	v9 =	vld [tilespmem:s20+$0xFFFFFFE0];
	_ =	sdelay $0x4  }
0x2b3: {  	[tilespmem:v11+s26+$0x0] =	vst.idx.msk $0xffff, v9  }
0x2b4: {  	v11 =	vadd.s32 v7, v10;
	v9 =	vld [tilespmem:s20+$0xFFFFFFF0];
	_ =	sdelay $0x4  }
0x2b5: {  	[tilespmem:v11+s26+$0x0] =	vst.idx.msk $0xffff, v9  }
0x2b6: {  	v10 =	vadd.s32 v8, v10;
	v9 =	vld [tilespmem:s20+$0x0];
	_ =	sdelay $0x3  }
0x2b7: {  	s4 =	sadd.s32 s16, s12;
	s6 =	simm.s32 $0x18A80  }
0x2b8: {  	s7 =	simm.s32 $0x10;
	s17 =	simm.s32 $0x18B08;
	s0 =	sadd.s32 $0x0, s4;
	[tilespmem:v10+s26+$0x0] =	vst.idx.msk $0xffff, v9  }
.LBB2_40:
0x2b9: {  	[hbm4b:s0+s2] =	stream.linear.scatter [tilespmem:s6], [sflag:$0x4], $0x80, $0x38;
	[tilespmem:$0x1B500] =	vst v63  }
0x2ba: {  	s0 =	smov.u32 s7;
	s6 =	smov.u32 s17;
	p0 =	sne.s32 s7, $0x1F0  }
.Ltmp18:
0x2bb: {  	s7 =	sadd.s32 $0x10, s7;
	(pc) =	sbr.rel @p0 .LBB2_40-.Ltmp18, $2  }
0x2bc: {  	_ =	sdelay $0x2  }
0x2bd: {  	s17 =	sadd.s32 $0x88, s17;
	s0 =	sadd.s32 s0, s4  }
0x2be: {  	[hbm4b:s0+s2] =	stream.linear.scatter [tilespmem:s6], [sflag:$0x4], $0x80, $0x38;
	[tilespmem:$0x1B500] =	vst v63  }
0x2bf: {  	s6 =	sadd.s32 $0x4000, s4;
	s4 =	simm.s32 $0x19FC0  }
0x2c0: {  	s7 =	simm.s32 $0x10;
	s17 =	simm.s32 $0x1A048;
	s18 =	sadd.s32 $0x0, s6  }
.LBB2_42:
0x2c1: {  	[hbm4b:s18+s2] =	stream.linear.scatter [tilespmem:s4], [sflag:$0x4], $0x80, $0x38;
	[tilespmem:$0x1B500] =	vst v63  }
0x2c2: {  	s0 =	smov.u32 s7;
	s4 =	smov.u32 s17;
	p0 =	sne.s32 s7, $0x1F0  }
.Ltmp19:
0x2c3: {  	s7 =	sadd.s32 $0x10, s7;
	(pc) =	sbr.rel @p0 .LBB2_42-.Ltmp19, $2  }
0x2c4: {  	_ =	sdelay $0x2  }
0x2c5: {  	s17 =	sadd.s32 $0x88, s17;
	s18 =	sadd.s32 s0, s6  }
0x2c6: {  	s0 =	simm.s32 $0x0  }
0x2c7: {  	s6 =	simm.s32 $0x0;
	s0 =	sand.u32 $0x78, s0  }
0x2c8: {  	v9 =	vmov s6;
	v10 =	vmov s0  }
0x2c9: {  	v9 =	vmul.u32 $0x440, v9;
	v10 =	vshrl.u32 v10, $0x3  }
0x2ca: {  	[hbm4b:s18+s2] =	stream.linear.scatter [tilespmem:s4], [sflag:$0x4], $0x80, $0x38;
	v10 =	vshll.u32 v10, $0x3;
	[tilespmem:$0x1B500] =	vst v63  }
0x2cb: {  	_ =	swait.ge [sflag:s28], $0x2000;
	v9 =	vadd.s32 v9, v10  }
0x2cc: {  	[sflag:s28] =	ssyncset.done $0x0;
	v9 =	vbroadcast v9, $0x0  }
0x2cd: {  	s4 =	simm.s32 $0x0;
	[sflag:s28] =	ssyncadd.s32 $0xFFFFE000  }
0x2ce: {  	v10 =	vld [tilespmem:s4+$0x12000];
	v11 =	vadd.s32 v1, v9;
	_ =	sdelay $0x4  }
0x2cf: {  	[tilespmem:v11+s25+$0x0] =	vst.idx.msk $0xffff, v10  }
0x2d0: {  	v11 =	vadd.s32 v2, v9;
	v10 =	vld [tilespmem:s4+$0x12010];
	_ =	sdelay $0x4  }
0x2d1: {  	[tilespmem:v11+s25+$0x0] =	vst.idx.msk $0xffff, v10  }
0x2d2: {  	v11 =	vadd.s32 v3, v9;
	v10 =	vld [tilespmem:s4+$0x12020];
	_ =	sdelay $0x4  }
0x2d3: {  	[tilespmem:v11+s25+$0x0] =	vst.idx.msk $0xffff, v10  }
0x2d4: {  	v11 =	vadd.s32 v4, v9;
	v10 =	vld [tilespmem:s4+$0x12030];
	_ =	sdelay $0x4  }
0x2d5: {  	[tilespmem:v11+s25+$0x0] =	vst.idx.msk $0xffff, v10  }
0x2d6: {  	v11 =	vadd.s32 v5, v9;
	v10 =	vld [tilespmem:s4+$0x12040];
	_ =	sdelay $0x4  }
0x2d7: {  	[tilespmem:v11+s25+$0x0] =	vst.idx.msk $0xffff, v10  }
0x2d8: {  	v11 =	vadd.s32 v6, v9;
	v10 =	vld [tilespmem:s4+$0x12050];
	_ =	sdelay $0x4  }
0x2d9: {  	[tilespmem:v11+s25+$0x0] =	vst.idx.msk $0xffff, v10  }
0x2da: {  	v11 =	vadd.s32 v7, v9;
	v10 =	vld [tilespmem:s4+$0x12060];
	_ =	sdelay $0x3  }
0x2db: {  	s17 =	simm.s32 $0x200;
	s7 =	simm.s32 $0x8;
	s18 =	simm.s32 $0x400  }
0x2dc: {  	s6 =	simm.s32 $0x1;
	s20 =	sand.u32 $0x78, s7;
	s0 =	simm.s32 $0x0;
	[tilespmem:v11+s25+$0x0] =	vst.idx.msk $0xffff, v10  }
.LBB2_44:
0x2dd: {  	p0 =	sne.s32 s18, $0x7E00;
	v10 =	vmov s0;
	v11 =	vmov s20;
	v12 =	vld [tilespmem:s4+$0x12070];
	v13 =	vadd.s32 v8, v9  }
0x2de: {  	v9 =	vshrl.u32 v11, $0x3;
	v10 =	vmul.u32 $0x440, v10  }
0x2df: {  	v9 =	vshll.u32 v9, $0x3  }
0x2e0: {  	v9 =	vadd.s32 v10, v9  }
0x2e1: {  	v9 =	vbroadcast v9, $0x0  }
0x2e2: {  	s4 =	sshra.s32 s17, $0x2;
	s17 =	smov.u32 s18;
	[tilespmem:v13+s25+$0x0] =	vst.idx.msk $0xffff, v12  }
0x2e3: {  	v10 =	vld [tilespmem:s4+$0x12000];
	v11 =	vadd.s32 v1, v9;
	_ =	sdelay $0x4  }
0x2e4: {  	[tilespmem:v11+s25+$0x0] =	vst.idx.msk $0xffff, v10  }
0x2e5: {  	v11 =	vadd.s32 v2, v9;
	v10 =	vld [tilespmem:s4+$0x12010];
	_ =	sdelay $0x4  }
0x2e6: {  	[tilespmem:v11+s25+$0x0] =	vst.idx.msk $0xffff, v10  }
0x2e7: {  	v11 =	vadd.s32 v3, v9;
	v10 =	vld [tilespmem:s4+$0x12020];
	_ =	sdelay $0x4  }
0x2e8: {  	[tilespmem:v11+s25+$0x0] =	vst.idx.msk $0xffff, v10  }
0x2e9: {  	v11 =	vadd.s32 v4, v9;
	v10 =	vld [tilespmem:s4+$0x12030];
	_ =	sdelay $0x4  }
0x2ea: {  	[tilespmem:v11+s25+$0x0] =	vst.idx.msk $0xffff, v10  }
0x2eb: {  	v11 =	vadd.s32 v5, v9;
	v10 =	vld [tilespmem:s4+$0x12040];
	_ =	sdelay $0x4  }
0x2ec: {  	[tilespmem:v11+s25+$0x0] =	vst.idx.msk $0xffff, v10  }
0x2ed: {  	v11 =	vadd.s32 v6, v9;
	v10 =	vld [tilespmem:s4+$0x12050];
	_ =	sdelay $0x4  }
0x2ee: {  	[tilespmem:v11+s25+$0x0] =	vst.idx.msk $0xffff, v10  }
0x2ef: {  	v11 =	vadd.s32 v7, v9;
	v10 =	vld [tilespmem:s4+$0x12060]  }
.Ltmp20:
0x2f0: {  	(pc) =	sbr.rel @p0 .LBB2_44-.Ltmp20, $3  }
0x2f1: {  	_ =	sdelay $0x1  }
0x2f2: {  	s6 =	sadd.s32 $0x1, s6;
	s7 =	sadd.s32 $0x8, s7  }
0x2f3: {  	s18 =	sadd.s32 $0x200, s18;
	s0 =	sshrl.u32 s6, $0x4;
	s20 =	sand.u32 $0x78, s7;
	[tilespmem:v11+s25+$0x0] =	vst.idx.msk $0xffff, v10  }
0x2f4: {  	v10 =	vmov s0;
	v11 =	vmov s20;
	v12 =	vld [tilespmem:s4+$0x12070];
	v9 =	vadd.s32 v8, v9  }
0x2f5: {  	v11 =	vshrl.u32 v11, $0x3;
	v10 =	vmul.u32 $0x440, v10  }
0x2f6: {  	v11 =	vshll.u32 v11, $0x3  }
0x2f7: {  	v10 =	vadd.s32 v10, v11  }
0x2f8: {  	v10 =	vbroadcast v10, $0x0  }
0x2f9: {  	s20 =	sshra.s32 s17, $0x2;
	[tilespmem:v9+s25+$0x0] =	vst.idx.msk $0xffff, v12  }
0x2fa: {  	v9 =	vld [tilespmem:s20+$0x12000];
	v11 =	vadd.s32 v1, v10;
	_ =	sdelay $0x4  }
0x2fb: {  	[tilespmem:v11+s25+$0x0] =	vst.idx.msk $0xffff, v9  }
0x2fc: {  	v11 =	vadd.s32 v2, v10;
	v9 =	vld [tilespmem:s20+$0x12010];
	_ =	sdelay $0x4  }
0x2fd: {  	[tilespmem:v11+s25+$0x0] =	vst.idx.msk $0xffff, v9  }
0x2fe: {  	v11 =	vadd.s32 v3, v10;
	v9 =	vld [tilespmem:s20+$0x12020];
	_ =	sdelay $0x4  }
0x2ff: {  	[tilespmem:v11+s25+$0x0] =	vst.idx.msk $0xffff, v9  }
0x300: {  	v11 =	vadd.s32 v4, v10;
	v9 =	vld [tilespmem:s20+$0x12030];
	_ =	sdelay $0x4  }
0x301: {  	[tilespmem:v11+s25+$0x0] =	vst.idx.msk $0xffff, v9  }
0x302: {  	v11 =	vadd.s32 v5, v10;
	v9 =	vld [tilespmem:s20+$0x12040];
	_ =	sdelay $0x4  }
0x303: {  	[tilespmem:v11+s25+$0x0] =	vst.idx.msk $0xffff, v9  }
0x304: {  	v11 =	vadd.s32 v6, v10;
	v9 =	vld [tilespmem:s20+$0x12050];
	_ =	sdelay $0x4  }
0x305: {  	[tilespmem:v11+s25+$0x0] =	vst.idx.msk $0xffff, v9  }
0x306: {  	v11 =	vadd.s32 v7, v10;
	v9 =	vld [tilespmem:s20+$0x12060];
	_ =	sdelay $0x4  }
0x307: {  	[tilespmem:v11+s25+$0x0] =	vst.idx.msk $0xffff, v9  }
0x308: {  	v10 =	vadd.s32 v8, v10;
	v9 =	vld [tilespmem:s20+$0x12070];
	_ =	sdelay $0x3  }
0x309: {  	s4 =	sadd.s32 s16, s13;
	s6 =	simm.s32 $0x16000  }
0x30a: {  	s7 =	simm.s32 $0x10;
	s17 =	simm.s32 $0x16088;
	s0 =	sadd.s32 $0x0, s4;
	[tilespmem:v10+s25+$0x0] =	vst.idx.msk $0xffff, v9  }
.LBB2_46:
0x30b: {  	[hbm4b:s0+s2] =	stream.linear.scatter [tilespmem:s6], [sflag:$0x3], $0x80, $0x38;
	[tilespmem:$0x1B500] =	vst v63  }
0x30c: {  	s0 =	smov.u32 s7;
	s6 =	smov.u32 s17;
	p0 =	sne.s32 s7, $0x1F0  }
.Ltmp21:
0x30d: {  	s7 =	sadd.s32 $0x10, s7;
	(pc) =	sbr.rel @p0 .LBB2_46-.Ltmp21, $2  }
0x30e: {  	_ =	sdelay $0x2  }
0x30f: {  	s17 =	sadd.s32 $0x88, s17;
	s0 =	sadd.s32 s0, s4  }
0x310: {  	[hbm4b:s0+s2] =	stream.linear.scatter [tilespmem:s6], [sflag:$0x3], $0x80, $0x38;
	[tilespmem:$0x1B500] =	vst v63  }
0x311: {  	s6 =	sadd.s32 $0x4000, s4;
	s4 =	simm.s32 $0x17540  }
0x312: {  	s7 =	simm.s32 $0x10;
	s17 =	simm.s32 $0x175C8;
	s18 =	sadd.s32 $0x0, s6  }
.LBB2_48:
0x313: {  	[hbm4b:s18+s2] =	stream.linear.scatter [tilespmem:s4], [sflag:$0x3], $0x80, $0x38;
	[tilespmem:$0x1B500] =	vst v63  }
0x314: {  	s0 =	smov.u32 s7;
	s4 =	smov.u32 s17;
	p0 =	sne.s32 s7, $0x1F0  }
.Ltmp22:
0x315: {  	s7 =	sadd.s32 $0x10, s7;
	(pc) =	sbr.rel @p0 .LBB2_48-.Ltmp22, $2  }
0x316: {  	_ =	sdelay $0x2  }
0x317: {  	s17 =	sadd.s32 $0x88, s17;
	s18 =	sadd.s32 s0, s6  }
0x318: {  	s0 =	simm.s32 $0x0  }
0x319: {  	s6 =	simm.s32 $0x0;
	s0 =	sand.u32 $0x78, s0  }
0x31a: {  	v9 =	vmov s6;
	v10 =	vmov s0  }
0x31b: {  	v9 =	vmul.u32 $0x440, v9;
	v10 =	vshrl.u32 v10, $0x3  }
0x31c: {  	[hbm4b:s18+s2] =	stream.linear.scatter [tilespmem:s4], [sflag:$0x3], $0x80, $0x38;
	v10 =	vshll.u32 v10, $0x3;
	[tilespmem:$0x1B500] =	vst v63  }
0x31d: {  	_ =	swait.ge [sflag:s29], $0x2000;
	v9 =	vadd.s32 v9, v10  }
0x31e: {  	[sflag:s29] =	ssyncset.done $0x0;
	v9 =	vbroadcast v9, $0x0  }
0x31f: {  	s4 =	simm.s32 $0x0;
	[sflag:s29] =	ssyncadd.s32 $0xFFFFE000  }
0x320: {  	v10 =	vld [tilespmem:s4+$0x14000];
	v11 =	vadd.s32 v1, v9;
	_ =	sdelay $0x4  }
0x321: {  	[tilespmem:v11+s26+$0x0] =	vst.idx.msk $0xffff, v10  }
0x322: {  	v11 =	vadd.s32 v2, v9;
	v10 =	vld [tilespmem:s4+$0x14010];
	_ =	sdelay $0x4  }
0x323: {  	[tilespmem:v11+s26+$0x0] =	vst.idx.msk $0xffff, v10  }
0x324: {  	v11 =	vadd.s32 v3, v9;
	v10 =	vld [tilespmem:s4+$0x14020];
	_ =	sdelay $0x4  }
0x325: {  	[tilespmem:v11+s26+$0x0] =	vst.idx.msk $0xffff, v10  }
0x326: {  	v11 =	vadd.s32 v4, v9;
	v10 =	vld [tilespmem:s4+$0x14030];
	_ =	sdelay $0x4  }
0x327: {  	[tilespmem:v11+s26+$0x0] =	vst.idx.msk $0xffff, v10  }
0x328: {  	v11 =	vadd.s32 v5, v9;
	v10 =	vld [tilespmem:s4+$0x14040];
	_ =	sdelay $0x4  }
0x329: {  	[tilespmem:v11+s26+$0x0] =	vst.idx.msk $0xffff, v10  }
0x32a: {  	v11 =	vadd.s32 v6, v9;
	v10 =	vld [tilespmem:s4+$0x14050];
	_ =	sdelay $0x4  }
0x32b: {  	[tilespmem:v11+s26+$0x0] =	vst.idx.msk $0xffff, v10  }
0x32c: {  	v11 =	vadd.s32 v7, v9;
	v10 =	vld [tilespmem:s4+$0x14060];
	_ =	sdelay $0x3  }
0x32d: {  	s17 =	simm.s32 $0x200;
	s7 =	simm.s32 $0x8;
	s18 =	simm.s32 $0x400  }
0x32e: {  	s6 =	simm.s32 $0x1;
	s20 =	sand.u32 $0x78, s7;
	s0 =	simm.s32 $0x0;
	[tilespmem:v11+s26+$0x0] =	vst.idx.msk $0xffff, v10  }
.LBB2_50:
0x32f: {  	p0 =	sne.s32 s18, $0x7E00;
	v10 =	vmov s0;
	v11 =	vmov s20;
	v12 =	vld [tilespmem:s4+$0x14070];
	v13 =	vadd.s32 v8, v9  }
0x330: {  	v9 =	vshrl.u32 v11, $0x3;
	v10 =	vmul.u32 $0x440, v10  }
0x331: {  	v9 =	vshll.u32 v9, $0x3  }
0x332: {  	v9 =	vadd.s32 v10, v9  }
0x333: {  	v9 =	vbroadcast v9, $0x0  }
0x334: {  	s4 =	sshra.s32 s17, $0x2;
	s17 =	smov.u32 s18;
	[tilespmem:v13+s26+$0x0] =	vst.idx.msk $0xffff, v12  }
0x335: {  	v10 =	vld [tilespmem:s4+$0x14000];
	v11 =	vadd.s32 v1, v9;
	_ =	sdelay $0x4  }
0x336: {  	[tilespmem:v11+s26+$0x0] =	vst.idx.msk $0xffff, v10  }
0x337: {  	v11 =	vadd.s32 v2, v9;
	v10 =	vld [tilespmem:s4+$0x14010];
	_ =	sdelay $0x4  }
0x338: {  	[tilespmem:v11+s26+$0x0] =	vst.idx.msk $0xffff, v10  }
0x339: {  	v11 =	vadd.s32 v3, v9;
	v10 =	vld [tilespmem:s4+$0x14020];
	_ =	sdelay $0x4  }
0x33a: {  	[tilespmem:v11+s26+$0x0] =	vst.idx.msk $0xffff, v10  }
0x33b: {  	v11 =	vadd.s32 v4, v9;
	v10 =	vld [tilespmem:s4+$0x14030];
	_ =	sdelay $0x4  }
0x33c: {  	[tilespmem:v11+s26+$0x0] =	vst.idx.msk $0xffff, v10  }
0x33d: {  	v11 =	vadd.s32 v5, v9;
	v10 =	vld [tilespmem:s4+$0x14040];
	_ =	sdelay $0x4  }
0x33e: {  	[tilespmem:v11+s26+$0x0] =	vst.idx.msk $0xffff, v10  }
0x33f: {  	v11 =	vadd.s32 v6, v9;
	v10 =	vld [tilespmem:s4+$0x14050];
	_ =	sdelay $0x4  }
0x340: {  	[tilespmem:v11+s26+$0x0] =	vst.idx.msk $0xffff, v10  }
0x341: {  	v11 =	vadd.s32 v7, v9;
	v10 =	vld [tilespmem:s4+$0x14060]  }
.Ltmp23:
0x342: {  	(pc) =	sbr.rel @p0 .LBB2_50-.Ltmp23, $3  }
0x343: {  	_ =	sdelay $0x1  }
0x344: {  	s6 =	sadd.s32 $0x1, s6;
	s7 =	sadd.s32 $0x8, s7  }
0x345: {  	s18 =	sadd.s32 $0x200, s18;
	s0 =	sshrl.u32 s6, $0x4;
	s20 =	sand.u32 $0x78, s7;
	[tilespmem:v11+s26+$0x0] =	vst.idx.msk $0xffff, v10  }
0x346: {  	v10 =	vmov s0;
	v11 =	vmov s20;
	v12 =	vld [tilespmem:s4+$0x14070];
	v9 =	vadd.s32 v8, v9  }
0x347: {  	v11 =	vshrl.u32 v11, $0x3;
	v10 =	vmul.u32 $0x440, v10  }
0x348: {  	v11 =	vshll.u32 v11, $0x3  }
0x349: {  	v10 =	vadd.s32 v10, v11  }
0x34a: {  	v10 =	vbroadcast v10, $0x0  }
0x34b: {  	s20 =	sshra.s32 s17, $0x2;
	[tilespmem:v9+s26+$0x0] =	vst.idx.msk $0xffff, v12  }
0x34c: {  	v9 =	vld [tilespmem:s20+$0x14000];
	v11 =	vadd.s32 v1, v10;
	_ =	sdelay $0x4  }
0x34d: {  	[tilespmem:v11+s26+$0x0] =	vst.idx.msk $0xffff, v9  }
0x34e: {  	v11 =	vadd.s32 v2, v10;
	v9 =	vld [tilespmem:s20+$0x14010];
	_ =	sdelay $0x4  }
0x34f: {  	[tilespmem:v11+s26+$0x0] =	vst.idx.msk $0xffff, v9  }
0x350: {  	v11 =	vadd.s32 v3, v10;
	v9 =	vld [tilespmem:s20+$0x14020];
	_ =	sdelay $0x4  }
0x351: {  	[tilespmem:v11+s26+$0x0] =	vst.idx.msk $0xffff, v9  }
0x352: {  	v11 =	vadd.s32 v4, v10;
	v9 =	vld [tilespmem:s20+$0x14030];
	_ =	sdelay $0x4  }
0x353: {  	[tilespmem:v11+s26+$0x0] =	vst.idx.msk $0xffff, v9  }
0x354: {  	v11 =	vadd.s32 v5, v10;
	v9 =	vld [tilespmem:s20+$0x14040];
	_ =	sdelay $0x4  }
0x355: {  	[tilespmem:v11+s26+$0x0] =	vst.idx.msk $0xffff, v9  }
0x356: {  	v11 =	vadd.s32 v6, v10;
	v9 =	vld [tilespmem:s20+$0x14050];
	_ =	sdelay $0x4  }
0x357: {  	[tilespmem:v11+s26+$0x0] =	vst.idx.msk $0xffff, v9  }
0x358: {  	v11 =	vadd.s32 v7, v10;
	v9 =	vld [tilespmem:s20+$0x14060];
	_ =	sdelay $0x4  }
0x359: {  	[tilespmem:v11+s26+$0x0] =	vst.idx.msk $0xffff, v9  }
0x35a: {  	v10 =	vadd.s32 v8, v10;
	v9 =	vld [tilespmem:s20+$0x14070];
	_ =	sdelay $0x3  }
0x35b: {  	s4 =	sadd.s32 s16, s14;
	s6 =	simm.s32 $0x18A80  }
0x35c: {  	s7 =	simm.s32 $0x10;
	s16 =	simm.s32 $0x18B08;
	s0 =	sadd.s32 $0x0, s4;
	[tilespmem:v10+s26+$0x0] =	vst.idx.msk $0xffff, v9  }
.LBB2_52:
0x35d: {  	[hbm4b:s0+s2] =	stream.linear.scatter [tilespmem:s6], [sflag:$0x4], $0x80, $0x38;
	[tilespmem:$0x1B500] =	vst v63  }
0x35e: {  	s0 =	smov.u32 s7;
	s6 =	smov.u32 s16;
	p0 =	sne.s32 s7, $0x1F0  }
.Ltmp24:
0x35f: {  	s7 =	sadd.s32 $0x10, s7;
	(pc) =	sbr.rel @p0 .LBB2_52-.Ltmp24, $2  }
0x360: {  	_ =	sdelay $0x2  }
0x361: {  	s16 =	sadd.s32 $0x88, s16;
	s0 =	sadd.s32 s0, s4  }
0x362: {  	[hbm4b:s0+s2] =	stream.linear.scatter [tilespmem:s6], [sflag:$0x4], $0x80, $0x38;
	[tilespmem:$0x1B500] =	vst v63  }
0x363: {  	s4 =	sadd.s32 $0x4000, s4;
	s6 =	simm.s32 $0x19FC0  }
0x364: {  	s7 =	simm.s32 $0x10;
	s16 =	simm.s32 $0x1A048;
	s0 =	sadd.s32 $0x0, s4  }
.LBB2_54:
0x365: {  	[hbm4b:s0+s2] =	stream.linear.scatter [tilespmem:s6], [sflag:$0x4], $0x80, $0x38;
	[tilespmem:$0x1B500] =	vst v63  }
0x366: {  	s0 =	smov.u32 s7;
	s6 =	smov.u32 s16;
	p0 =	sne.s32 s7, $0x1F0  }
.Ltmp25:
0x367: {  	s7 =	sadd.s32 $0x10, s7;
	(pc) =	sbr.rel @p0 .LBB2_54-.Ltmp25, $2  }
0x368: {  	_ =	sdelay $0x2  }
0x369: {  	s16 =	sadd.s32 $0x88, s16;
	s0 =	sadd.s32 s0, s4  }
0x36a: {  	[hbm4b:s0+s2] =	stream.linear.scatter [tilespmem:s6], [sflag:$0x4], $0x80, $0x38;
	[tilespmem:$0x1B500] =	vst v63  }
0x36b: {  	s31 =	sadd.s32 $0x1, s31  }
0x36c: {  	_ =	swait.ge [sflag:s28], $0x2000;
	p0 =	sne.s32 s31, $0x5  }
.Ltmp26:
0x36d: {  	[sflag:s28] =	ssyncset.done $0x0;
	(pc) =	sbr.rel @p0 .LBB2_3-.Ltmp26, $4  }
0x36e: {  	[sflag:s28] =	ssyncadd.s32 $0xFFFFE000  }
0x36f: {  	_ =	swait.ge [sflag:s29], $0x2000  }
0x370: {  	[sflag:s29] =	ssyncset.done $0x0  }
0x371: {  	[sflag:s29] =	ssyncadd.s32 $0xFFFFE000  }
0x372: {  	s7 =	rddreg [dreg:$0x8]  }
0x373: {  	s7 =	sadd.s32 $0x1, s7  }
0x374: {  	p0 =	sne.s32 s7, $0x5  }
.Ltmp27:
0x375: {  	_ = 	snop;
	(pc) =	sbr.rel @p0 .LBB2_2-.Ltmp27, $1  }
0x376: {  	_ =	sdelay $0x3  }
0x377: {  	s3 =	rddreg [dreg:$0x7]  }
0x378: {  	s0 =	rddreg [dreg:$0x6];
	s3 =	sadd.s32 $0x1, s3  }
0x379: {  	p0 =	sne.s32 s3, s0  }
.Ltmp28:
0x37a: {  	_ = 	snop;
	(pc) =	sbr.rel @p0 .LBB2_1-.Ltmp28, $1  }
0x37b: {  	_ =	sdelay $0x3  }
0x37c: {  	_ =	sfence.sel $0x180000  }
0x37d: {  	[bflag:$0x0] =	sbarrier.arrive $0xFFFF  }
0x37e: {  	_ =	strace $0x9000004A  }
0x37f: {  	s0 =	stileid.u32;
	[bflag:$0x2] =	sbarrier.arrive $0xFFFF  }
0x380: {  	p0 =	sne.s32 s0, $0x0;
	s0 =	rddreg [dreg:$0x2]  }
0x381: {  	s0 =	sadd.s32 @!p0 $0x100000, s0  }
0x382: {  	[sflag:s0] =	ssyncadd.tile.s32 @!p0 $0x1;
	_ =	shalt  }
.Lfunc_end2:
_tile_overlayer_lowered:
.L_overlay_start_2:
0x383: {  	(tag) =	ssettag $0x2  }
0x384: {  	s0 =	rddreg [dreg:$0x0];
	s2 =	stileid.u32  }
0x385: {  	s1 =	rddreg [dreg:$0x1];
	p0 =	sne.s32 s2, $0x0  }
0x386: {  	s3 =	rddreg [dreg:$0x2];
	[bflag:$0x3] =	sbarrier.arrive $0xFFFF;
	s2 =	simm.s32 @!p0 $0x1C05  }
0x387: {  	[timem:s3], [sflag:s2] =	dma.local @!p0 [hbm:s0], s1  }
0x388: {  	s0 =	simm.s32 @!p0 $0x5  }
0x389: {  	_ =	swait.ge @!p0 [sflag:s0], s1  }
0x38a: {  	s1 =	ssub.s32 @!p0 $0x0, s1;
	[sflag:s0] =	ssyncset.done @!p0 $0x0  }
0x38b: {  	[sflag:s0] =	ssyncadd.s32 @!p0 s1  }
0x38c: {  	[bflag:$0x3] =	sbarrier.arrive $0xFFFF  }
0x38d: {  	_ =	shalt  }

// kernel: sparse-core-data-format-call.cloned.1.call-start
scs
called_computation_lowered:
.L_overlay_start_0:
0x0: {  	s2 =	sld [smem:$0x3FD9]  }
0x1: {  	s3 =	sld [smem:$0x3FFE];
	_ =	sdelay $0x1  }
0x2: {  	s1 =	srdreg.scid  }
0x3: {  	s0 =	sand.u32 $0x1, s1  }
0x4: {  	s18 =	sshll.u32 s0, $0xA;
	s2 =	sadd.s32 s3, s2  }
0x5: {  	s2 =	sadd.s32 s2, s18  }
0x6: {  	[smem:$0x3FC6] =	sst s2  }
0x7: {  	_ = 	snop  }
0x8: {  	s2 =	sld [smem:$0x3FD0];
	(tm) =	ssettm $0x1  }
0x9: {  	s19 =	sld [smem:$0x3FFB];
	_ =	sdelay $0x3  }
0xa: {  	_ =	strace s19  }
0xb: {  	s3 =	sld [smem:$0x3FFC];
	_ =	sdelay $0x3  }
0xc: {  	_ =	strace s3  }
0xd: {  	s3 =	sld [smem:$0x3FFD];
	_ =	sdelay $0x3  }
0xe: {  	_ =	strace s3  }
0xf: {  	_ =	strace $0x8FFFFFFF  }
0x10: {  	s20 =	sld [smem:$0x3FDB];
	_ =	sdelay $0x1  }
0x11: {  	s4 =	simm.s32 $_scs_section_size  }
0x12: {  	s5 =	simm.s32 $_size__tile_overlayer_lowered;
	s6 =	simm.s32 $_tile_overlayer_lowered  }
0x13: {  	s23 =	simm.s32 $0x1BFF;
	s22 =	sshll.u32 s6, $0x1;
	s3 =	sadd.s32 s4, s20  }
0x14: {  	s7 =	simm.s32 $0x0;
	s21 =	sshll.u32 s5, $0x1;
	s5 =	sadd.s32 s22, s3  }
0x15: {  	[timem:s7], [sflag:s23] =	dma.local [hbm:s5], s21  }
0x16: {  	_ =	swait.ge [sflag:s23], s21  }
0x17: {  	s4 =	ssub.s32 $0x0, s21;
	[sflag:s23] =	ssyncset.done $0x0  }
0x18: {  	[sflag:s23] =	ssyncadd.s32 s4;
	_ =	sdelay $0x1  }
0x19: {  	s24 =	simm.s32 $0x1B8B  }
0x1a: {  	_ =	swait.ge [sflag:s24], $0x1  }
0x1b: {  	[sflag:s24] =	ssyncset.done $0x0  }
0x1c: {  	s26 =	simm.s32 $0x1B8E;
	s25 =	sld [smem:$0x3FFE];
	[sflag:s24] =	ssyncadd.s32 $0xFFFFFFFF  }
0x1d: {  	s27 =	simm.s32 $execute0_lowered;
	[smem:$0x3FD2] =	sst s26  }
0x1e: {  	s5 =	sshll.u32 s27, $0x1;
	_ =	strace $0x80000046;
	[dreg:$0x1] =	wrdreg $0xFFFFFFFF  }
0x1f: {  	s28 =	simm.s32 $_size_execute0_lowered;
	s3 =	sadd.s32 s3, s5;
	[dreg:$0x0] =	wrdreg $0x0  }
0x20: {  	s5 =	sshll.u32 s28, $0x1;
	[dreg:$0x2] =	wrdreg s3  }
0x21: {  	[dreg:$0x3] =	wrdreg s5  }
0x22: {  	[dreg:$0x4] =	wrdreg $0xC0  }
0x23: {  	_ =	task [dreg:s7], $0x5FFFF  }
0x24: {  	[dreg:$0x1] =	wrdreg $0xFFFFFFFF  }
0x25: {  	[dreg:$0x0] =	wrdreg $0x60  }
0x26: {  	[dreg:$0x2] =	wrdreg s25  }
0x27: {  	[dreg:$0x3] =	wrdreg s2  }
0x28: {  	[dreg:$0x4] =	wrdreg $0x9  }
0x29: {  	_ =	task.clear_ibuf [dreg:s7], $0x5FFFF;
	_ =	strace $0x90000046  }
0x2a: {  	s29 =	simm.s32 $0x9;
	_ =	strace $0x80000048  }
0x2b: {  	_ =	swait.ge [sflag:s29], $0x1  }
0x2c: {  	[sflag:s29] =	ssyncadd.s32 $0xFFFFFFFF  }
0x2d: {  	_ =	strace $0x90000048  }
0x2e: {  	_ =	sfence  }
0x2f: {  	s30 =	sld [smem:$0x0];
	_ =	sdelay $0x2  }
0x30: {  	s31 =	sshll.u32 s1, $0xD;
	s1 =	sshrl.u32 s1, $0x2  }
0x31: {  	s3 =	sand.u32 $0x4000, s31;
	s1 =	sadd.s32 s1, s30  }
0x32: {  	s0 =	sor.u32 s3, s0;
	s1 =	sshll.u32 s1, $0x11  }
0x33: {  	s0 =	sor.u32 s1, s0  }
0x34: {  	s0 =	sadd.s32 $0x8F2B, s0  }
0x35: {  	[sflag:s0] =	ssyncadd.remote.s32 $0x1  }
0x36: {  	_ =	sfence.sel $0xFFFF  }
0x37: {  	[dreg:$0x0] =	wrdreg $0xFFFFFFFF;
	(pc) =	sbr.abs _section_cstart, $3  }
0x38: {  	[dreg:$0x1] =	wrdreg $0xFFFFFFFF  }
0x39: {  	_ =	task.clear_ibuf [dreg:s7], $0x2FFFF;
	_ =	strace $0x9FFFFFFF  }
0x3a: {  	(tm) =	ssettm $0x7FFFFFFF  }
0x3b: {  	_ =	shalt  }
tec
execute0_lowered:
.L_overlay_start_1:
0x0: {  	(tag) =	ssettag $0x1  }
0x1: {  	s0 =	srdreg.scid;
	s5 =	rddreg [dreg:$0x0]  }
0x2: {  	s2 =	rddreg [dreg:$0x1];
	s1 =	stileid.u32  }
0x3: {  	s4 =	simm.s32 $0x1;
	s6 =	simm.s32 $0x2;
	s0 =	sshll.u32 s0, $0x4  }
0x4: {  	s8 =	simm.s32 $0x0;
	s9 =	simm.s32 $0x0;
	s3 =	sand.u32 $0x10, s0  }
.Ltmp0:
0x5: {  	s13 =	simm.s32 $0x0;
	s3 =	sor.u32 s1, s3;
	(pc) =	sbr.rel .LBB1_1-.Ltmp0, $4  }
0x6: {  	s0 =	rddreg [dreg:$0x2];
	_ =	strace $0x80000047;
	s3 =	sshll.u32 s3, $0x4  }
0x7: {  	s10 =	simm.s32 $0x0;
	[sflag:s4] =	ssyncpa.u1 $0x0;
	s7 =	ssub.s32 $0x3D00, s3  }
0x8: {  	s12 =	simm.s32 $0x0;
	[sflag:s6] =	ssyncpa.u1 $0x0;
	s6 =	sshrl.u32 s7, $0x9  }
0x9: {  	s5 =	sadd.s32 $0xA00, s5;
	s11 =	smov.u32 s3;
	s7 =	sadd.s32 $0x2, s6  }
.LBB1_7:
0xa: {  	s15 =	sshll.u32 s12, $0xF  }
0xb: {  	s15 =	sand.u32 $0x8000, s15  }
0xc: {  	s16 =	sshll.u32 s10, $0x7;
	s15 =	sshrl.u32 s15, $0x1  }
0xd: {  	s16 =	sadd.s32 s2, s16;
	s15 =	sor.u32 $0x8000, s15  }
0xe: {  	[hbm4b:s16+s8] =	stream.linear.scatter [tilespmem:s15], [sflag:$0x2], s14, $0x38;
	[tilespmem:$0x10000] =	vst v63  }
.LBB1_8:
0xf: {  	p0 =	slt.u32 s12, $0x2  }
0x10: {  	p1 =	sgt.s32 @!p0 s13, $0x3CF9  }
0x11: {  	s14 =	smov.u32 s13;
	s15 =	sshra.s32 @!p0 s13, $0x1F;
	p1 =	por !p1, p0  }
0x12: {  	s13 =	sand.u32 @!p0 s15, s13;
	s14 =	simm.s32 @p1 $0x3CF9  }
0x13: {  	s13 =	ssub.s32 @!p0 s14, s13  }
0x14: {  	s13 =	sadd.s32 @!p0 $0xFFFFC307, s13  }
0x15: {  	s14 =	sshll.u32 @!p0 s13, $0xC  }
0x16: {  	p1 =	sgt.s32 @!p0 s13, $0xF;
	s13 =	ssub.s32 @!p0 $0x10000, s14  }
0x17: {  	s15 =	sadd.s32 $0x200, s11;
	p1 =	por !p1, p0;
	s13 =	sshrl.u32 @!p0 s13, $0x2  }
0x18: {  	s13 =	simm.s32 @!p1 $0x0;
	p1 =	sgt.s32 s15, $0x3D08  }
0x19: {  	s15 =	smov.u32 @p1 s3;
	p1 =	sne.s32 s12, s7  }
.Ltmp1:
0x1a: {  	_ = 	snop;
	(pc) =	sbr.rel @!p1 .LBB1_9-.Ltmp1, $4  }
0x1b: {  	s14 =	simm.s32 @!p0 $0x2  }
0x1c: {  	s9 =	sadd.s32 $0x8000, s9;
	_ =	swait.ge @!p0 [sflag:s14], s13;
	s16 =	ssub.s32 @!p0 $0x0, s13  }
0x1d: {  	s13 =	smov.u32 s10;
	s12 =	sadd.s32 $0x1, s12;
	[sflag:s14] =	ssyncset.done @!p0 $0x0  }
0x1e: {  	s10 =	smov.u32 s11;
	s11 =	smov.u32 s15;
	[sflag:s14] =	ssyncadd.s32 @!p0 s16  }
.LBB1_1:
0x1f: {  	p0 =	sgt.u32 s12, s6  }
0x20: {  	p1 =	sgt.s32 @!p0 s11, $0x3CF9  }
0x21: {  	s14 =	smov.u32 s11;
	s15 =	sshra.s32 @!p0 s11, $0x1F;
	p1 =	por !p1, p0  }
0x22: {  	s15 =	sand.u32 @!p0 s15, s11;
	s14 =	simm.s32 @p1 $0x3CF9  }
0x23: {  	s14 =	ssub.s32 @!p0 s14, s15  }
0x24: {  	s14 =	sadd.s32 @!p0 $0xFFFFC307, s14  }
0x25: {  	s16 =	sshll.u32 @!p0 s11, $0x7;
	s17 =	simm.s32 @!p0 $0x0;
	s15 =	sshll.u32 @!p0 s14, $0xC  }
0x26: {  	p1 =	sgt.s32 @!p0 s14, $0xF;
	s14 =	ssub.s32 @!p0 $0x10000, s15;
	s15 =	sxor.u32 @!p0 $0xFFFFFFFF, s12  }
0x27: {  	p1 =	por !p1, p0;
	s14 =	sshrl.u32 @!p0 s14, $0x2;
	s15 =	sshll.u32 @!p0 s15, $0xE  }
0x28: {  	s16 =	sadd.s32 @!p0 s5, s16;
	s14 =	simm.s32 @!p1 $0x0;
	s15 =	sand.u32 @!p0 $0x4000, s15  }
0x29: {  	[tilespmem:s15], [sflag:$0x1] =	stream.linear.gather @!p0 [hbm4b:s16+s17], s14, $0x38;
	[tilespmem:$0x10000] =	vst v63  }
0x2a: {  	p0 =	seq.s32 s12, $0x0  }
0x2b: {  	p1 =	sge.u32 @!p0 s12, s7  }
0x2c: {  	p0 =	por p0, p1  }
.Ltmp2:
0x2d: {  	_ = 	snop;
	(pc) =	sbr.rel @p0 .LBB1_8-.Ltmp2, $1  }
0x2e: {  	_ =	sdelay $0x3  }
0x2f: {  	p0 =	sgt.s32 s10, $0x3CF9;
	s14 =	smov.u32 s10;
	s15 =	sshra.s32 s10, $0x1F  }
0x30: {  	s14 =	simm.s32 @!p0 $0x3CF9;
	s15 =	sand.u32 s15, s10  }
0x31: {  	s14 =	ssub.s32 s14, s15  }
0x32: {  	s16 =	sadd.s32 $0x10, s10;
	s14 =	sadd.s32 $0xFFFFC307, s14  }
0x33: {  	p1 =	slt.s32 s16, $0x3D09;
	s30 =	sshll.u32 s14, $0xC  }
0x34: {  	s16 =	simm.s32 @!p1 $0x3D09;
	s15 =	ssub.s32 $0x10000, s30  }
0x35: {  	p0 =	sgt.s32 s14, $0xF;
	s14 =	sshrl.u32 s15, $0x2;
	s15 =	ssub.s32 s16, s10  }
0x36: {  	s14 =	simm.s32 @p0 $0x0;
	p0 =	slt.s32 s15, $0x1  }
.Ltmp3:
0x37: {  	_ = 	snop;
	(pc) =	sbr.rel @p0 .LBB1_7-.Ltmp3, $4  }
0x38: {  	_ = 	snop  }
0x39: {  	_ =	swait.ge [sflag:s4], s14  }
0x3a: {  	s31 =	ssub.s32 $0x0, s14;
	[sflag:s4] =	ssyncset.done $0x0  }
0x3b: {  	[sflag:s4] =	ssyncadd.s32 s31  }
0x3c: {  	s16 =	sshrl.u32 s9, $0x1  }
0x3d: {  	s17 =	sand.u32 $0x4000, s16  }
0x3e: {  	s18 =	simm.s32 $0x0;
	s16 =	sor.u32 $0x200, s17;
	s17 =	sor.u32 $0x8080, s17  }
.LBB1_4:
0x3f: {  	v0 =	vld [tilespmem:s16+$0xFFFFFE70]  }
0x40: {  	v1 =	vld [tilespmem:s16+$0x70]  }
0x41: {  	v2 =	vld [tilespmem:s16+$0x0]  }
0x42: {  	v3 =	vld [tilespmem:s16+$0xFFFFFE10]  }
0x43: {  	v4 =	vld [tilespmem:s16+$0x10]  }
0x44: {  	v5 =	vld [tilespmem:s16+$0xFFFFFE20]  }
0x45: {  	v7 =	vld [tilespmem:s16+$0x20]  }
0x46: {  	v11 =	vld [tilespmem:s16+$0x30];
	v6 =	vunpack.i.l.s16.s32 v0;
	v8 =	vunpack.i.u.s16.s32 v0;
	v9 =	vunpack.i.u.s16.s32 v1  }
0x47: {  	v10 =	vunpack.i.l.s16.s32 v1;
	v0 =	vunpack.i.u.s16.s32 v2;
	v1 =	vunpack.i.l.s16.s32 v2;
	v2 =	vld [tilespmem:s16+$0xFFFFFE30]  }
0x48: {  	v8 =	vpack.i.b32.b16 v9, v8;
	v9 =	vunpack.i.u.s16.s32 v3;
	v3 =	vunpack.i.l.s16.s32 v3  }
0x49: {  	v12 =	vld [tilespmem:s16+$0xFFFFFE40];
	v6 =	vpack.i.b32.b16 v10, v6;
	[tilespmem:s17+$0x70] =	vst v8;
	v8 =	vunpack.i.u.s16.s32 v4;
	v4 =	vunpack.i.l.s16.s32 v4  }
0x4a: {  	v13 =	vld [tilespmem:s16+$0x40];
	v10 =	vunpack.i.u.s16.s32 v5;
	v5 =	vunpack.i.l.s16.s32 v5;
	[tilespmem:s17+$0xFFFFFFF0] =	vst v6;
	v3 =	vpack.i.b32.b16 v4, v3  }
0x4b: {  	v6 =	vunpack.i.l.s16.s32 v7;
	v4 =	vld [tilespmem:s16+$0xFFFFFE50];
	[tilespmem:s17+$0xFFFFFF90] =	vst v3;
	v3 =	vpack.i.b32.b16 v8, v9;
	v8 =	vunpack.i.u.s16.s32 v7  }
0x4c: {  	v7 =	vunpack.i.l.s16.s32 v11;
	[tilespmem:s17+$0x10] =	vst v3;
	v3 =	vpack.i.b32.b16 v6, v5;
	v9 =	vunpack.i.u.s16.s32 v2;
	v6 =	vld [tilespmem:s16+$0x50]  }
0x4d: {  	v5 =	vunpack.i.l.s16.s32 v2;
	v2 =	vld [tilespmem:s16+$0xFFFFFE60];
	[tilespmem:s17+$0xFFFFFFA0] =	vst v3;
	v3 =	vpack.i.b32.b16 v8, v10;
	v10 =	vunpack.i.u.s16.s32 v11  }
0x4e: {  	s21 =	simm.s32 $0x0;
	v11 =	vpack.i.b32.b16 v7, v5;
	v7 =	vunpack.i.u.s16.s32 v12;
	v8 =	vunpack.i.l.s16.s32 v12;
	[tilespmem:s17+$0x20] =	vst v3;
	v3 =	vld [tilespmem:s16+$0x60]  }
0x4f: {  	s22 =	sadd.s32 $0x80, s16;
	s20 =	smov.u32 s17;
	s19 =	smov.u32 s17;
	v5 =	vld [tilespmem:s16+$0xFFFFFE00];
	[tilespmem:s17+$0xFFFFFFB0] =	vst v11;
	v10 =	vpack.i.b32.b16 v10, v9;
	v9 =	vunpack.i.u.s16.s32 v13;
	v11 =	vunpack.i.l.s16.s32 v13  }
.LBB1_5:
0x50: {  	v12 =	vld [tilespmem:s22+$0xFFFFFE70];
	[tilespmem:s20+$0x30] =	vst v10;
	v8 =	vpack.i.b32.b16 v11, v8;
	v10 =	vunpack.i.u.s16.s32 v4;
	v4 =	vunpack.i.l.s16.s32 v4  }
0x51: {  	s21 =	sadd.s32 $0x2, s21;
	v7 =	vpack.i.b32.b16 v9, v7;
	v11 =	vld [tilespmem:s22+$0x70];
	[tilespmem:s20+$0xFFFFFFC0] =	vst v8;
	v8 =	vunpack.i.u.s16.s32 v6;
	v6 =	vunpack.i.l.s16.s32 v6  }
0x52: {  	p0 =	slt.u32 s21, $0x6;
	v9 =	vld [tilespmem:s22+$0x0];
	[tilespmem:s20+$0x40] =	vst v7;
	v4 =	vpack.i.b32.b16 v6, v4;
	v6 =	vunpack.i.u.s16.s32 v2;
	v2 =	vunpack.i.l.s16.s32 v2  }
0x53: {  	v7 =	vld [tilespmem:s22+$0xFFFFFE10];
	[tilespmem:s20+$0xFFFFFFD0] =	vst v4;
	v4 =	vpack.i.b32.b16 v8, v10;
	v8 =	vunpack.i.u.s16.s32 v3;
	v3 =	vunpack.i.l.s16.s32 v3  }
0x54: {  	v10 =	vld [tilespmem:s22+$0x10];
	v13 =	vunpack.i.u.s16.s32 v5;
	v5 =	vunpack.i.l.s16.s32 v5;
	[tilespmem:s20+$0x50] =	vst v4;
	v2 =	vpack.i.b32.b16 v3, v2  }
0x55: {  	v3 =	vld [tilespmem:s22+$0xFFFFFE20];
	v4 =	vunpack.i.l.s16.s32 v12;
	v1 =	vpack.i.b32.b16 v1, v5;
	v5 =	vpack.i.b32.b16 v0, v13;
	[tilespmem:s20+$0xFFFFFFE0] =	vst v2  }
0x56: {  	v12 =	vunpack.i.u.s16.s32 v12;
	v2 =	vld [tilespmem:s22+$0x20];
	v13 =	vunpack.i.u.s16.s32 v11;
	v11 =	vunpack.i.l.s16.s32 v11;
	[tilespmem:s20+$0xFFFFFF80] =	vst v1  }
0x57: {  	s20 =	sadd.s32 $0x100, s20;
	v0 =	vunpack.i.u.s16.s32 v9;
	v1 =	vunpack.i.l.s16.s32 v9;
	v9 =	vld [tilespmem:s22+$0xFFFFFE30];
	v12 =	vpack.i.b32.b16 v13, v12;
	[tilespmem:s19+$0x0] =	vst v5  }
0x58: {  	v6 =	vpack.i.b32.b16 v8, v6;
	v5 =	vunpack.i.u.s16.s32 v7;
	v7 =	vunpack.i.l.s16.s32 v7;
	v13 =	vld [tilespmem:s22+$0x30];
	[tilespmem:s20+$0x70] =	vst v12  }
0x59: {  	v4 =	vpack.i.b32.b16 v11, v4;
	v8 =	vunpack.i.u.s16.s32 v10;
	v10 =	vunpack.i.l.s16.s32 v10;
	v12 =	vld [tilespmem:s22+$0xFFFFFE40];
	[tilespmem:s19+$0x60] =	vst v6;
	s19 =	smov.u32 s20  }
0x5a: {  	v6 =	vpack.i.b32.b16 v10, v7;
	v7 =	vunpack.i.u.s16.s32 v3;
	v3 =	vunpack.i.l.s16.s32 v3;
	v11 =	vld [tilespmem:s22+$0x40];
	[tilespmem:s20+$0xFFFFFFF0] =	vst v4  }
.Ltmp4:
0x5b: {  	v5 =	vpack.i.b32.b16 v8, v5;
	[tilespmem:s20+$0xFFFFFF90] =	vst v6;
	v8 =	vunpack.i.u.s16.s32 v2;
	v2 =	vunpack.i.l.s16.s32 v2;
	v4 =	vld [tilespmem:s22+$0xFFFFFE50];
	(pc) =	sbr.rel @p0 .LBB1_5-.Ltmp4, $4  }
0x5c: {  	[tilespmem:s20+$0x10] =	vst v5;
	v2 =	vpack.i.b32.b16 v2, v3;
	v10 =	vunpack.i.u.s16.s32 v9;
	v3 =	vunpack.i.l.s16.s32 v9;
	v6 =	vld [tilespmem:s22+$0x50]  }
0x5d: {  	v5 =	vpack.i.b32.b16 v8, v7;
	[tilespmem:s20+$0xFFFFFFA0] =	vst v2;
	v9 =	vunpack.i.u.s16.s32 v13;
	v7 =	vunpack.i.l.s16.s32 v13;
	v2 =	vld [tilespmem:s22+$0xFFFFFE60]  }
0x5e: {  	[tilespmem:s20+$0x20] =	vst v5;
	v13 =	vpack.i.b32.b16 v7, v3;
	v7 =	vunpack.i.u.s16.s32 v12;
	v8 =	vunpack.i.l.s16.s32 v12;
	v3 =	vld [tilespmem:s22+$0x60]  }
0x5f: {  	v10 =	vpack.i.b32.b16 v9, v10;
	v5 =	vld [tilespmem:s22+$0xFFFFFE00];
	[tilespmem:s20+$0xFFFFFFB0] =	vst v13;
	v9 =	vunpack.i.u.s16.s32 v11;
	v11 =	vunpack.i.l.s16.s32 v11;
	s22 =	sadd.s32 $0x80, s22  }
0x60: {  	[tilespmem:s20+$0x30] =	vst v10;
	v8 =	vpack.i.b32.b16 v11, v8  }
0x61: {  	v51 =	vunpack.i.l.s16.s32 v4;
	v7 =	vpack.i.b32.b16 v9, v7;
	[tilespmem:s20+$0xFFFFFFC0] =	vst v8;
	v52 =	vunpack.i.l.s16.s32 v6  }
0x62: {  	v53 =	vunpack.i.u.s16.s32 v4;
	s18 =	sadd.s32 $0x1, s18;
	v54 =	vunpack.i.u.s16.s32 v6;
	[tilespmem:s20+$0x40] =	vst v7;
	v55 =	vpack.i.b32.b16 v52, v51  }
0x63: {  	p0 =	sne.s32 s18, s15;
	v56 =	vunpack.i.l.s16.s32 v2;
	v4 =	vpack.i.b32.b16 v54, v53;
	[tilespmem:s20+$0xFFFFFFD0] =	vst v55;
	v57 =	vunpack.i.l.s16.s32 v3  }
.Ltmp5:
0x64: {  	[tilespmem:s20+$0x50] =	vst v4;
	v58 =	vunpack.i.l.s16.s32 v5;
	v59 =	vpack.i.b32.b16 v57, v56;
	(pc) =	sbr.rel @p0 .LBB1_4-.Ltmp5, $4  }
.Ltmp6:
0x65: {  	v61 =	vunpack.i.u.s16.s32 v2;
	v62 =	vunpack.i.u.s16.s32 v3;
	v1 =	vpack.i.b32.b16 v1, v58;
	[tilespmem:s20+$0xFFFFFFE0] =	vst v59;
	(pc) =	sbr.rel @!p0 .LBB1_7-.Ltmp6, $4  }
0x66: {  	v60 =	vunpack.i.u.s16.s32 v5;
	v63 =	vpack.i.b32.b16 v62, v61;
	[tilespmem:s20+$0xFFFFFF80] =	vst v1  }
0x67: {  	v0 =	vpack.i.b32.b16 v0, v60;
	[tilespmem:s19+$0x60] =	vst v63  }
0x68: {  	s16 =	sadd.s32 $0x400, s16;
	s17 =	sadd.s32 $0x400, s17;
	[tilespmem:s19+$0x0] =	vst v0  }
0x69: {  	_ = 	snop  }
.LBB1_9:
0x6a: {  	_ =	sfence.sel $0x180000  }
0x6b: {  	s2 =	simm.s32 $0x1;
	[bflag:$0x0] =	sbarrier.arrive $0xFFFF  }
0x6c: {  	s31 =	simm.s32 $0x2;
	[sflag:s2] =	ssyncpa.u1 $0x1  }
0x6d: {  	[sflag:s31] =	ssyncpa.u1 $0x1  }
0x6e: {  	p0 =	sne.s32 s1, $0x0;
	_ =	strace $0x90000047  }
0x6f: {  	s0 =	sadd.s32 @!p0 $0x100000, s0;
	[bflag:$0x2] =	sbarrier.arrive $0xFFFF  }
0x70: {  	[sflag:s0] =	ssyncadd.tile.s32 @!p0 $0x1;
	_ =	shalt  }
.Lfunc_end1:
_tile_overlayer_lowered:
.L_overlay_start_2:
0x71: {  	(tag) =	ssettag $0x2  }
0x72: {  	s0 =	rddreg [dreg:$0x0];
	s2 =	stileid.u32  }
0x73: {  	s1 =	rddreg [dreg:$0x1];
	p0 =	sne.s32 s2, $0x0  }
0x74: {  	s3 =	rddreg [dreg:$0x2];
	[bflag:$0x3] =	sbarrier.arrive $0xFFFF;
	s2 =	simm.s32 @!p0 $0x1C01  }
0x75: {  	[timem:s3], [sflag:s2] =	dma.local @!p0 [hbm:s0], s1  }
0x76: {  	s0 =	simm.s32 @!p0 $0x1  }
0x77: {  	_ =	swait.ge @!p0 [sflag:s0], s1  }
0x78: {  	s1 =	ssub.s32 @!p0 $0x0, s1;
	[sflag:s0] =	ssyncset.done @!p0 $0x0  }
0x79: {  	[sflag:s0] =	ssyncadd.s32 @!p0 s1  }
0x7a: {  	[bflag:$0x3] =	sbarrier.arrive $0xFFFF  }
0x7b: {  	_ =	shalt  }

</sc_bundles>
